<compile_context>
chip_gen: v7x
topology: tpu7x:2x2x1
jax: 0.10.2.dev20260603
libtpu: 0.0.44.dev20260713+nightly
codegen_flags: <defaults>
</compile_context>

<pallas_src>
import functools

import jax
import jax.numpy as jnp
from jax import lax
from jax.experimental import pallas as pl
from jax.experimental.pallas import tpu as pltpu
from jax.experimental.pallas import tpu_sc as plsc

NN = 10000
EE = 320000
NC = 2
NS = 16
NW = NC * NS
BLK = 128
NB = 79
NP = 10112
STRIPE = NP // NS
TRASH = NN

_MESH = plsc.VectorSubcoreMesh(
    core_axis_name="c", subcore_axis_name="s", num_cores=NC, num_subcores=NS)



@functools.cache
def _sc_segment_sum(F):

  def body(g_hbm, srcp_hbm, dstp_hbm, zer_hbm, out_hbm, src_v, dst_v, rows_v,
           sem, acc_sh):
    cid = lax.axis_index("c")
    sid = lax.axis_index("s")
    wid = cid * NS + sid
    r0 = sid * STRIPE
    pltpu.sync_copy(zer_hbm, acc_sh.at[pl.ds(r0, STRIPE)])
    pltpu.sync_copy(srcp_hbm.at[wid], src_v)
    pltpu.sync_copy(dstp_hbm.at[wid], dst_v)
    plsc.subcore_barrier()

    def blk(j, carry):
      pltpu.async_copy(g_hbm.at[src_v.at[j]], rows_v, sem).wait()
      pltpu.sync_copy(rows_v, acc_sh.at[dst_v.at[j]], add=True)
      return carry

    lax.fori_loop(0, NB, blk, 0)
    plsc.subcore_barrier()
    pltpu.sync_copy(acc_sh.at[pl.ds(r0, STRIPE)],
                    out_hbm.at[cid, pl.ds(r0, STRIPE)])

  return pl.kernel(
      body,
      out_type=jax.ShapeDtypeStruct((NC, NP, F), jnp.float32),
      mesh=_MESH,
      compiler_params=pltpu.CompilerParams(use_tc_tiling_on_sc=False),
      scratch_types=[
          pltpu.VMEM((NB, BLK), jnp.int32),
          pltpu.VMEM((NB, BLK), jnp.int32),
          pltpu.VMEM((BLK, F), jnp.float32),
          pltpu.SemaphoreType.DMA,
          pltpu.VMEM_SHARED((NP, F), jnp.float32),
      ],
  )


@functools.cache
def _sc_degree():
  F = 16

  def body(ones_hbm, dstp_hbm, zer_hbm, out_hbm, ones_v, dst_v, sem, acc_sh):
    cid = lax.axis_index("c")
    sid = lax.axis_index("s")
    wid = cid * NS + sid
    r0 = sid * STRIPE
    pltpu.sync_copy(zer_hbm, acc_sh.at[pl.ds(r0, STRIPE)])
    pltpu.sync_copy(ones_hbm, ones_v)
    pltpu.sync_copy(dstp_hbm.at[wid], dst_v)
    plsc.subcore_barrier()

    def blk(j, carry):
      pltpu.sync_copy(ones_v, acc_sh.at[dst_v.at[j]], add=True)
      return carry

    lax.fori_loop(0, NB, blk, 0)
    plsc.subcore_barrier()
    pltpu.sync_copy(acc_sh.at[pl.ds(r0, STRIPE)],
                    out_hbm.at[cid, pl.ds(r0, STRIPE)])

  return pl.kernel(
      body,
      out_type=jax.ShapeDtypeStruct((NC, NP, F), jnp.float32),
      mesh=_MESH,
      compiler_params=pltpu.CompilerParams(use_tc_tiling_on_sc=False),
      scratch_types=[
          pltpu.VMEM((BLK, F), jnp.float32),
          pltpu.VMEM((NB, BLK), jnp.int32),
          pltpu.SemaphoreType.DMA,
          pltpu.VMEM_SHARED((NP, F), jnp.float32),
      ],
  )



_RB = 2000


def _dinv_of(deg_blk):
  return 1.0 / jnp.sqrt(deg_blk[0, :, 0:1] + deg_blk[1, :, 0:1] + 1.0)


def _lin_body(x_ref, w_ref, deg_ref, o_ref):
  d = _dinv_of(deg_ref[...])
  o_ref[...] = d * jnp.dot(
      x_ref[...], w_ref[...], preferred_element_type=jnp.float32)


def _lin(x, w, degp):
  di, do = w.shape
  return pl.pallas_call(
      _lin_body,
      grid=(NN // _RB,),
      in_specs=[
          pl.BlockSpec((_RB, di), lambda k: (k, 0)),
          pl.BlockSpec((di, do), lambda k: (0, 0)),
          pl.BlockSpec((2, _RB, 16), lambda k: (0, k, 0)),
      ],
      out_specs=pl.BlockSpec((_RB, do), lambda k: (k, 0)),
      out_shape=jax.ShapeDtypeStruct((NN, do), jnp.float32),
  )(x, w, degp)


def _combine_body(relu, nxt, s_ref, g_ref, deg_ref, b_ref, *rest):
  d = _dinv_of(deg_ref[...])
  s = s_ref[...]
  h = d * (s[0] + s[1] + g_ref[...]) + b_ref[...]
  if relu:
    h = jnp.maximum(h, 0.0)
  if nxt:
    w_ref, o_ref = rest
    o_ref[...] = d * jnp.dot(h, w_ref[...],
                             preferred_element_type=jnp.float32)
  else:
    (o_ref,) = rest
    o_ref[...] = h


def _combine(s, g, degp, b, w=None, relu=True):
  F = g.shape[1]
  specs = [
      pl.BlockSpec((2, _RB, F), lambda k: (0, k, 0)),
      pl.BlockSpec((_RB, F), lambda k: (k, 0)),
      pl.BlockSpec((2, _RB, 16), lambda k: (0, k, 0)),
      pl.BlockSpec((1, F), lambda k: (0, 0)),
  ]
  args = [s, g, degp, b.reshape(1, F)]
  Fo = F
  if w is not None:
    Fo = w.shape[1]
    specs.append(pl.BlockSpec((F, Fo), lambda k: (0, 0)))
    args.append(w)
  return pl.pallas_call(
      functools.partial(_combine_body, relu, w is not None),
      grid=(NN // _RB,),
      in_specs=specs,
      out_specs=pl.BlockSpec((_RB, Fo), lambda k: (k, 0)),
      out_shape=jax.ShapeDtypeStruct((NN, Fo), jnp.float32),
  )(*args)


_KB = 2000
_CB = 3200


def _enc_body(h_ref, we_ref, be_ref, o_ref, acc_ref):
  k = pl.program_id(0)

  @pl.when(k == 0)
  def _():
    acc_ref[...] = jnp.zeros_like(acc_ref)

  acc_ref[...] += jnp.dot(h_ref[0], we_ref[...],
                          preferred_element_type=jnp.float32)

  @pl.when(k == pl.num_programs(0) - 1)
  def _():
    o_ref[...] = acc_ref[...] + be_ref[...]


def _encoder(h3r, we, be):
  L = we.shape[1]
  return pl.pallas_call(
      _enc_body,
      grid=(h3r.shape[0],),
      in_specs=[
          pl.BlockSpec((1, 1, _KB), lambda k: (k, 0, 0)),
          pl.BlockSpec((_KB, L), lambda k: (k, 0)),
          pl.BlockSpec((1, L), lambda k: (0, 0)),
      ],
      out_specs=pl.BlockSpec((1, L), lambda k: (0, 0)),
      out_shape=jax.ShapeDtypeStruct((1, L), jnp.float32),
      scratch_shapes=[pltpu.VMEM((1, L), jnp.float32)],
  )(h3r, we, be.reshape(1, L))


def _dec_body(z_ref, wd_ref, bd_ref, o_ref):
  o_ref[...] = jnp.dot(z_ref[...], wd_ref[...],
                       preferred_element_type=jnp.float32) + bd_ref[...]


def _decoder(z, wd, bd):
  L, M = wd.shape
  return pl.pallas_call(
      _dec_body,
      grid=(M // _CB,),
      in_specs=[
          pl.BlockSpec((1, L), lambda k: (0, 0)),
          pl.BlockSpec((L, _CB), lambda k: (0, k)),
          pl.BlockSpec((1, _CB), lambda k: (0, k)),
      ],
      out_specs=pl.BlockSpec((1, _CB), lambda k: (0, k)),
      out_shape=jax.ShapeDtypeStruct((1, M), jnp.float32),
  )(z, wd, bd.reshape(1, M))



def kernel(x, edge_index, batch_size, batch_index, W1, b1, W2, b2, W3, b3,
           We, be, Wd, bd, W4, b4, W5, b5, W6, b6):
  f32 = jnp.float32
  pad = NW * NB * BLK - EE
  srcp = jnp.concatenate(
      [edge_index[0], jnp.zeros((pad,), jnp.int32)]).reshape(NW, NB, BLK)
  dstp = jnp.concatenate(
      [edge_index[1], jnp.full((pad,), TRASH, jnp.int32)]).reshape(NW, NB, BLK)

  def seg(g):
    F = g.shape[1]
    return _sc_segment_sum(F)(g, srcp, dstp, jnp.zeros((STRIPE, F), f32))

  degp = _sc_degree()(jnp.ones((BLK, 16), f32), dstp,
                      jnp.zeros((STRIPE, 16), f32))

  g1 = _lin(x, W1, degp)
  g2 = _combine(seg(g1), g1, degp, b1, W2)
  g3 = _combine(seg(g2), g2, degp, b2, W3)
  h3 = _combine(seg(g3), g3, degp, b3, relu=False)

  z = _encoder(h3.reshape(NN * 16 // _KB, 1, _KB), We, be)
  h4f = _decoder(z, Wd, bd)
  h4 = h4f.reshape(NN, 16)

  g4 = _lin(h4, W4, degp)
  g5 = _combine(seg(g4), g4, degp, b4, W5)
  W6p = jnp.concatenate([W6, jnp.zeros((W6.shape[0], 15), f32)], axis=1)
  b6p = jnp.concatenate([b6, jnp.zeros((15,), f32)])
  g6 = _combine(seg(g5), g5, degp, b5, W6p)
  out = _combine(seg(g6), g6, degp, b6p, relu=False)
  return out[:, :1].reshape(1, NN)

# --- scband reference (transcript-rebuilt; emitter-appended) ---
"""Pipeline reference for scband-model3-variant1-2104533975361 (READ-ONLY COPY).

The authoritative reference and input builder live on the scoring server;
editing this copy changes nothing except your own understanding.
"""

import jax, jax.numpy as jnp
import numpy as np

N = 10000
E = 320000
D_IN = 128
EMB = [64, 32, 16, 16, 32, 64]
LATENT = 128


def gcn(x, src, dst, W, b):
    # PyG GCNConv: add self-loops, symmetric normalization D^-1/2 A_hat D^-1/2, linear, bias after aggregation
    deg = jnp.zeros((N,), x.dtype).at[dst].add(1.0)
    dinv = jnp.where(deg > 0, 1.0 / jnp.sqrt(deg), 0.0)
    norm = dinv[src] * dinv[dst]
    h = x @ W
    out = jax.ops.segment_sum(h[src] * norm[:, None], dst, num_segments=N)
    return out + b


def setup_inputs(seed: int = 0):
    key = jax.random.key(seed)
    ks = jax.random.split(key, 24)
    inp = {}
    inp['x'] = jax.random.normal(ks[0], (N, D_IN), jnp.float32)
    inp['edge_index'] = jax.random.randint(ks[1], (2, E), 0, N, dtype=jnp.int32)
    inp['batch_size'] = 1
    inp['batch_index'] = jnp.zeros((N,), jnp.int32)
    dims = [(D_IN, EMB[0]), (EMB[0], EMB[1]), (EMB[1], EMB[2])]
    for i, (di, do) in enumerate(dims):
        inp[f'W{i+1}'] = jax.random.normal(ks[2 + i], (di, do), jnp.float32) * (1.0 / np.sqrt(di))
        inp[f'b{i+1}'] = jnp.zeros((do,), jnp.float32)
    inp['We'] = jax.random.normal(ks[6], (N * EMB[2], LATENT), jnp.float32) * (1.0 / np.sqrt(N * EMB[2]))
    inp['be'] = jnp.zeros((LATENT,), jnp.float32)
    inp['Wd'] = jax.random.normal(ks[7], (LATENT, N * EMB[3]), jnp.float32) * (1.0 / np.sqrt(LATENT))
    inp['bd'] = jnp.zeros((N * EMB[3],), jnp.float32)
    dims2 = [(EMB[3], EMB[4]), (EMB[4], EMB[5]), (EMB[5], 1)]
    for i, (di, do) in enumerate(dims2):
        inp[f'W{i+4}'] = jax.random.normal(ks[8 + i], (di, do), jnp.float32) * (1.0 / np.sqrt(di))
        inp[f'b{i+4}'] = jnp.zeros((do,), jnp.float32)
    return inp


def reference(x, edge_index, batch_size, batch_index, W1, b1, W2, b2, W3, b3, We, be, Wd, bd, W4, b4, W5, b5, W6, b6):
    loop = jnp.arange(N, dtype=edge_index.dtype)
    src = jnp.concatenate([edge_index[0], loop])
    dst = jnp.concatenate([edge_index[1], loop])
    h = jax.nn.relu(gcn(x, src, dst, W1, b1))
    h = jax.nn.relu(gcn(h, src, dst, W2, b2))
    h = gcn(h, src, dst, W3, b3)
    h = h.reshape(-1, N * EMB[2])
    h = h @ We + be
    h = h @ Wd + bd
    h = h.reshape(-1, EMB[3])
    h = jax.nn.relu(gcn(h, src, dst, W4, b4))
    h = jax.nn.relu(gcn(h, src, dst, W5, b5))
    h = gcn(h, src, dst, W6, b6)
    return h.reshape(-1, N)

if __name__ == "__main__":
    import jax
    _d = setup_inputs()
    print(jax.jit(kernel)(*tuple(_d.values())))

</pallas_src>

<mosaic_0001>
#map = affine_map<(d0, d1) -> (0, 0)>
#map1 = affine_map<(d0, d1) -> (0, 0, 0)>
module attributes {stable_mosaic.version = 14 : i64} {
  func.func @body(%arg0: i32, %arg1: i32, %arg2: memref<128x16xf32, #tpu.memory_space<hbm>>, %arg3: memref<32x79x128xi32, #tpu.memory_space<hbm>>, %arg4: memref<632x16xf32, #tpu.memory_space<hbm>>, %arg5: memref<2x10112x16xf32, #tpu.memory_space<hbm>>, %arg6: memref<128x16xf32, #tpu.memory_space<vmem>>, %arg7: memref<79x128xi32, #tpu.memory_space<vmem>>, %arg8: memref<!tpu.dma_semaphore, #tpu.memory_space<semaphore_mem>>, %arg9: memref<10112x16xf32, #tpu.memory_space<vmem_shared>>) attributes {dimension_semantics = [#tpu.dimension_semantics<core_parallel>, #tpu.dimension_semantics<subcore_parallel>], iteration_bounds = array<i64: 2, 16>, scalar_prefetch = 0 : i64, scratch_operands = 4 : i64, tpu.core_type = #tpu.core_type<sc_vector_subcore>, window_params = [{transform_indices = #map}, {transform_indices = #map1}, {transform_indices = #map}, {transform_indices = #map1}]} {
    %mul3A = arith.constant 16 : i32
    %mul3A_0 = arith.muli %arg0, %mul3A : i32
    %add3A = arith.addi %mul3A_0, %arg1 : i32
    %mul3A_1 = arith.constant 632 : i32
    %mul3A_2 = arith.muli %arg1, %mul3A_1 : i32
    "tpu.region"() ({
      %run_scoped3A = tpu.sem_alloc : memref<!tpu.dma_semaphore, #tpu.memory_space<semaphore_mem>>
      %dma_start3A = arith.constant 0 : i32
      %dma_start3A_9 = tpu.memref_slice %arg9[%mul3A_2, %dma_start3A] : memref<10112x16xf32, #tpu.memory_space<vmem_shared>> -> memref<632x16xf32, #tpu.memory_space<vmem_shared>>
      tpu.enqueue_dma source(%arg4 : memref<632x16xf32, #tpu.memory_space<hbm>>) target(%dma_start3A_9 : memref<632x16xf32, #tpu.memory_space<vmem_shared>>) target_semaphore(%run_scoped3A : memref<!tpu.dma_semaphore, #tpu.memory_space<semaphore_mem>>)
      %dma_wait3A = arith.constant 0 : i32
      %dma_wait3A_10 = tpu.memref_slice %arg9[%mul3A_2, %dma_wait3A] : memref<10112x16xf32, #tpu.memory_space<vmem_shared>> -> memref<632x16xf32, #tpu.memory_space<vmem_shared>>
      tpu.wait_dma2 semaphore(%run_scoped3A : memref<!tpu.dma_semaphore, #tpu.memory_space<semaphore_mem>>) src(%arg4 : memref<632x16xf32, #tpu.memory_space<hbm>>) dst(%dma_wait3A_10 : memref<632x16xf32, #tpu.memory_space<vmem_shared>>)
      tpu.yield
    }) : () -> ()
    "tpu.region"() ({
      %run_scoped3A = tpu.sem_alloc : memref<!tpu.dma_semaphore, #tpu.memory_space<semaphore_mem>>
      tpu.enqueue_dma source(%arg2 : memref<128x16xf32, #tpu.memory_space<hbm>>) target(%arg6 : memref<128x16xf32, #tpu.memory_space<vmem>>) target_semaphore(%run_scoped3A : memref<!tpu.dma_semaphore, #tpu.memory_space<semaphore_mem>>)
      tpu.wait_dma2 semaphore(%run_scoped3A : memref<!tpu.dma_semaphore, #tpu.memory_space<semaphore_mem>>) src(%arg2 : memref<128x16xf32, #tpu.memory_space<hbm>>) dst(%arg6 : memref<128x16xf32, #tpu.memory_space<vmem>>)
      tpu.yield
    }) : () -> ()
    "tpu.region"() ({
      %run_scoped3A = tpu.sem_alloc : memref<!tpu.dma_semaphore, #tpu.memory_space<semaphore_mem>>
      %dma_start3A = arith.constant 0 : i32
      %dma_start3A_9 = arith.constant 0 : i32
      %dma_start3A_10 = tpu.memref_slice %arg3[%add3A, %dma_start3A, %dma_start3A_9] : memref<32x79x128xi32, #tpu.memory_space<hbm>> -> memref<1x79x128xi32, #tpu.memory_space<hbm>>
      %dma_start3A_11 = tpu.memref_squeeze %dma_start3A_10 : memref<1x79x128xi32, #tpu.memory_space<hbm>> -> memref<79x128xi32, #tpu.memory_space<hbm>>
      %dma_start3A_12 = arith.constant 0 : i32
      %dma_start3A_13 = arith.constant 0 : i32
      %dma_start3A_14 = tpu.memref_slice %arg3[%add3A, %dma_start3A_12, %dma_start3A_13] : memref<32x79x128xi32, #tpu.memory_space<hbm>> -> memref<1x79x128xi32, #tpu.memory_space<hbm>>
      %dma_start3A_15 = tpu.memref_squeeze %dma_start3A_14 : memref<1x79x128xi32, #tpu.memory_space<hbm>> -> memref<79x128xi32, #tpu.memory_space<hbm>>
      tpu.enqueue_dma source(%dma_start3A_15 : memref<79x128xi32, #tpu.memory_space<hbm>>) target(%arg7 : memref<79x128xi32, #tpu.memory_space<vmem>>) target_semaphore(%run_scoped3A : memref<!tpu.dma_semaphore, #tpu.memory_space<semaphore_mem>>)
      %dma_wait3A = arith.constant 0 : i32
      %dma_wait3A_16 = arith.constant 0 : i32
      %dma_wait3A_17 = tpu.memref_slice %arg3[%add3A, %dma_wait3A, %dma_wait3A_16] : memref<32x79x128xi32, #tpu.memory_space<hbm>> -> memref<1x79x128xi32, #tpu.memory_space<hbm>>
      %dma_wait3A_18 = tpu.memref_squeeze %dma_wait3A_17 : memref<1x79x128xi32, #tpu.memory_space<hbm>> -> memref<79x128xi32, #tpu.memory_space<hbm>>
      %dma_wait3A_19 = arith.constant 0 : i32
      %dma_wait3A_20 = arith.constant 0 : i32
      %dma_wait3A_21 = tpu.memref_slice %arg3[%add3A, %dma_wait3A_19, %dma_wait3A_20] : memref<32x79x128xi32, #tpu.memory_space<hbm>> -> memref<1x79x128xi32, #tpu.memory_space<hbm>>
      %dma_wait3A_22 = tpu.memref_squeeze %dma_wait3A_21 : memref<1x79x128xi32, #tpu.memory_space<hbm>> -> memref<79x128xi32, #tpu.memory_space<hbm>>
      tpu.wait_dma2 semaphore(%run_scoped3A : memref<!tpu.dma_semaphore, #tpu.memory_space<semaphore_mem>>) src(%dma_wait3A_22 : memref<79x128xi32, #tpu.memory_space<hbm>>) dst(%arg7 : memref<79x128xi32, #tpu.memory_space<vmem>>)
      tpu.yield
    }) : () -> ()
    %barrier3A = arith.constant 0 : index
    tpu.barrier barrier_id(%barrier3A)
    %scan3A = arith.constant 0 : i32
    %scan3A_3 = arith.constant 0 : i32
    %scan3A_4 = arith.constant 79 : i32
    %scan3A_5 = arith.addi %scan3A_3, %scan3A_4 : i32
    %scan3A_6 = arith.constant 1 : i32
    scf.for %scan3A_9 = %scan3A_3 to %scan3A_5 step %scan3A_6  : i32 {
      "tpu.region"() ({
        %run_scoped3A = tpu.sem_alloc : memref<!tpu.dma_semaphore, #tpu.memory_space<semaphore_mem>>
        %dma_start3A = arith.constant 0 : i32
        %dma_start3A_10 = tpu.memref_slice %arg7[%scan3A_9, %dma_start3A] : memref<79x128xi32, #tpu.memory_space<vmem>> -> memref<1x128xi32, #tpu.memory_space<vmem>>
        %dma_start3A_11 = tpu.memref_squeeze %dma_start3A_10 : memref<1x128xi32, #tpu.memory_space<vmem>> -> memref<128xi32, #tpu.memory_space<vmem>>
        %dma_start3A_12 = arith.constant 0 : i32
        %dma_start3A_13 = arith.constant 0 : i32
        %dma_start3A_14 = tpu.memref_slice %arg9[%dma_start3A_12, %dma_start3A_13] : memref<10112x16xf32, #tpu.memory_space<vmem_shared>> -> memref<10112x16xf32, #tpu.memory_space<vmem_shared>>
        tpu.enqueue_indirect_dma source(%arg6 : memref<128x16xf32, #tpu.memory_space<vmem>>) target(%dma_start3A_14 : memref<10112x16xf32, #tpu.memory_space<vmem_shared>>) offsets(%dma_start3A_11 : memref<128xi32, #tpu.memory_space<vmem>>) semaphore(%run_scoped3A : memref<!tpu.dma_semaphore, #tpu.memory_space<semaphore_mem>>) {add = true}
        %dma_wait3A = arith.constant 0 : i32
        %dma_wait3A_15 = tpu.memref_slice %arg7[%scan3A_9, %dma_wait3A] : memref<79x128xi32, #tpu.memory_space<vmem>> -> memref<1x128xi32, #tpu.memory_space<vmem>>
        %dma_wait3A_16 = tpu.memref_squeeze %dma_wait3A_15 : memref<1x128xi32, #tpu.memory_space<vmem>> -> memref<128xi32, #tpu.memory_space<vmem>>
        %dma_wait3A_17 = arith.constant 0 : i32
        %dma_wait3A_18 = arith.constant 0 : i32
        %dma_wait3A_19 = tpu.memref_slice %arg9[%dma_wait3A_17, %dma_wait3A_18] : memref<10112x16xf32, #tpu.memory_space<vmem_shared>> -> memref<10112x16xf32, #tpu.memory_space<vmem_shared>>
        tpu.wait_indirect_dma semaphore(%run_scoped3A : memref<!tpu.dma_semaphore, #tpu.memory_space<semaphore_mem>>) src(%arg6 : memref<128x16xf32, #tpu.memory_space<vmem>>) dst(%dma_wait3A_19 : memref<10112x16xf32, #tpu.memory_space<vmem_shared>>)
        tpu.yield
      }) : () -> ()
    }
    %scan3A_7 = arith.constant 79 : i32
    %barrier3A_8 = arith.constant 0 : index
    tpu.barrier barrier_id(%barrier3A_8)
    "tpu.region"() ({
      %run_scoped3A = tpu.sem_alloc : memref<!tpu.dma_semaphore, #tpu.memory_space<semaphore_mem>>
      %dma_start3A = arith.constant 0 : i32
      %dma_start3A_9 = tpu.memref_slice %arg5[%arg0, %mul3A_2, %dma_start3A] : memref<2x10112x16xf32, #tpu.memory_space<hbm>> -> memref<1x632x16xf32, #tpu.memory_space<hbm>>
      %dma_start3A_10 = tpu.memref_squeeze %dma_start3A_9 : memref<1x632x16xf32, #tpu.memory_space<hbm>> -> memref<632x16xf32, #tpu.memory_space<hbm>>
      %dma_start3A_11 = arith.constant 0 : i32
      %dma_start3A_12 = tpu.memref_slice %arg9[%mul3A_2, %dma_start3A_11] : memref<10112x16xf32, #tpu.memory_space<vmem_shared>> -> memref<632x16xf32, #tpu.memory_space<vmem_shared>>
      tpu.enqueue_dma source(%dma_start3A_12 : memref<632x16xf32, #tpu.memory_space<vmem_shared>>) target(%dma_start3A_10 : memref<632x16xf32, #tpu.memory_space<hbm>>) target_semaphore(%run_scoped3A : memref<!tpu.dma_semaphore, #tpu.memory_space<semaphore_mem>>)
      %dma_wait3A = arith.constant 0 : i32
      %dma_wait3A_13 = tpu.memref_slice %arg5[%arg0, %mul3A_2, %dma_wait3A] : memref<2x10112x16xf32, #tpu.memory_space<hbm>> -> memref<1x632x16xf32, #tpu.memory_space<hbm>>
      %dma_wait3A_14 = tpu.memref_squeeze %dma_wait3A_13 : memref<1x632x16xf32, #tpu.memory_space<hbm>> -> memref<632x16xf32, #tpu.memory_space<hbm>>
      %dma_wait3A_15 = arith.constant 0 : i32
      %dma_wait3A_16 = tpu.memref_slice %arg9[%mul3A_2, %dma_wait3A_15] : memref<10112x16xf32, #tpu.memory_space<vmem_shared>> -> memref<632x16xf32, #tpu.memory_space<vmem_shared>>
      tpu.wait_dma2 semaphore(%run_scoped3A : memref<!tpu.dma_semaphore, #tpu.memory_space<semaphore_mem>>) src(%dma_wait3A_16 : memref<632x16xf32, #tpu.memory_space<vmem_shared>>) dst(%dma_wait3A_14 : memref<632x16xf32, #tpu.memory_space<hbm>>)
      tpu.yield
    }) : () -> ()
    return
  }
}

#map = affine_map<(d0, d1) -> (0, 0)>
#map1 = affine_map<(d0, d1) -> (0, 0, 0)>
module attributes {stable_mosaic.version = 14 : i64} {
  func.func @body(%arg0: i32, %arg1: i32, %arg2: memref<10000x16xf32, #tpu.memory_space<hbm>>, %arg3: memref<32x79x128xi32, #tpu.memory_space<hbm>>, %arg4: memref<32x79x128xi32, #tpu.memory_space<hbm>>, %arg5: memref<632x16xf32, #tpu.memory_space<hbm>>, %arg6: memref<2x10112x16xf32, #tpu.memory_space<hbm>>, %arg7: memref<79x128xi32, #tpu.memory_space<vmem>>, %arg8: memref<79x128xi32, #tpu.memory_space<vmem>>, %arg9: memref<128x16xf32, #tpu.memory_space<vmem>>, %arg10: memref<!tpu.dma_semaphore, #tpu.memory_space<semaphore_mem>>, %arg11: memref<10112x16xf32, #tpu.memory_space<vmem_shared>>) attributes {dimension_semantics = [#tpu.dimension_semantics<core_parallel>, #tpu.dimension_semantics<subcore_parallel>], iteration_bounds = array<i64: 2, 16>, scalar_prefetch = 0 : i64, scratch_operands = 5 : i64, tpu.core_type = #tpu.core_type<sc_vector_subcore>, window_params = [{transform_indices = #map}, {transform_indices = #map1}, {transform_indices = #map1}, {transform_indices = #map}, {transform_indices = #map1}]} {
    %mul3A = arith.constant 16 : i32
    %mul3A_0 = arith.muli %arg0, %mul3A : i32
    %add3A = arith.addi %mul3A_0, %arg1 : i32
    %mul3A_1 = arith.constant 632 : i32
    %mul3A_2 = arith.muli %arg1, %mul3A_1 : i32
    "tpu.region"() ({
      %run_scoped3A = tpu.sem_alloc : memref<!tpu.dma_semaphore, #tpu.memory_space<semaphore_mem>>
      %dma_start3A = arith.constant 0 : i32
      %dma_start3A_9 = tpu.memref_slice %arg11[%mul3A_2, %dma_start3A] : memref<10112x16xf32, #tpu.memory_space<vmem_shared>> -> memref<632x16xf32, #tpu.memory_space<vmem_shared>>
      tpu.enqueue_dma source(%arg5 : memref<632x16xf32, #tpu.memory_space<hbm>>) target(%dma_start3A_9 : memref<632x16xf32, #tpu.memory_space<vmem_shared>>) target_semaphore(%run_scoped3A : memref<!tpu.dma_semaphore, #tpu.memory_space<semaphore_mem>>)
      %dma_wait3A = arith.constant 0 : i32
      %dma_wait3A_10 = tpu.memref_slice %arg11[%mul3A_2, %dma_wait3A] : memref<10112x16xf32, #tpu.memory_space<vmem_shared>> -> memref<632x16xf32, #tpu.memory_space<vmem_shared>>
      tpu.wait_dma2 semaphore(%run_scoped3A : memref<!tpu.dma_semaphore, #tpu.memory_space<semaphore_mem>>) src(%arg5 : memref<632x16xf32, #tpu.memory_space<hbm>>) dst(%dma_wait3A_10 : memref<632x16xf32, #tpu.memory_space<vmem_shared>>)
      tpu.yield
    }) : () -> ()
    "tpu.region"() ({
      %run_scoped3A = tpu.sem_alloc : memref<!tpu.dma_semaphore, #tpu.memory_space<semaphore_mem>>
      %dma_start3A = arith.constant 0 : i32
      %dma_start3A_9 = arith.constant 0 : i32
      %dma_start3A_10 = tpu.memref_slice %arg3[%add3A, %dma_start3A, %dma_start3A_9] : memref<32x79x128xi32, #tpu.memory_space<hbm>> -> memref<1x79x128xi32, #tpu.memory_space<hbm>>
      %dma_start3A_11 = tpu.memref_squeeze %dma_start3A_10 : memref<1x79x128xi32, #tpu.memory_space<hbm>> -> memref<79x128xi32, #tpu.memory_space<hbm>>
      %dma_start3A_12 = arith.constant 0 : i32
      %dma_start3A_13 = arith.constant 0 : i32
      %dma_start3A_14 = tpu.memref_slice %arg3[%add3A, %dma_start3A_12, %dma_start3A_13] : memref<32x79x128xi32, #tpu.memory_space<hbm>> -> memref<1x79x128xi32, #tpu.memory_space<hbm>>
      %dma_start3A_15 = tpu.memref_squeeze %dma_start3A_14 : memref<1x79x128xi32, #tpu.memory_space<hbm>> -> memref<79x128xi32, #tpu.memory_space<hbm>>
      tpu.enqueue_dma source(%dma_start3A_15 : memref<79x128xi32, #tpu.memory_space<hbm>>) target(%arg7 : memref<79x128xi32, #tpu.memory_space<vmem>>) target_semaphore(%run_scoped3A : memref<!tpu.dma_semaphore, #tpu.memory_space<semaphore_mem>>)
      %dma_wait3A = arith.constant 0 : i32
      %dma_wait3A_16 = arith.constant 0 : i32
      %dma_wait3A_17 = tpu.memref_slice %arg3[%add3A, %dma_wait3A, %dma_wait3A_16] : memref<32x79x128xi32, #tpu.memory_space<hbm>> -> memref<1x79x128xi32, #tpu.memory_space<hbm>>
      %dma_wait3A_18 = tpu.memref_squeeze %dma_wait3A_17 : memref<1x79x128xi32, #tpu.memory_space<hbm>> -> memref<79x128xi32, #tpu.memory_space<hbm>>
      %dma_wait3A_19 = arith.constant 0 : i32
      %dma_wait3A_20 = arith.constant 0 : i32
      %dma_wait3A_21 = tpu.memref_slice %arg3[%add3A, %dma_wait3A_19, %dma_wait3A_20] : memref<32x79x128xi32, #tpu.memory_space<hbm>> -> memref<1x79x128xi32, #tpu.memory_space<hbm>>
      %dma_wait3A_22 = tpu.memref_squeeze %dma_wait3A_21 : memref<1x79x128xi32, #tpu.memory_space<hbm>> -> memref<79x128xi32, #tpu.memory_space<hbm>>
      tpu.wait_dma2 semaphore(%run_scoped3A : memref<!tpu.dma_semaphore, #tpu.memory_space<semaphore_mem>>) src(%dma_wait3A_22 : memref<79x128xi32, #tpu.memory_space<hbm>>) dst(%arg7 : memref<79x128xi32, #tpu.memory_space<vmem>>)
      tpu.yield
    }) : () -> ()
    "tpu.region"() ({
      %run_scoped3A = tpu.sem_alloc : memref<!tpu.dma_semaphore, #tpu.memory_space<semaphore_mem>>
      %dma_start3A = arith.constant 0 : i32
      %dma_start3A_9 = arith.constant 0 : i32
      %dma_start3A_10 = tpu.memref_slice %arg4[%add3A, %dma_start3A, %dma_start3A_9] : memref<32x79x128xi32, #tpu.memory_space<hbm>> -> memref<1x79x128xi32, #tpu.memory_space<hbm>>
      %dma_start3A_11 = tpu.memref_squeeze %dma_start3A_10 : memref<1x79x128xi32, #tpu.memory_space<hbm>> -> memref<79x128xi32, #tpu.memory_space<hbm>>
      %dma_start3A_12 = arith.constant 0 : i32
      %dma_start3A_13 = arith.constant 0 : i32
      %dma_start3A_14 = tpu.memref_slice %arg4[%add3A, %dma_start3A_12, %dma_start3A_13] : memref<32x79x128xi32, #tpu.memory_space<hbm>> -> memref<1x79x128xi32, #tpu.memory_space<hbm>>
      %dma_start3A_15 = tpu.memref_squeeze %dma_start3A_14 : memref<1x79x128xi32, #tpu.memory_space<hbm>> -> memref<79x128xi32, #tpu.memory_space<hbm>>
      tpu.enqueue_dma source(%dma_start3A_15 : memref<79x128xi32, #tpu.memory_space<hbm>>) target(%arg8 : memref<79x128xi32, #tpu.memory_space<vmem>>) target_semaphore(%run_scoped3A : memref<!tpu.dma_semaphore, #tpu.memory_space<semaphore_mem>>)
      %dma_wait3A = arith.constant 0 : i32
      %dma_wait3A_16 = arith.constant 0 : i32
      %dma_wait3A_17 = tpu.memref_slice %arg4[%add3A, %dma_wait3A, %dma_wait3A_16] : memref<32x79x128xi32, #tpu.memory_space<hbm>> -> memref<1x79x128xi32, #tpu.memory_space<hbm>>
      %dma_wait3A_18 = tpu.memref_squeeze %dma_wait3A_17 : memref<1x79x128xi32, #tpu.memory_space<hbm>> -> memref<79x128xi32, #tpu.memory_space<hbm>>
      %dma_wait3A_19 = arith.constant 0 : i32
      %dma_wait3A_20 = arith.constant 0 : i32
      %dma_wait3A_21 = tpu.memref_slice %arg4[%add3A, %dma_wait3A_19, %dma_wait3A_20] : memref<32x79x128xi32, #tpu.memory_space<hbm>> -> memref<1x79x128xi32, #tpu.memory_space<hbm>>
      %dma_wait3A_22 = tpu.memref_squeeze %dma_wait3A_21 : memref<1x79x128xi32, #tpu.memory_space<hbm>> -> memref<79x128xi32, #tpu.memory_space<hbm>>
      tpu.wait_dma2 semaphore(%run_scoped3A : memref<!tpu.dma_semaphore, #tpu.memory_space<semaphore_mem>>) src(%dma_wait3A_22 : memref<79x128xi32, #tpu.memory_space<hbm>>) dst(%arg8 : memref<79x128xi32, #tpu.memory_space<vmem>>)
      tpu.yield
    }) : () -> ()
    %barrier3A = arith.constant 0 : index
    tpu.barrier barrier_id(%barrier3A)
    %scan3A = arith.constant 0 : i32
    %scan3A_3 = arith.constant 0 : i32
    %scan3A_4 = arith.constant 79 : i32
    %scan3A_5 = arith.addi %scan3A_3, %scan3A_4 : i32
    %scan3A_6 = arith.constant 1 : i32
    scf.for %scan3A_9 = %scan3A_3 to %scan3A_5 step %scan3A_6  : i32 {
      %dma_start3A = arith.constant 0 : i32
      %dma_start3A_10 = tpu.memref_slice %arg7[%scan3A_9, %dma_start3A] : memref<79x128xi32, #tpu.memory_space<vmem>> -> memref<1x128xi32, #tpu.memory_space<vmem>>
      %dma_start3A_11 = tpu.memref_squeeze %dma_start3A_10 : memref<1x128xi32, #tpu.memory_space<vmem>> -> memref<128xi32, #tpu.memory_space<vmem>>
      %dma_start3A_12 = arith.constant 0 : i32
      %dma_start3A_13 = arith.constant 0 : i32
      %dma_start3A_14 = tpu.memref_slice %arg2[%dma_start3A_12, %dma_start3A_13] : memref<10000x16xf32, #tpu.memory_space<hbm>> -> memref<10000x16xf32, #tpu.memory_space<hbm>>
      tpu.enqueue_indirect_dma source(%dma_start3A_14 : memref<10000x16xf32, #tpu.memory_space<hbm>>) target(%arg9 : memref<128x16xf32, #tpu.memory_space<vmem>>) offsets(%dma_start3A_11 : memref<128xi32, #tpu.memory_space<vmem>>) semaphore(%arg10 : memref<!tpu.dma_semaphore, #tpu.memory_space<semaphore_mem>>)
      %dma_wait3A = arith.constant 0 : i32
      %dma_wait3A_15 = tpu.memref_slice %arg7[%scan3A_9, %dma_wait3A] : memref<79x128xi32, #tpu.memory_space<vmem>> -> memref<1x128xi32, #tpu.memory_space<vmem>>
      %dma_wait3A_16 = tpu.memref_squeeze %dma_wait3A_15 : memref<1x128xi32, #tpu.memory_space<vmem>> -> memref<128xi32, #tpu.memory_space<vmem>>
      %dma_wait3A_17 = arith.constant 0 : i32
      %dma_wait3A_18 = arith.constant 0 : i32
      %dma_wait3A_19 = tpu.memref_slice %arg2[%dma_wait3A_17, %dma_wait3A_18] : memref<10000x16xf32, #tpu.memory_space<hbm>> -> memref<10000x16xf32, #tpu.memory_space<hbm>>
      tpu.wait_indirect_dma semaphore(%arg10 : memref<!tpu.dma_semaphore, #tpu.memory_space<semaphore_mem>>) src(%dma_wait3A_19 : memref<10000x16xf32, #tpu.memory_space<hbm>>) dst(%arg9 : memref<128x16xf32, #tpu.memory_space<vmem>>)
      "tpu.region"() ({
        %run_scoped3A = tpu.sem_alloc : memref<!tpu.dma_semaphore, #tpu.memory_space<semaphore_mem>>
        %dma_start3A_20 = arith.constant 0 : i32
        %dma_start3A_21 = tpu.memref_slice %arg8[%scan3A_9, %dma_start3A_20] : memref<79x128xi32, #tpu.memory_space<vmem>> -> memref<1x128xi32, #tpu.memory_space<vmem>>
        %dma_start3A_22 = tpu.memref_squeeze %dma_start3A_21 : memref<1x128xi32, #tpu.memory_space<vmem>> -> memref<128xi32, #tpu.memory_space<vmem>>
        %dma_start3A_23 = arith.constant 0 : i32
        %dma_start3A_24 = arith.constant 0 : i32
        %dma_start3A_25 = tpu.memref_slice %arg11[%dma_start3A_23, %dma_start3A_24] : memref<10112x16xf32, #tpu.memory_space<vmem_shared>> -> memref<10112x16xf32, #tpu.memory_space<vmem_shared>>
        tpu.enqueue_indirect_dma source(%arg9 : memref<128x16xf32, #tpu.memory_space<vmem>>) target(%dma_start3A_25 : memref<10112x16xf32, #tpu.memory_space<vmem_shared>>) offsets(%dma_start3A_22 : memref<128xi32, #tpu.memory_space<vmem>>) semaphore(%run_scoped3A : memref<!tpu.dma_semaphore, #tpu.memory_space<semaphore_mem>>) {add = true}
        %dma_wait3A_26 = arith.constant 0 : i32
        %dma_wait3A_27 = tpu.memref_slice %arg8[%scan3A_9, %dma_wait3A_26] : memref<79x128xi32, #tpu.memory_space<vmem>> -> memref<1x128xi32, #tpu.memory_space<vmem>>
        %dma_wait3A_28 = tpu.memref_squeeze %dma_wait3A_27 : memref<1x128xi32, #tpu.memory_space<vmem>> -> memref<128xi32, #tpu.memory_space<vmem>>
        %dma_wait3A_29 = arith.constant 0 : i32
        %dma_wait3A_30 = arith.constant 0 : i32
        %dma_wait3A_31 = tpu.memref_slice %arg11[%dma_wait3A_29, %dma_wait3A_30] : memref<10112x16xf32, #tpu.memory_space<vmem_shared>> -> memref<10112x16xf32, #tpu.memory_space<vmem_shared>>
        tpu.wait_indirect_dma semaphore(%run_scoped3A : memref<!tpu.dma_semaphore, #tpu.memory_space<semaphore_mem>>) src(%arg9 : memref<128x16xf32, #tpu.memory_space<vmem>>) dst(%dma_wait3A_31 : memref<10112x16xf32, #tpu.memory_space<vmem_shared>>)
        tpu.yield
      }) : () -> ()
    }
    %scan3A_7 = arith.constant 79 : i32
    %barrier3A_8 = arith.constant 0 : index
    tpu.barrier barrier_id(%barrier3A_8)
    "tpu.region"() ({
      %run_scoped3A = tpu.sem_alloc : memref<!tpu.dma_semaphore, #tpu.memory_space<semaphore_mem>>
      %dma_start3A = arith.constant 0 : i32
      %dma_start3A_9 = tpu.memref_slice %arg6[%arg0, %mul3A_2, %dma_start3A] : memref<2x10112x16xf32, #tpu.memory_space<hbm>> -> memref<1x632x16xf32, #tpu.memory_space<hbm>>
      %dma_start3A_10 = tpu.memref_squeeze %dma_start3A_9 : memref<1x632x16xf32, #tpu.memory_space<hbm>> -> memref<632x16xf32, #tpu.memory_space<hbm>>
      %dma_start3A_11 = arith.constant 0 : i32
      %dma_start3A_12 = tpu.memref_slice %arg11[%mul3A_2, %dma_start3A_11] : memref<10112x16xf32, #tpu.memory_space<vmem_shared>> -> memref<632x16xf32, #tpu.memory_space<vmem_shared>>
      tpu.enqueue_dma source(%dma_start3A_12 : memref<632x16xf32, #tpu.memory_space<vmem_shared>>) target(%dma_start3A_10 : memref<632x16xf32, #tpu.memory_space<hbm>>) target_semaphore(%run_scoped3A : memref<!tpu.dma_semaphore, #tpu.memory_space<semaphore_mem>>)
      %dma_wait3A = arith.constant 0 : i32
      %dma_wait3A_13 = tpu.memref_slice %arg6[%arg0, %mul3A_2, %dma_wait3A] : memref<2x10112x16xf32, #tpu.memory_space<hbm>> -> memref<1x632x16xf32, #tpu.memory_space<hbm>>
      %dma_wait3A_14 = tpu.memref_squeeze %dma_wait3A_13 : memref<1x632x16xf32, #tpu.memory_space<hbm>> -> memref<632x16xf32, #tpu.memory_space<hbm>>
      %dma_wait3A_15 = arith.constant 0 : i32
      %dma_wait3A_16 = tpu.memref_slice %arg11[%mul3A_2, %dma_wait3A_15] : memref<10112x16xf32, #tpu.memory_space<vmem_shared>> -> memref<632x16xf32, #tpu.memory_space<vmem_shared>>
      tpu.wait_dma2 semaphore(%run_scoped3A : memref<!tpu.dma_semaphore, #tpu.memory_space<semaphore_mem>>) src(%dma_wait3A_16 : memref<632x16xf32, #tpu.memory_space<vmem_shared>>) dst(%dma_wait3A_14 : memref<632x16xf32, #tpu.memory_space<hbm>>)
      tpu.yield
    }) : () -> ()
    return
  }
}

#map = affine_map<(d0, d1) -> (0, 0)>
#map1 = affine_map<(d0, d1) -> (0, 0, 0)>
module attributes {stable_mosaic.version = 14 : i64} {
  func.func @body(%arg0: i32, %arg1: i32, %arg2: memref<10000x64xf32, #tpu.memory_space<hbm>>, %arg3: memref<32x79x128xi32, #tpu.memory_space<hbm>>, %arg4: memref<32x79x128xi32, #tpu.memory_space<hbm>>, %arg5: memref<632x64xf32, #tpu.memory_space<hbm>>, %arg6: memref<2x10112x64xf32, #tpu.memory_space<hbm>>, %arg7: memref<79x128xi32, #tpu.memory_space<vmem>>, %arg8: memref<79x128xi32, #tpu.memory_space<vmem>>, %arg9: memref<128x64xf32, #tpu.memory_space<vmem>>, %arg10: memref<!tpu.dma_semaphore, #tpu.memory_space<semaphore_mem>>, %arg11: memref<10112x64xf32, #tpu.memory_space<vmem_shared>>) attributes {dimension_semantics = [#tpu.dimension_semantics<core_parallel>, #tpu.dimension_semantics<subcore_parallel>], iteration_bounds = array<i64: 2, 16>, scalar_prefetch = 0 : i64, scratch_operands = 5 : i64, tpu.core_type = #tpu.core_type<sc_vector_subcore>, window_params = [{transform_indices = #map}, {transform_indices = #map1}, {transform_indices = #map1}, {transform_indices = #map}, {transform_indices = #map1}]} {
    %mul3A = arith.constant 16 : i32
    %mul3A_0 = arith.muli %arg0, %mul3A : i32
    %add3A = arith.addi %mul3A_0, %arg1 : i32
    %mul3A_1 = arith.constant 632 : i32
    %mul3A_2 = arith.muli %arg1, %mul3A_1 : i32
    "tpu.region"() ({
      %run_scoped3A = tpu.sem_alloc : memref<!tpu.dma_semaphore, #tpu.memory_space<semaphore_mem>>
      %dma_start3A = arith.constant 0 : i32
      %dma_start3A_9 = tpu.memref_slice %arg11[%mul3A_2, %dma_start3A] : memref<10112x64xf32, #tpu.memory_space<vmem_shared>> -> memref<632x64xf32, #tpu.memory_space<vmem_shared>>
      tpu.enqueue_dma source(%arg5 : memref<632x64xf32, #tpu.memory_space<hbm>>) target(%dma_start3A_9 : memref<632x64xf32, #tpu.memory_space<vmem_shared>>) target_semaphore(%run_scoped3A : memref<!tpu.dma_semaphore, #tpu.memory_space<semaphore_mem>>)
      %dma_wait3A = arith.constant 0 : i32
      %dma_wait3A_10 = tpu.memref_slice %arg11[%mul3A_2, %dma_wait3A] : memref<10112x64xf32, #tpu.memory_space<vmem_shared>> -> memref<632x64xf32, #tpu.memory_space<vmem_shared>>
      tpu.wait_dma2 semaphore(%run_scoped3A : memref<!tpu.dma_semaphore, #tpu.memory_space<semaphore_mem>>) src(%arg5 : memref<632x64xf32, #tpu.memory_space<hbm>>) dst(%dma_wait3A_10 : memref<632x64xf32, #tpu.memory_space<vmem_shared>>)
      tpu.yield
    }) : () -> ()
    "tpu.region"() ({
      %run_scoped3A = tpu.sem_alloc : memref<!tpu.dma_semaphore, #tpu.memory_space<semaphore_mem>>
      %dma_start3A = arith.constant 0 : i32
      %dma_start3A_9 = arith.constant 0 : i32
      %dma_start3A_10 = tpu.memref_slice %arg3[%add3A, %dma_start3A, %dma_start3A_9] : memref<32x79x128xi32, #tpu.memory_space<hbm>> -> memref<1x79x128xi32, #tpu.memory_space<hbm>>
      %dma_start3A_11 = tpu.memref_squeeze %dma_start3A_10 : memref<1x79x128xi32, #tpu.memory_space<hbm>> -> memref<79x128xi32, #tpu.memory_space<hbm>>
      %dma_start3A_12 = arith.constant 0 : i32
      %dma_start3A_13 = arith.constant 0 : i32
      %dma_start3A_14 = tpu.memref_slice %arg3[%add3A, %dma_start3A_12, %dma_start3A_13] : memref<32x79x128xi32, #tpu.memory_space<hbm>> -> memref<1x79x128xi32, #tpu.memory_space<hbm>>
      %dma_start3A_15 = tpu.memref_squeeze %dma_start3A_14 : memref<1x79x128xi32, #tpu.memory_space<hbm>> -> memref<79x128xi32, #tpu.memory_space<hbm>>
      tpu.enqueue_dma source(%dma_start3A_15 : memref<79x128xi32, #tpu.memory_space<hbm>>) target(%arg7 : memref<79x128xi32, #tpu.memory_space<vmem>>) target_semaphore(%run_scoped3A : memref<!tpu.dma_semaphore, #tpu.memory_space<semaphore_mem>>)
      %dma_wait3A = arith.constant 0 : i32
      %dma_wait3A_16 = arith.constant 0 : i32
      %dma_wait3A_17 = tpu.memref_slice %arg3[%add3A, %dma_wait3A, %dma_wait3A_16] : memref<32x79x128xi32, #tpu.memory_space<hbm>> -> memref<1x79x128xi32, #tpu.memory_space<hbm>>
      %dma_wait3A_18 = tpu.memref_squeeze %dma_wait3A_17 : memref<1x79x128xi32, #tpu.memory_space<hbm>> -> memref<79x128xi32, #tpu.memory_space<hbm>>
      %dma_wait3A_19 = arith.constant 0 : i32
      %dma_wait3A_20 = arith.constant 0 : i32
      %dma_wait3A_21 = tpu.memref_slice %arg3[%add3A, %dma_wait3A_19, %dma_wait3A_20] : memref<32x79x128xi32, #tpu.memory_space<hbm>> -> memref<1x79x128xi32, #tpu.memory_space<hbm>>
      %dma_wait3A_22 = tpu.memref_squeeze %dma_wait3A_21 : memref<1x79x128xi32, #tpu.memory_space<hbm>> -> memref<79x128xi32, #tpu.memory_space<hbm>>
      tpu.wait_dma2 semaphore(%run_scoped3A : memref<!tpu.dma_semaphore, #tpu.memory_space<semaphore_mem>>) src(%dma_wait3A_22 : memref<79x128xi32, #tpu.memory_space<hbm>>) dst(%arg7 : memref<79x128xi32, #tpu.memory_space<vmem>>)
      tpu.yield
    }) : () -> ()
    "tpu.region"() ({
      %run_scoped3A = tpu.sem_alloc : memref<!tpu.dma_semaphore, #tpu.memory_space<semaphore_mem>>
      %dma_start3A = arith.constant 0 : i32
      %dma_start3A_9 = arith.constant 0 : i32
      %dma_start3A_10 = tpu.memref_slice %arg4[%add3A, %dma_start3A, %dma_start3A_9] : memref<32x79x128xi32, #tpu.memory_space<hbm>> -> memref<1x79x128xi32, #tpu.memory_space<hbm>>
      %dma_start3A_11 = tpu.memref_squeeze %dma_start3A_10 : memref<1x79x128xi32, #tpu.memory_space<hbm>> -> memref<79x128xi32, #tpu.memory_space<hbm>>
      %dma_start3A_12 = arith.constant 0 : i32
      %dma_start3A_13 = arith.constant 0 : i32
      %dma_start3A_14 = tpu.memref_slice %arg4[%add3A, %dma_start3A_12, %dma_start3A_13] : memref<32x79x128xi32, #tpu.memory_space<hbm>> -> memref<1x79x128xi32, #tpu.memory_space<hbm>>
      %dma_start3A_15 = tpu.memref_squeeze %dma_start3A_14 : memref<1x79x128xi32, #tpu.memory_space<hbm>> -> memref<79x128xi32, #tpu.memory_space<hbm>>
      tpu.enqueue_dma source(%dma_start3A_15 : memref<79x128xi32, #tpu.memory_space<hbm>>) target(%arg8 : memref<79x128xi32, #tpu.memory_space<vmem>>) target_semaphore(%run_scoped3A : memref<!tpu.dma_semaphore, #tpu.memory_space<semaphore_mem>>)
      %dma_wait3A = arith.constant 0 : i32
      %dma_wait3A_16 = arith.constant 0 : i32
      %dma_wait3A_17 = tpu.memref_slice %arg4[%add3A, %dma_wait3A, %dma_wait3A_16] : memref<32x79x128xi32, #tpu.memory_space<hbm>> -> memref<1x79x128xi32, #tpu.memory_space<hbm>>
      %dma_wait3A_18 = tpu.memref_squeeze %dma_wait3A_17 : memref<1x79x128xi32, #tpu.memory_space<hbm>> -> memref<79x128xi32, #tpu.memory_space<hbm>>
      %dma_wait3A_19 = arith.constant 0 : i32
      %dma_wait3A_20 = arith.constant 0 : i32
      %dma_wait3A_21 = tpu.memref_slice %arg4[%add3A, %dma_wait3A_19, %dma_wait3A_20] : memref<32x79x128xi32, #tpu.memory_space<hbm>> -> memref<1x79x128xi32, #tpu.memory_space<hbm>>
      %dma_wait3A_22 = tpu.memref_squeeze %dma_wait3A_21 : memref<1x79x128xi32, #tpu.memory_space<hbm>> -> memref<79x128xi32, #tpu.memory_space<hbm>>
      tpu.wait_dma2 semaphore(%run_scoped3A : memref<!tpu.dma_semaphore, #tpu.memory_space<semaphore_mem>>) src(%dma_wait3A_22 : memref<79x128xi32, #tpu.memory_space<hbm>>) dst(%arg8 : memref<79x128xi32, #tpu.memory_space<vmem>>)
      tpu.yield
    }) : () -> ()
    %barrier3A = arith.constant 0 : index
    tpu.barrier barrier_id(%barrier3A)
    %scan3A = arith.constant 0 : i32
    %scan3A_3 = arith.constant 0 : i32
    %scan3A_4 = arith.constant 79 : i32
    %scan3A_5 = arith.addi %scan3A_3, %scan3A_4 : i32
    %scan3A_6 = arith.constant 1 : i32
    scf.for %scan3A_9 = %scan3A_3 to %scan3A_5 step %scan3A_6  : i32 {
      %dma_start3A = arith.constant 0 : i32
      %dma_start3A_10 = tpu.memref_slice %arg7[%scan3A_9, %dma_start3A] : memref<79x128xi32, #tpu.memory_space<vmem>> -> memref<1x128xi32, #tpu.memory_space<vmem>>
      %dma_start3A_11 = tpu.memref_squeeze %dma_start3A_10 : memref<1x128xi32, #tpu.memory_space<vmem>> -> memref<128xi32, #tpu.memory_space<vmem>>
      %dma_start3A_12 = arith.constant 0 : i32
      %dma_start3A_13 = arith.constant 0 : i32
      %dma_start3A_14 = tpu.memref_slice %arg2[%dma_start3A_12, %dma_start3A_13] : memref<10000x64xf32, #tpu.memory_space<hbm>> -> memref<10000x64xf32, #tpu.memory_space<hbm>>
      tpu.enqueue_indirect_dma source(%dma_start3A_14 : memref<10000x64xf32, #tpu.memory_space<hbm>>) target(%arg9 : memref<128x64xf32, #tpu.memory_space<vmem>>) offsets(%dma_start3A_11 : memref<128xi32, #tpu.memory_space<vmem>>) semaphore(%arg10 : memref<!tpu.dma_semaphore, #tpu.memory_space<semaphore_mem>>)
      %dma_wait3A = arith.constant 0 : i32
      %dma_wait3A_15 = tpu.memref_slice %arg7[%scan3A_9, %dma_wait3A] : memref<79x128xi32, #tpu.memory_space<vmem>> -> memref<1x128xi32, #tpu.memory_space<vmem>>
      %dma_wait3A_16 = tpu.memref_squeeze %dma_wait3A_15 : memref<1x128xi32, #tpu.memory_space<vmem>> -> memref<128xi32, #tpu.memory_space<vmem>>
      %dma_wait3A_17 = arith.constant 0 : i32
      %dma_wait3A_18 = arith.constant 0 : i32
      %dma_wait3A_19 = tpu.memref_slice %arg2[%dma_wait3A_17, %dma_wait3A_18] : memref<10000x64xf32, #tpu.memory_space<hbm>> -> memref<10000x64xf32, #tpu.memory_space<hbm>>
      tpu.wait_indirect_dma semaphore(%arg10 : memref<!tpu.dma_semaphore, #tpu.memory_space<semaphore_mem>>) src(%dma_wait3A_19 : memref<10000x64xf32, #tpu.memory_space<hbm>>) dst(%arg9 : memref<128x64xf32, #tpu.memory_space<vmem>>)
      "tpu.region"() ({
        %run_scoped3A = tpu.sem_alloc : memref<!tpu.dma_semaphore, #tpu.memory_space<semaphore_mem>>
        %dma_start3A_20 = arith.constant 0 : i32
        %dma_start3A_21 = tpu.memref_slice %arg8[%scan3A_9, %dma_start3A_20] : memref<79x128xi32, #tpu.memory_space<vmem>> -> memref<1x128xi32, #tpu.memory_space<vmem>>
        %dma_start3A_22 = tpu.memref_squeeze %dma_start3A_21 : memref<1x128xi32, #tpu.memory_space<vmem>> -> memref<128xi32, #tpu.memory_space<vmem>>
        %dma_start3A_23 = arith.constant 0 : i32
        %dma_start3A_24 = arith.constant 0 : i32
        %dma_start3A_25 = tpu.memref_slice %arg11[%dma_start3A_23, %dma_start3A_24] : memref<10112x64xf32, #tpu.memory_space<vmem_shared>> -> memref<10112x64xf32, #tpu.memory_space<vmem_shared>>
        tpu.enqueue_indirect_dma source(%arg9 : memref<128x64xf32, #tpu.memory_space<vmem>>) target(%dma_start3A_25 : memref<10112x64xf32, #tpu.memory_space<vmem_shared>>) offsets(%dma_start3A_22 : memref<128xi32, #tpu.memory_space<vmem>>) semaphore(%run_scoped3A : memref<!tpu.dma_semaphore, #tpu.memory_space<semaphore_mem>>) {add = true}
        %dma_wait3A_26 = arith.constant 0 : i32
        %dma_wait3A_27 = tpu.memref_slice %arg8[%scan3A_9, %dma_wait3A_26] : memref<79x128xi32, #tpu.memory_space<vmem>> -> memref<1x128xi32, #tpu.memory_space<vmem>>
        %dma_wait3A_28 = tpu.memref_squeeze %dma_wait3A_27 : memref<1x128xi32, #tpu.memory_space<vmem>> -> memref<128xi32, #tpu.memory_space<vmem>>
        %dma_wait3A_29 = arith.constant 0 : i32
        %dma_wait3A_30 = arith.constant 0 : i32
        %dma_wait3A_31 = tpu.memref_slice %arg11[%dma_wait3A_29, %dma_wait3A_30] : memref<10112x64xf32, #tpu.memory_space<vmem_shared>> -> memref<10112x64xf32, #tpu.memory_space<vmem_shared>>
        tpu.wait_indirect_dma semaphore(%run_scoped3A : memref<!tpu.dma_semaphore, #tpu.memory_space<semaphore_mem>>) src(%arg9 : memref<128x64xf32, #tpu.memory_space<vmem>>) dst(%dma_wait3A_31 : memref<10112x64xf32, #tpu.memory_space<vmem_shared>>)
        tpu.yield
      }) : () -> ()
    }
    %scan3A_7 = arith.constant 79 : i32
    %barrier3A_8 = arith.constant 0 : index
    tpu.barrier barrier_id(%barrier3A_8)
    "tpu.region"() ({
      %run_scoped3A = tpu.sem_alloc : memref<!tpu.dma_semaphore, #tpu.memory_space<semaphore_mem>>
      %dma_start3A = arith.constant 0 : i32
      %dma_start3A_9 = tpu.memref_slice %arg6[%arg0, %mul3A_2, %dma_start3A] : memref<2x10112x64xf32, #tpu.memory_space<hbm>> -> memref<1x632x64xf32, #tpu.memory_space<hbm>>
      %dma_start3A_10 = tpu.memref_squeeze %dma_start3A_9 : memref<1x632x64xf32, #tpu.memory_space<hbm>> -> memref<632x64xf32, #tpu.memory_space<hbm>>
      %dma_start3A_11 = arith.constant 0 : i32
      %dma_start3A_12 = tpu.memref_slice %arg11[%mul3A_2, %dma_start3A_11] : memref<10112x64xf32, #tpu.memory_space<vmem_shared>> -> memref<632x64xf32, #tpu.memory_space<vmem_shared>>
      tpu.enqueue_dma source(%dma_start3A_12 : memref<632x64xf32, #tpu.memory_space<vmem_shared>>) target(%dma_start3A_10 : memref<632x64xf32, #tpu.memory_space<hbm>>) target_semaphore(%run_scoped3A : memref<!tpu.dma_semaphore, #tpu.memory_space<semaphore_mem>>)
      %dma_wait3A = arith.constant 0 : i32
      %dma_wait3A_13 = tpu.memref_slice %arg6[%arg0, %mul3A_2, %dma_wait3A] : memref<2x10112x64xf32, #tpu.memory_space<hbm>> -> memref<1x632x64xf32, #tpu.memory_space<hbm>>
      %dma_wait3A_14 = tpu.memref_squeeze %dma_wait3A_13 : memref<1x632x64xf32, #tpu.memory_space<hbm>> -> memref<632x64xf32, #tpu.memory_space<hbm>>
      %dma_wait3A_15 = arith.constant 0 : i32
      %dma_wait3A_16 = tpu.memref_slice %arg11[%mul3A_2, %dma_wait3A_15] : memref<10112x64xf32, #tpu.memory_space<vmem_shared>> -> memref<632x64xf32, #tpu.memory_space<vmem_shared>>
      tpu.wait_dma2 semaphore(%run_scoped3A : memref<!tpu.dma_semaphore, #tpu.memory_space<semaphore_mem>>) src(%dma_wait3A_16 : memref<632x64xf32, #tpu.memory_space<vmem_shared>>) dst(%dma_wait3A_14 : memref<632x64xf32, #tpu.memory_space<hbm>>)
      tpu.yield
    }) : () -> ()
    return
  }
}

#map = affine_map<(d0, d1) -> (0, 0)>
#map1 = affine_map<(d0, d1) -> (0, 0, 0)>
module attributes {stable_mosaic.version = 14 : i64} {
  func.func @body(%arg0: i32, %arg1: i32, %arg2: memref<10000x32xf32, #tpu.memory_space<hbm>>, %arg3: memref<32x79x128xi32, #tpu.memory_space<hbm>>, %arg4: memref<32x79x128xi32, #tpu.memory_space<hbm>>, %arg5: memref<632x32xf32, #tpu.memory_space<hbm>>, %arg6: memref<2x10112x32xf32, #tpu.memory_space<hbm>>, %arg7: memref<79x128xi32, #tpu.memory_space<vmem>>, %arg8: memref<79x128xi32, #tpu.memory_space<vmem>>, %arg9: memref<128x32xf32, #tpu.memory_space<vmem>>, %arg10: memref<!tpu.dma_semaphore, #tpu.memory_space<semaphore_mem>>, %arg11: memref<10112x32xf32, #tpu.memory_space<vmem_shared>>) attributes {dimension_semantics = [#tpu.dimension_semantics<core_parallel>, #tpu.dimension_semantics<subcore_parallel>], iteration_bounds = array<i64: 2, 16>, scalar_prefetch = 0 : i64, scratch_operands = 5 : i64, tpu.core_type = #tpu.core_type<sc_vector_subcore>, window_params = [{transform_indices = #map}, {transform_indices = #map1}, {transform_indices = #map1}, {transform_indices = #map}, {transform_indices = #map1}]} {
    %mul3A = arith.constant 16 : i32
    %mul3A_0 = arith.muli %arg0, %mul3A : i32
    %add3A = arith.addi %mul3A_0, %arg1 : i32
    %mul3A_1 = arith.constant 632 : i32
    %mul3A_2 = arith.muli %arg1, %mul3A_1 : i32
    "tpu.region"() ({
      %run_scoped3A = tpu.sem_alloc : memref<!tpu.dma_semaphore, #tpu.memory_space<semaphore_mem>>
      %dma_start3A = arith.constant 0 : i32
      %dma_start3A_9 = tpu.memref_slice %arg11[%mul3A_2, %dma_start3A] : memref<10112x32xf32, #tpu.memory_space<vmem_shared>> -> memref<632x32xf32, #tpu.memory_space<vmem_shared>>
      tpu.enqueue_dma source(%arg5 : memref<632x32xf32, #tpu.memory_space<hbm>>) target(%dma_start3A_9 : memref<632x32xf32, #tpu.memory_space<vmem_shared>>) target_semaphore(%run_scoped3A : memref<!tpu.dma_semaphore, #tpu.memory_space<semaphore_mem>>)
      %dma_wait3A = arith.constant 0 : i32
      %dma_wait3A_10 = tpu.memref_slice %arg11[%mul3A_2, %dma_wait3A] : memref<10112x32xf32, #tpu.memory_space<vmem_shared>> -> memref<632x32xf32, #tpu.memory_space<vmem_shared>>
      tpu.wait_dma2 semaphore(%run_scoped3A : memref<!tpu.dma_semaphore, #tpu.memory_space<semaphore_mem>>) src(%arg5 : memref<632x32xf32, #tpu.memory_space<hbm>>) dst(%dma_wait3A_10 : memref<632x32xf32, #tpu.memory_space<vmem_shared>>)
      tpu.yield
    }) : () -> ()
    "tpu.region"() ({
      %run_scoped3A = tpu.sem_alloc : memref<!tpu.dma_semaphore, #tpu.memory_space<semaphore_mem>>
      %dma_start3A = arith.constant 0 : i32
      %dma_start3A_9 = arith.constant 0 : i32
      %dma_start3A_10 = tpu.memref_slice %arg3[%add3A, %dma_start3A, %dma_start3A_9] : memref<32x79x128xi32, #tpu.memory_space<hbm>> -> memref<1x79x128xi32, #tpu.memory_space<hbm>>
      %dma_start3A_11 = tpu.memref_squeeze %dma_start3A_10 : memref<1x79x128xi32, #tpu.memory_space<hbm>> -> memref<79x128xi32, #tpu.memory_space<hbm>>
      %dma_start3A_12 = arith.constant 0 : i32
      %dma_start3A_13 = arith.constant 0 : i32
      %dma_start3A_14 = tpu.memref_slice %arg3[%add3A, %dma_start3A_12, %dma_start3A_13] : memref<32x79x128xi32, #tpu.memory_space<hbm>> -> memref<1x79x128xi32, #tpu.memory_space<hbm>>
      %dma_start3A_15 = tpu.memref_squeeze %dma_start3A_14 : memref<1x79x128xi32, #tpu.memory_space<hbm>> -> memref<79x128xi32, #tpu.memory_space<hbm>>
      tpu.enqueue_dma source(%dma_start3A_15 : memref<79x128xi32, #tpu.memory_space<hbm>>) target(%arg7 : memref<79x128xi32, #tpu.memory_space<vmem>>) target_semaphore(%run_scoped3A : memref<!tpu.dma_semaphore, #tpu.memory_space<semaphore_mem>>)
      %dma_wait3A = arith.constant 0 : i32
      %dma_wait3A_16 = arith.constant 0 : i32
      %dma_wait3A_17 = tpu.memref_slice %arg3[%add3A, %dma_wait3A, %dma_wait3A_16] : memref<32x79x128xi32, #tpu.memory_space<hbm>> -> memref<1x79x128xi32, #tpu.memory_space<hbm>>
      %dma_wait3A_18 = tpu.memref_squeeze %dma_wait3A_17 : memref<1x79x128xi32, #tpu.memory_space<hbm>> -> memref<79x128xi32, #tpu.memory_space<hbm>>
      %dma_wait3A_19 = arith.constant 0 : i32
      %dma_wait3A_20 = arith.constant 0 : i32
      %dma_wait3A_21 = tpu.memref_slice %arg3[%add3A, %dma_wait3A_19, %dma_wait3A_20] : memref<32x79x128xi32, #tpu.memory_space<hbm>> -> memref<1x79x128xi32, #tpu.memory_space<hbm>>
      %dma_wait3A_22 = tpu.memref_squeeze %dma_wait3A_21 : memref<1x79x128xi32, #tpu.memory_space<hbm>> -> memref<79x128xi32, #tpu.memory_space<hbm>>
      tpu.wait_dma2 semaphore(%run_scoped3A : memref<!tpu.dma_semaphore, #tpu.memory_space<semaphore_mem>>) src(%dma_wait3A_22 : memref<79x128xi32, #tpu.memory_space<hbm>>) dst(%arg7 : memref<79x128xi32, #tpu.memory_space<vmem>>)
      tpu.yield
    }) : () -> ()
    "tpu.region"() ({
      %run_scoped3A = tpu.sem_alloc : memref<!tpu.dma_semaphore, #tpu.memory_space<semaphore_mem>>
      %dma_start3A = arith.constant 0 : i32
      %dma_start3A_9 = arith.constant 0 : i32
      %dma_start3A_10 = tpu.memref_slice %arg4[%add3A, %dma_start3A, %dma_start3A_9] : memref<32x79x128xi32, #tpu.memory_space<hbm>> -> memref<1x79x128xi32, #tpu.memory_space<hbm>>
      %dma_start3A_11 = tpu.memref_squeeze %dma_start3A_10 : memref<1x79x128xi32, #tpu.memory_space<hbm>> -> memref<79x128xi32, #tpu.memory_space<hbm>>
      %dma_start3A_12 = arith.constant 0 : i32
      %dma_start3A_13 = arith.constant 0 : i32
      %dma_start3A_14 = tpu.memref_slice %arg4[%add3A, %dma_start3A_12, %dma_start3A_13] : memref<32x79x128xi32, #tpu.memory_space<hbm>> -> memref<1x79x128xi32, #tpu.memory_space<hbm>>
      %dma_start3A_15 = tpu.memref_squeeze %dma_start3A_14 : memref<1x79x128xi32, #tpu.memory_space<hbm>> -> memref<79x128xi32, #tpu.memory_space<hbm>>
      tpu.enqueue_dma source(%dma_start3A_15 : memref<79x128xi32, #tpu.memory_space<hbm>>) target(%arg8 : memref<79x128xi32, #tpu.memory_space<vmem>>) target_semaphore(%run_scoped3A : memref<!tpu.dma_semaphore, #tpu.memory_space<semaphore_mem>>)
      %dma_wait3A = arith.constant 0 : i32
      %dma_wait3A_16 = arith.constant 0 : i32
      %dma_wait3A_17 = tpu.memref_slice %arg4[%add3A, %dma_wait3A, %dma_wait3A_16] : memref<32x79x128xi32, #tpu.memory_space<hbm>> -> memref<1x79x128xi32, #tpu.memory_space<hbm>>
      %dma_wait3A_18 = tpu.memref_squeeze %dma_wait3A_17 : memref<1x79x128xi32, #tpu.memory_space<hbm>> -> memref<79x128xi32, #tpu.memory_space<hbm>>
      %dma_wait3A_19 = arith.constant 0 : i32
      %dma_wait3A_20 = arith.constant 0 : i32
      %dma_wait3A_21 = tpu.memref_slice %arg4[%add3A, %dma_wait3A_19, %dma_wait3A_20] : memref<32x79x128xi32, #tpu.memory_space<hbm>> -> memref<1x79x128xi32, #tpu.memory_space<hbm>>
      %dma_wait3A_22 = tpu.memref_squeeze %dma_wait3A_21 : memref<1x79x128xi32, #tpu.memory_space<hbm>> -> memref<79x128xi32, #tpu.memory_space<hbm>>
      tpu.wait_dma2 semaphore(%run_scoped3A : memref<!tpu.dma_semaphore, #tpu.memory_space<semaphore_mem>>) src(%dma_wait3A_22 : memref<79x128xi32, #tpu.memory_space<hbm>>) dst(%arg8 : memref<79x128xi32, #tpu.memory_space<vmem>>)
      tpu.yield
    }) : () -> ()
    %barrier3A = arith.constant 0 : index
    tpu.barrier barrier_id(%barrier3A)
    %scan3A = arith.constant 0 : i32
    %scan3A_3 = arith.constant 0 : i32
    %scan3A_4 = arith.constant 79 : i32
    %scan3A_5 = arith.addi %scan3A_3, %scan3A_4 : i32
    %scan3A_6 = arith.constant 1 : i32
    scf.for %scan3A_9 = %scan3A_3 to %scan3A_5 step %scan3A_6  : i32 {
      %dma_start3A = arith.constant 0 : i32
      %dma_start3A_10 = tpu.memref_slice %arg7[%scan3A_9, %dma_start3A] : memref<79x128xi32, #tpu.memory_space<vmem>> -> memref<1x128xi32, #tpu.memory_space<vmem>>
      %dma_start3A_11 = tpu.memref_squeeze %dma_start3A_10 : memref<1x128xi32, #tpu.memory_space<vmem>> -> memref<128xi32, #tpu.memory_space<vmem>>
      %dma_start3A_12 = arith.constant 0 : i32
      %dma_start3A_13 = arith.constant 0 : i32
      %dma_start3A_14 = tpu.memref_slice %arg2[%dma_start3A_12, %dma_start3A_13] : memref<10000x32xf32, #tpu.memory_space<hbm>> -> memref<10000x32xf32, #tpu.memory_space<hbm>>
      tpu.enqueue_indirect_dma source(%dma_start3A_14 : memref<10000x32xf32, #tpu.memory_space<hbm>>) target(%arg9 : memref<128x32xf32, #tpu.memory_space<vmem>>) offsets(%dma_start3A_11 : memref<128xi32, #tpu.memory_space<vmem>>) semaphore(%arg10 : memref<!tpu.dma_semaphore, #tpu.memory_space<semaphore_mem>>)
      %dma_wait3A = arith.constant 0 : i32
      %dma_wait3A_15 = tpu.memref_slice %arg7[%scan3A_9, %dma_wait3A] : memref<79x128xi32, #tpu.memory_space<vmem>> -> memref<1x128xi32, #tpu.memory_space<vmem>>
      %dma_wait3A_16 = tpu.memref_squeeze %dma_wait3A_15 : memref<1x128xi32, #tpu.memory_space<vmem>> -> memref<128xi32, #tpu.memory_space<vmem>>
      %dma_wait3A_17 = arith.constant 0 : i32
      %dma_wait3A_18 = arith.constant 0 : i32
      %dma_wait3A_19 = tpu.memref_slice %arg2[%dma_wait3A_17, %dma_wait3A_18] : memref<10000x32xf32, #tpu.memory_space<hbm>> -> memref<10000x32xf32, #tpu.memory_space<hbm>>
      tpu.wait_indirect_dma semaphore(%arg10 : memref<!tpu.dma_semaphore, #tpu.memory_space<semaphore_mem>>) src(%dma_wait3A_19 : memref<10000x32xf32, #tpu.memory_space<hbm>>) dst(%arg9 : memref<128x32xf32, #tpu.memory_space<vmem>>)
      "tpu.region"() ({
        %run_scoped3A = tpu.sem_alloc : memref<!tpu.dma_semaphore, #tpu.memory_space<semaphore_mem>>
        %dma_start3A_20 = arith.constant 0 : i32
        %dma_start3A_21 = tpu.memref_slice %arg8[%scan3A_9, %dma_start3A_20] : memref<79x128xi32, #tpu.memory_space<vmem>> -> memref<1x128xi32, #tpu.memory_space<vmem>>
        %dma_start3A_22 = tpu.memref_squeeze %dma_start3A_21 : memref<1x128xi32, #tpu.memory_space<vmem>> -> memref<128xi32, #tpu.memory_space<vmem>>
        %dma_start3A_23 = arith.constant 0 : i32
        %dma_start3A_24 = arith.constant 0 : i32
        %dma_start3A_25 = tpu.memref_slice %arg11[%dma_start3A_23, %dma_start3A_24] : memref<10112x32xf32, #tpu.memory_space<vmem_shared>> -> memref<10112x32xf32, #tpu.memory_space<vmem_shared>>
        tpu.enqueue_indirect_dma source(%arg9 : memref<128x32xf32, #tpu.memory_space<vmem>>) target(%dma_start3A_25 : memref<10112x32xf32, #tpu.memory_space<vmem_shared>>) offsets(%dma_start3A_22 : memref<128xi32, #tpu.memory_space<vmem>>) semaphore(%run_scoped3A : memref<!tpu.dma_semaphore, #tpu.memory_space<semaphore_mem>>) {add = true}
        %dma_wait3A_26 = arith.constant 0 : i32
        %dma_wait3A_27 = tpu.memref_slice %arg8[%scan3A_9, %dma_wait3A_26] : memref<79x128xi32, #tpu.memory_space<vmem>> -> memref<1x128xi32, #tpu.memory_space<vmem>>
        %dma_wait3A_28 = tpu.memref_squeeze %dma_wait3A_27 : memref<1x128xi32, #tpu.memory_space<vmem>> -> memref<128xi32, #tpu.memory_space<vmem>>
        %dma_wait3A_29 = arith.constant 0 : i32
        %dma_wait3A_30 = arith.constant 0 : i32
        %dma_wait3A_31 = tpu.memref_slice %arg11[%dma_wait3A_29, %dma_wait3A_30] : memref<10112x32xf32, #tpu.memory_space<vmem_shared>> -> memref<10112x32xf32, #tpu.memory_space<vmem_shared>>
        tpu.wait_indirect_dma semaphore(%run_scoped3A : memref<!tpu.dma_semaphore, #tpu.memory_space<semaphore_mem>>) src(%arg9 : memref<128x32xf32, #tpu.memory_space<vmem>>) dst(%dma_wait3A_31 : memref<10112x32xf32, #tpu.memory_space<vmem_shared>>)
        tpu.yield
      }) : () -> ()
    }
    %scan3A_7 = arith.constant 79 : i32
    %barrier3A_8 = arith.constant 0 : index
    tpu.barrier barrier_id(%barrier3A_8)
    "tpu.region"() ({
      %run_scoped3A = tpu.sem_alloc : memref<!tpu.dma_semaphore, #tpu.memory_space<semaphore_mem>>
      %dma_start3A = arith.constant 0 : i32
      %dma_start3A_9 = tpu.memref_slice %arg6[%arg0, %mul3A_2, %dma_start3A] : memref<2x10112x32xf32, #tpu.memory_space<hbm>> -> memref<1x632x32xf32, #tpu.memory_space<hbm>>
      %dma_start3A_10 = tpu.memref_squeeze %dma_start3A_9 : memref<1x632x32xf32, #tpu.memory_space<hbm>> -> memref<632x32xf32, #tpu.memory_space<hbm>>
      %dma_start3A_11 = arith.constant 0 : i32
      %dma_start3A_12 = tpu.memref_slice %arg11[%mul3A_2, %dma_start3A_11] : memref<10112x32xf32, #tpu.memory_space<vmem_shared>> -> memref<632x32xf32, #tpu.memory_space<vmem_shared>>
      tpu.enqueue_dma source(%dma_start3A_12 : memref<632x32xf32, #tpu.memory_space<vmem_shared>>) target(%dma_start3A_10 : memref<632x32xf32, #tpu.memory_space<hbm>>) target_semaphore(%run_scoped3A : memref<!tpu.dma_semaphore, #tpu.memory_space<semaphore_mem>>)
      %dma_wait3A = arith.constant 0 : i32
      %dma_wait3A_13 = tpu.memref_slice %arg6[%arg0, %mul3A_2, %dma_wait3A] : memref<2x10112x32xf32, #tpu.memory_space<hbm>> -> memref<1x632x32xf32, #tpu.memory_space<hbm>>
      %dma_wait3A_14 = tpu.memref_squeeze %dma_wait3A_13 : memref<1x632x32xf32, #tpu.memory_space<hbm>> -> memref<632x32xf32, #tpu.memory_space<hbm>>
      %dma_wait3A_15 = arith.constant 0 : i32
      %dma_wait3A_16 = tpu.memref_slice %arg11[%mul3A_2, %dma_wait3A_15] : memref<10112x32xf32, #tpu.memory_space<vmem_shared>> -> memref<632x32xf32, #tpu.memory_space<vmem_shared>>
      tpu.wait_dma2 semaphore(%run_scoped3A : memref<!tpu.dma_semaphore, #tpu.memory_space<semaphore_mem>>) src(%dma_wait3A_16 : memref<632x32xf32, #tpu.memory_space<vmem_shared>>) dst(%dma_wait3A_14 : memref<632x32xf32, #tpu.memory_space<hbm>>)
      tpu.yield
    }) : () -> ()
    return
  }
}

#map = affine_map<(d0, d1) -> (0, 0)>
#map1 = affine_map<(d0, d1) -> (0, 0, 0)>
module attributes {stable_mosaic.version = 14 : i64} {
  func.func @body(%arg0: i32, %arg1: i32, %arg2: memref<10000x32xf32, #tpu.memory_space<hbm>>, %arg3: memref<32x79x128xi32, #tpu.memory_space<hbm>>, %arg4: memref<32x79x128xi32, #tpu.memory_space<hbm>>, %arg5: memref<632x32xf32, #tpu.memory_space<hbm>>, %arg6: memref<2x10112x32xf32, #tpu.memory_space<hbm>>, %arg7: memref<79x128xi32, #tpu.memory_space<vmem>>, %arg8: memref<79x128xi32, #tpu.memory_space<vmem>>, %arg9: memref<128x32xf32, #tpu.memory_space<vmem>>, %arg10: memref<!tpu.dma_semaphore, #tpu.memory_space<semaphore_mem>>, %arg11: memref<10112x32xf32, #tpu.memory_space<vmem_shared>>) attributes {dimension_semantics = [#tpu.dimension_semantics<core_parallel>, #tpu.dimension_semantics<subcore_parallel>], iteration_bounds = array<i64: 2, 16>, scalar_prefetch = 0 : i64, scratch_operands = 5 : i64, tpu.core_type = #tpu.core_type<sc_vector_subcore>, window_params = [{transform_indices = #map}, {transform_indices = #map1}, {transform_indices = #map1}, {transform_indices = #map}, {transform_indices = #map1}]} {
    %mul3A = arith.constant 16 : i32
    %mul3A_0 = arith.muli %arg0, %mul3A : i32
    %add3A = arith.addi %mul3A_0, %arg1 : i32
    %mul3A_1 = arith.constant 632 : i32
    %mul3A_2 = arith.muli %arg1, %mul3A_1 : i32
    "tpu.region"() ({
      %run_scoped3A = tpu.sem_alloc : memref<!tpu.dma_semaphore, #tpu.memory_space<semaphore_mem>>
      %dma_start3A = arith.constant 0 : i32
      %dma_start3A_9 = tpu.memref_slice %arg11[%mul3A_2, %dma_start3A] : memref<10112x32xf32, #tpu.memory_space<vmem_shared>> -> memref<632x32xf32, #tpu.memory_space<vmem_shared>>
      tpu.enqueue_dma source(%arg5 : memref<632x32xf32, #tpu.memory_space<hbm>>) target(%dma_start3A_9 : memref<632x32xf32, #tpu.memory_space<vmem_shared>>) target_semaphore(%run_scoped3A : memref<!tpu.dma_semaphore, #tpu.memory_space<semaphore_mem>>)
      %dma_wait3A = arith.constant 0 : i32
      %dma_wait3A_10 = tpu.memref_slice %arg11[%mul3A_2, %dma_wait3A] : memref<10112x32xf32, #tpu.memory_space<vmem_shared>> -> memref<632x32xf32, #tpu.memory_space<vmem_shared>>
      tpu.wait_dma2 semaphore(%run_scoped3A : memref<!tpu.dma_semaphore, #tpu.memory_space<semaphore_mem>>) src(%arg5 : memref<632x32xf32, #tpu.memory_space<hbm>>) dst(%dma_wait3A_10 : memref<632x32xf32, #tpu.memory_space<vmem_shared>>)
      tpu.yield
    }) : () -> ()
    "tpu.region"() ({
      %run_scoped3A = tpu.sem_alloc : memref<!tpu.dma_semaphore, #tpu.memory_space<semaphore_mem>>
      %dma_start3A = arith.constant 0 : i32
      %dma_start3A_9 = arith.constant 0 : i32
      %dma_start3A_10 = tpu.memref_slice %arg3[%add3A, %dma_start3A, %dma_start3A_9] : memref<32x79x128xi32, #tpu.memory_space<hbm>> -> memref<1x79x128xi32, #tpu.memory_space<hbm>>
      %dma_start3A_11 = tpu.memref_squeeze %dma_start3A_10 : memref<1x79x128xi32, #tpu.memory_space<hbm>> -> memref<79x128xi32, #tpu.memory_space<hbm>>
      %dma_start3A_12 = arith.constant 0 : i32
      %dma_start3A_13 = arith.constant 0 : i32
      %dma_start3A_14 = tpu.memref_slice %arg3[%add3A, %dma_start3A_12, %dma_start3A_13] : memref<32x79x128xi32, #tpu.memory_space<hbm>> -> memref<1x79x128xi32, #tpu.memory_space<hbm>>
      %dma_start3A_15 = tpu.memref_squeeze %dma_start3A_14 : memref<1x79x128xi32, #tpu.memory_space<hbm>> -> memref<79x128xi32, #tpu.memory_space<hbm>>
      tpu.enqueue_dma source(%dma_start3A_15 : memref<79x128xi32, #tpu.memory_space<hbm>>) target(%arg7 : memref<79x128xi32, #tpu.memory_space<vmem>>) target_semaphore(%run_scoped3A : memref<!tpu.dma_semaphore, #tpu.memory_space<semaphore_mem>>)
      %dma_wait3A = arith.constant 0 : i32
      %dma_wait3A_16 = arith.constant 0 : i32
      %dma_wait3A_17 = tpu.memref_slice %arg3[%add3A, %dma_wait3A, %dma_wait3A_16] : memref<32x79x128xi32, #tpu.memory_space<hbm>> -> memref<1x79x128xi32, #tpu.memory_space<hbm>>
      %dma_wait3A_18 = tpu.memref_squeeze %dma_wait3A_17 : memref<1x79x128xi32, #tpu.memory_space<hbm>> -> memref<79x128xi32, #tpu.memory_space<hbm>>
      %dma_wait3A_19 = arith.constant 0 : i32
      %dma_wait3A_20 = arith.constant 0 : i32
      %dma_wait3A_21 = tpu.memref_slice %arg3[%add3A, %dma_wait3A_19, %dma_wait3A_20] : memref<32x79x128xi32, #tpu.memory_space<hbm>> -> memref<1x79x128xi32, #tpu.memory_space<hbm>>
      %dma_wait3A_22 = tpu.memref_squeeze %dma_wait3A_21 : memref<1x79x128xi32, #tpu.memory_space<hbm>> -> memref<79x128xi32, #tpu.memory_space<hbm>>
      tpu.wait_dma2 semaphore(%run_scoped3A : memref<!tpu.dma_semaphore, #tpu.memory_space<semaphore_mem>>) src(%dma_wait3A_22 : memref<79x128xi32, #tpu.memory_space<hbm>>) dst(%arg7 : memref<79x128xi32, #tpu.memory_space<vmem>>)
      tpu.yield
    }) : () -> ()
    "tpu.region"() ({
      %run_scoped3A = tpu.sem_alloc : memref<!tpu.dma_semaphore, #tpu.memory_space<semaphore_mem>>
      %dma_start3A = arith.constant 0 : i32
      %dma_start3A_9 = arith.constant 0 : i32
      %dma_start3A_10 = tpu.memref_slice %arg4[%add3A, %dma_start3A, %dma_start3A_9] : memref<32x79x128xi32, #tpu.memory_space<hbm>> -> memref<1x79x128xi32, #tpu.memory_space<hbm>>
      %dma_start3A_11 = tpu.memref_squeeze %dma_start3A_10 : memref<1x79x128xi32, #tpu.memory_space<hbm>> -> memref<79x128xi32, #tpu.memory_space<hbm>>
      %dma_start3A_12 = arith.constant 0 : i32
      %dma_start3A_13 = arith.constant 0 : i32
      %dma_start3A_14 = tpu.memref_slice %arg4[%add3A, %dma_start3A_12, %dma_start3A_13] : memref<32x79x128xi32, #tpu.memory_space<hbm>> -> memref<1x79x128xi32, #tpu.memory_space<hbm>>
      %dma_start3A_15 = tpu.memref_squeeze %dma_start3A_14 : memref<1x79x128xi32, #tpu.memory_space<hbm>> -> memref<79x128xi32, #tpu.memory_space<hbm>>
      tpu.enqueue_dma source(%dma_start3A_15 : memref<79x128xi32, #tpu.memory_space<hbm>>) target(%arg8 : memref<79x128xi32, #tpu.memory_space<vmem>>) target_semaphore(%run_scoped3A : memref<!tpu.dma_semaphore, #tpu.memory_space<semaphore_mem>>)
      %dma_wait3A = arith.constant 0 : i32
      %dma_wait3A_16 = arith.constant 0 : i32
      %dma_wait3A_17 = tpu.memref_slice %arg4[%add3A, %dma_wait3A, %dma_wait3A_16] : memref<32x79x128xi32, #tpu.memory_space<hbm>> -> memref<1x79x128xi32, #tpu.memory_space<hbm>>
      %dma_wait3A_18 = tpu.memref_squeeze %dma_wait3A_17 : memref<1x79x128xi32, #tpu.memory_space<hbm>> -> memref<79x128xi32, #tpu.memory_space<hbm>>
      %dma_wait3A_19 = arith.constant 0 : i32
      %dma_wait3A_20 = arith.constant 0 : i32
      %dma_wait3A_21 = tpu.memref_slice %arg4[%add3A, %dma_wait3A_19, %dma_wait3A_20] : memref<32x79x128xi32, #tpu.memory_space<hbm>> -> memref<1x79x128xi32, #tpu.memory_space<hbm>>
      %dma_wait3A_22 = tpu.memref_squeeze %dma_wait3A_21 : memref<1x79x128xi32, #tpu.memory_space<hbm>> -> memref<79x128xi32, #tpu.memory_space<hbm>>
      tpu.wait_dma2 semaphore(%run_scoped3A : memref<!tpu.dma_semaphore, #tpu.memory_space<semaphore_mem>>) src(%dma_wait3A_22 : memref<79x128xi32, #tpu.memory_space<hbm>>) dst(%arg8 : memref<79x128xi32, #tpu.memory_space<vmem>>)
      tpu.yield
    }) : () -> ()
    %barrier3A = arith.constant 0 : index
    tpu.barrier barrier_id(%barrier3A)
    %scan3A = arith.constant 0 : i32
    %scan3A_3 = arith.constant 0 : i32
    %scan3A_4 = arith.constant 79 : i32
    %scan3A_5 = arith.addi %scan3A_3, %scan3A_4 : i32
    %scan3A_6 = arith.constant 1 : i32
    scf.for %scan3A_9 = %scan3A_3 to %scan3A_5 step %scan3A_6  : i32 {
      %dma_start3A = arith.constant 0 : i32
      %dma_start3A_10 = tpu.memref_slice %arg7[%scan3A_9, %dma_start3A] : memref<79x128xi32, #tpu.memory_space<vmem>> -> memref<1x128xi32, #tpu.memory_space<vmem>>
      %dma_start3A_11 = tpu.memref_squeeze %dma_start3A_10 : memref<1x128xi32, #tpu.memory_space<vmem>> -> memref<128xi32, #tpu.memory_space<vmem>>
      %dma_start3A_12 = arith.constant 0 : i32
      %dma_start3A_13 = arith.constant 0 : i32
      %dma_start3A_14 = tpu.memref_slice %arg2[%dma_start3A_12, %dma_start3A_13] : memref<10000x32xf32, #tpu.memory_space<hbm>> -> memref<10000x32xf32, #tpu.memory_space<hbm>>
      tpu.enqueue_indirect_dma source(%dma_start3A_14 : memref<10000x32xf32, #tpu.memory_space<hbm>>) target(%arg9 : memref<128x32xf32, #tpu.memory_space<vmem>>) offsets(%dma_start3A_11 : memref<128xi32, #tpu.memory_space<vmem>>) semaphore(%arg10 : memref<!tpu.dma_semaphore, #tpu.memory_space<semaphore_mem>>)
      %dma_wait3A = arith.constant 0 : i32
      %dma_wait3A_15 = tpu.memref_slice %arg7[%scan3A_9, %dma_wait3A] : memref<79x128xi32, #tpu.memory_space<vmem>> -> memref<1x128xi32, #tpu.memory_space<vmem>>
      %dma_wait3A_16 = tpu.memref_squeeze %dma_wait3A_15 : memref<1x128xi32, #tpu.memory_space<vmem>> -> memref<128xi32, #tpu.memory_space<vmem>>
      %dma_wait3A_17 = arith.constant 0 : i32
      %dma_wait3A_18 = arith.constant 0 : i32
      %dma_wait3A_19 = tpu.memref_slice %arg2[%dma_wait3A_17, %dma_wait3A_18] : memref<10000x32xf32, #tpu.memory_space<hbm>> -> memref<10000x32xf32, #tpu.memory_space<hbm>>
      tpu.wait_indirect_dma semaphore(%arg10 : memref<!tpu.dma_semaphore, #tpu.memory_space<semaphore_mem>>) src(%dma_wait3A_19 : memref<10000x32xf32, #tpu.memory_space<hbm>>) dst(%arg9 : memref<128x32xf32, #tpu.memory_space<vmem>>)
      "tpu.region"() ({
        %run_scoped3A = tpu.sem_alloc : memref<!tpu.dma_semaphore, #tpu.memory_space<semaphore_mem>>
        %dma_start3A_20 = arith.constant 0 : i32
        %dma_start3A_21 = tpu.memref_slice %arg8[%scan3A_9, %dma_start3A_20] : memref<79x128xi32, #tpu.memory_space<vmem>> -> memref<1x128xi32, #tpu.memory_space<vmem>>
        %dma_start3A_22 = tpu.memref_squeeze %dma_start3A_21 : memref<1x128xi32, #tpu.memory_space<vmem>> -> memref<128xi32, #tpu.memory_space<vmem>>
        %dma_start3A_23 = arith.constant 0 : i32
        %dma_start3A_24 = arith.constant 0 : i32
        %dma_start3A_25 = tpu.memref_slice %arg11[%dma_start3A_23, %dma_start3A_24] : memref<10112x32xf32, #tpu.memory_space<vmem_shared>> -> memref<10112x32xf32, #tpu.memory_space<vmem_shared>>
        tpu.enqueue_indirect_dma source(%arg9 : memref<128x32xf32, #tpu.memory_space<vmem>>) target(%dma_start3A_25 : memref<10112x32xf32, #tpu.memory_space<vmem_shared>>) offsets(%dma_start3A_22 : memref<128xi32, #tpu.memory_space<vmem>>) semaphore(%run_scoped3A : memref<!tpu.dma_semaphore, #tpu.memory_space<semaphore_mem>>) {add = true}
        %dma_wait3A_26 = arith.constant 0 : i32
        %dma_wait3A_27 = tpu.memref_slice %arg8[%scan3A_9, %dma_wait3A_26] : memref<79x128xi32, #tpu.memory_space<vmem>> -> memref<1x128xi32, #tpu.memory_space<vmem>>
        %dma_wait3A_28 = tpu.memref_squeeze %dma_wait3A_27 : memref<1x128xi32, #tpu.memory_space<vmem>> -> memref<128xi32, #tpu.memory_space<vmem>>
        %dma_wait3A_29 = arith.constant 0 : i32
        %dma_wait3A_30 = arith.constant 0 : i32
        %dma_wait3A_31 = tpu.memref_slice %arg11[%dma_wait3A_29, %dma_wait3A_30] : memref<10112x32xf32, #tpu.memory_space<vmem_shared>> -> memref<10112x32xf32, #tpu.memory_space<vmem_shared>>
        tpu.wait_indirect_dma semaphore(%run_scoped3A : memref<!tpu.dma_semaphore, #tpu.memory_space<semaphore_mem>>) src(%arg9 : memref<128x32xf32, #tpu.memory_space<vmem>>) dst(%dma_wait3A_31 : memref<10112x32xf32, #tpu.memory_space<vmem_shared>>)
        tpu.yield
      }) : () -> ()
    }
    %scan3A_7 = arith.constant 79 : i32
    %barrier3A_8 = arith.constant 0 : index
    tpu.barrier barrier_id(%barrier3A_8)
    "tpu.region"() ({
      %run_scoped3A = tpu.sem_alloc : memref<!tpu.dma_semaphore, #tpu.memory_space<semaphore_mem>>
      %dma_start3A = arith.constant 0 : i32
      %dma_start3A_9 = tpu.memref_slice %arg6[%arg0, %mul3A_2, %dma_start3A] : memref<2x10112x32xf32, #tpu.memory_space<hbm>> -> memref<1x632x32xf32, #tpu.memory_space<hbm>>
      %dma_start3A_10 = tpu.memref_squeeze %dma_start3A_9 : memref<1x632x32xf32, #tpu.memory_space<hbm>> -> memref<632x32xf32, #tpu.memory_space<hbm>>
      %dma_start3A_11 = arith.constant 0 : i32
      %dma_start3A_12 = tpu.memref_slice %arg11[%mul3A_2, %dma_start3A_11] : memref<10112x32xf32, #tpu.memory_space<vmem_shared>> -> memref<632x32xf32, #tpu.memory_space<vmem_shared>>
      tpu.enqueue_dma source(%dma_start3A_12 : memref<632x32xf32, #tpu.memory_space<vmem_shared>>) target(%dma_start3A_10 : memref<632x32xf32, #tpu.memory_space<hbm>>) target_semaphore(%run_scoped3A : memref<!tpu.dma_semaphore, #tpu.memory_space<semaphore_mem>>)
      %dma_wait3A = arith.constant 0 : i32
      %dma_wait3A_13 = tpu.memref_slice %arg6[%arg0, %mul3A_2, %dma_wait3A] : memref<2x10112x32xf32, #tpu.memory_space<hbm>> -> memref<1x632x32xf32, #tpu.memory_space<hbm>>
      %dma_wait3A_14 = tpu.memref_squeeze %dma_wait3A_13 : memref<1x632x32xf32, #tpu.memory_space<hbm>> -> memref<632x32xf32, #tpu.memory_space<hbm>>
      %dma_wait3A_15 = arith.constant 0 : i32
      %dma_wait3A_16 = tpu.memref_slice %arg11[%mul3A_2, %dma_wait3A_15] : memref<10112x32xf32, #tpu.memory_space<vmem_shared>> -> memref<632x32xf32, #tpu.memory_space<vmem_shared>>
      tpu.wait_dma2 semaphore(%run_scoped3A : memref<!tpu.dma_semaphore, #tpu.memory_space<semaphore_mem>>) src(%dma_wait3A_16 : memref<632x32xf32, #tpu.memory_space<vmem_shared>>) dst(%dma_wait3A_14 : memref<632x32xf32, #tpu.memory_space<hbm>>)
      tpu.yield
    }) : () -> ()
    return
  }
}

#map = affine_map<(d0, d1) -> (0, 0)>
#map1 = affine_map<(d0, d1) -> (0, 0, 0)>
module attributes {stable_mosaic.version = 14 : i64} {
  func.func @body(%arg0: i32, %arg1: i32, %arg2: memref<10000x64xf32, #tpu.memory_space<hbm>>, %arg3: memref<32x79x128xi32, #tpu.memory_space<hbm>>, %arg4: memref<32x79x128xi32, #tpu.memory_space<hbm>>, %arg5: memref<632x64xf32, #tpu.memory_space<hbm>>, %arg6: memref<2x10112x64xf32, #tpu.memory_space<hbm>>, %arg7: memref<79x128xi32, #tpu.memory_space<vmem>>, %arg8: memref<79x128xi32, #tpu.memory_space<vmem>>, %arg9: memref<128x64xf32, #tpu.memory_space<vmem>>, %arg10: memref<!tpu.dma_semaphore, #tpu.memory_space<semaphore_mem>>, %arg11: memref<10112x64xf32, #tpu.memory_space<vmem_shared>>) attributes {dimension_semantics = [#tpu.dimension_semantics<core_parallel>, #tpu.dimension_semantics<subcore_parallel>], iteration_bounds = array<i64: 2, 16>, scalar_prefetch = 0 : i64, scratch_operands = 5 : i64, tpu.core_type = #tpu.core_type<sc_vector_subcore>, window_params = [{transform_indices = #map}, {transform_indices = #map1}, {transform_indices = #map1}, {transform_indices = #map}, {transform_indices = #map1}]} {
    %mul3A = arith.constant 16 : i32
    %mul3A_0 = arith.muli %arg0, %mul3A : i32
    %add3A = arith.addi %mul3A_0, %arg1 : i32
    %mul3A_1 = arith.constant 632 : i32
    %mul3A_2 = arith.muli %arg1, %mul3A_1 : i32
    "tpu.region"() ({
      %run_scoped3A = tpu.sem_alloc : memref<!tpu.dma_semaphore, #tpu.memory_space<semaphore_mem>>
      %dma_start3A = arith.constant 0 : i32
      %dma_start3A_9 = tpu.memref_slice %arg11[%mul3A_2, %dma_start3A] : memref<10112x64xf32, #tpu.memory_space<vmem_shared>> -> memref<632x64xf32, #tpu.memory_space<vmem_shared>>
      tpu.enqueue_dma source(%arg5 : memref<632x64xf32, #tpu.memory_space<hbm>>) target(%dma_start3A_9 : memref<632x64xf32, #tpu.memory_space<vmem_shared>>) target_semaphore(%run_scoped3A : memref<!tpu.dma_semaphore, #tpu.memory_space<semaphore_mem>>)
      %dma_wait3A = arith.constant 0 : i32
      %dma_wait3A_10 = tpu.memref_slice %arg11[%mul3A_2, %dma_wait3A] : memref<10112x64xf32, #tpu.memory_space<vmem_shared>> -> memref<632x64xf32, #tpu.memory_space<vmem_shared>>
      tpu.wait_dma2 semaphore(%run_scoped3A : memref<!tpu.dma_semaphore, #tpu.memory_space<semaphore_mem>>) src(%arg5 : memref<632x64xf32, #tpu.memory_space<hbm>>) dst(%dma_wait3A_10 : memref<632x64xf32, #tpu.memory_space<vmem_shared>>)
      tpu.yield
    }) : () -> ()
    "tpu.region"() ({
      %run_scoped3A = tpu.sem_alloc : memref<!tpu.dma_semaphore, #tpu.memory_space<semaphore_mem>>
      %dma_start3A = arith.constant 0 : i32
      %dma_start3A_9 = arith.constant 0 : i32
      %dma_start3A_10 = tpu.memref_slice %arg3[%add3A, %dma_start3A, %dma_start3A_9] : memref<32x79x128xi32, #tpu.memory_space<hbm>> -> memref<1x79x128xi32, #tpu.memory_space<hbm>>
      %dma_start3A_11 = tpu.memref_squeeze %dma_start3A_10 : memref<1x79x128xi32, #tpu.memory_space<hbm>> -> memref<79x128xi32, #tpu.memory_space<hbm>>
      %dma_start3A_12 = arith.constant 0 : i32
      %dma_start3A_13 = arith.constant 0 : i32
      %dma_start3A_14 = tpu.memref_slice %arg3[%add3A, %dma_start3A_12, %dma_start3A_13] : memref<32x79x128xi32, #tpu.memory_space<hbm>> -> memref<1x79x128xi32, #tpu.memory_space<hbm>>
      %dma_start3A_15 = tpu.memref_squeeze %dma_start3A_14 : memref<1x79x128xi32, #tpu.memory_space<hbm>> -> memref<79x128xi32, #tpu.memory_space<hbm>>
      tpu.enqueue_dma source(%dma_start3A_15 : memref<79x128xi32, #tpu.memory_space<hbm>>) target(%arg7 : memref<79x128xi32, #tpu.memory_space<vmem>>) target_semaphore(%run_scoped3A : memref<!tpu.dma_semaphore, #tpu.memory_space<semaphore_mem>>)
      %dma_wait3A = arith.constant 0 : i32
      %dma_wait3A_16 = arith.constant 0 : i32
      %dma_wait3A_17 = tpu.memref_slice %arg3[%add3A, %dma_wait3A, %dma_wait3A_16] : memref<32x79x128xi32, #tpu.memory_space<hbm>> -> memref<1x79x128xi32, #tpu.memory_space<hbm>>
      %dma_wait3A_18 = tpu.memref_squeeze %dma_wait3A_17 : memref<1x79x128xi32, #tpu.memory_space<hbm>> -> memref<79x128xi32, #tpu.memory_space<hbm>>
      %dma_wait3A_19 = arith.constant 0 : i32
      %dma_wait3A_20 = arith.constant 0 : i32
      %dma_wait3A_21 = tpu.memref_slice %arg3[%add3A, %dma_wait3A_19, %dma_wait3A_20] : memref<32x79x128xi32, #tpu.memory_space<hbm>> -> memref<1x79x128xi32, #tpu.memory_space<hbm>>
      %dma_wait3A_22 = tpu.memref_squeeze %dma_wait3A_21 : memref<1x79x128xi32, #tpu.memory_space<hbm>> -> memref<79x128xi32, #tpu.memory_space<hbm>>
      tpu.wait_dma2 semaphore(%run_scoped3A : memref<!tpu.dma_semaphore, #tpu.memory_space<semaphore_mem>>) src(%dma_wait3A_22 : memref<79x128xi32, #tpu.memory_space<hbm>>) dst(%arg7 : memref<79x128xi32, #tpu.memory_space<vmem>>)
      tpu.yield
    }) : () -> ()
    "tpu.region"() ({
      %run_scoped3A = tpu.sem_alloc : memref<!tpu.dma_semaphore, #tpu.memory_space<semaphore_mem>>
      %dma_start3A = arith.constant 0 : i32
      %dma_start3A_9 = arith.constant 0 : i32
      %dma_start3A_10 = tpu.memref_slice %arg4[%add3A, %dma_start3A, %dma_start3A_9] : memref<32x79x128xi32, #tpu.memory_space<hbm>> -> memref<1x79x128xi32, #tpu.memory_space<hbm>>
      %dma_start3A_11 = tpu.memref_squeeze %dma_start3A_10 : memref<1x79x128xi32, #tpu.memory_space<hbm>> -> memref<79x128xi32, #tpu.memory_space<hbm>>
      %dma_start3A_12 = arith.constant 0 : i32
      %dma_start3A_13 = arith.constant 0 : i32
      %dma_start3A_14 = tpu.memref_slice %arg4[%add3A, %dma_start3A_12, %dma_start3A_13] : memref<32x79x128xi32, #tpu.memory_space<hbm>> -> memref<1x79x128xi32, #tpu.memory_space<hbm>>
      %dma_start3A_15 = tpu.memref_squeeze %dma_start3A_14 : memref<1x79x128xi32, #tpu.memory_space<hbm>> -> memref<79x128xi32, #tpu.memory_space<hbm>>
      tpu.enqueue_dma source(%dma_start3A_15 : memref<79x128xi32, #tpu.memory_space<hbm>>) target(%arg8 : memref<79x128xi32, #tpu.memory_space<vmem>>) target_semaphore(%run_scoped3A : memref<!tpu.dma_semaphore, #tpu.memory_space<semaphore_mem>>)
      %dma_wait3A = arith.constant 0 : i32
      %dma_wait3A_16 = arith.constant 0 : i32
      %dma_wait3A_17 = tpu.memref_slice %arg4[%add3A, %dma_wait3A, %dma_wait3A_16] : memref<32x79x128xi32, #tpu.memory_space<hbm>> -> memref<1x79x128xi32, #tpu.memory_space<hbm>>
      %dma_wait3A_18 = tpu.memref_squeeze %dma_wait3A_17 : memref<1x79x128xi32, #tpu.memory_space<hbm>> -> memref<79x128xi32, #tpu.memory_space<hbm>>
      %dma_wait3A_19 = arith.constant 0 : i32
      %dma_wait3A_20 = arith.constant 0 : i32
      %dma_wait3A_21 = tpu.memref_slice %arg4[%add3A, %dma_wait3A_19, %dma_wait3A_20] : memref<32x79x128xi32, #tpu.memory_space<hbm>> -> memref<1x79x128xi32, #tpu.memory_space<hbm>>
      %dma_wait3A_22 = tpu.memref_squeeze %dma_wait3A_21 : memref<1x79x128xi32, #tpu.memory_space<hbm>> -> memref<79x128xi32, #tpu.memory_space<hbm>>
      tpu.wait_dma2 semaphore(%run_scoped3A : memref<!tpu.dma_semaphore, #tpu.memory_space<semaphore_mem>>) src(%dma_wait3A_22 : memref<79x128xi32, #tpu.memory_space<hbm>>) dst(%arg8 : memref<79x128xi32, #tpu.memory_space<vmem>>)
      tpu.yield
    }) : () -> ()
    %barrier3A = arith.constant 0 : index
    tpu.barrier barrier_id(%barrier3A)
    %scan3A = arith.constant 0 : i32
    %scan3A_3 = arith.constant 0 : i32
    %scan3A_4 = arith.constant 79 : i32
    %scan3A_5 = arith.addi %scan3A_3, %scan3A_4 : i32
    %scan3A_6 = arith.constant 1 : i32
    scf.for %scan3A_9 = %scan3A_3 to %scan3A_5 step %scan3A_6  : i32 {
      %dma_start3A = arith.constant 0 : i32
      %dma_start3A_10 = tpu.memref_slice %arg7[%scan3A_9, %dma_start3A] : memref<79x128xi32, #tpu.memory_space<vmem>> -> memref<1x128xi32, #tpu.memory_space<vmem>>
      %dma_start3A_11 = tpu.memref_squeeze %dma_start3A_10 : memref<1x128xi32, #tpu.memory_space<vmem>> -> memref<128xi32, #tpu.memory_space<vmem>>
      %dma_start3A_12 = arith.constant 0 : i32
      %dma_start3A_13 = arith.constant 0 : i32
      %dma_start3A_14 = tpu.memref_slice %arg2[%dma_start3A_12, %dma_start3A_13] : memref<10000x64xf32, #tpu.memory_space<hbm>> -> memref<10000x64xf32, #tpu.memory_space<hbm>>
      tpu.enqueue_indirect_dma source(%dma_start3A_14 : memref<10000x64xf32, #tpu.memory_space<hbm>>) target(%arg9 : memref<128x64xf32, #tpu.memory_space<vmem>>) offsets(%dma_start3A_11 : memref<128xi32, #tpu.memory_space<vmem>>) semaphore(%arg10 : memref<!tpu.dma_semaphore, #tpu.memory_space<semaphore_mem>>)
      %dma_wait3A = arith.constant 0 : i32
      %dma_wait3A_15 = tpu.memref_slice %arg7[%scan3A_9, %dma_wait3A] : memref<79x128xi32, #tpu.memory_space<vmem>> -> memref<1x128xi32, #tpu.memory_space<vmem>>
      %dma_wait3A_16 = tpu.memref_squeeze %dma_wait3A_15 : memref<1x128xi32, #tpu.memory_space<vmem>> -> memref<128xi32, #tpu.memory_space<vmem>>
      %dma_wait3A_17 = arith.constant 0 : i32
      %dma_wait3A_18 = arith.constant 0 : i32
      %dma_wait3A_19 = tpu.memref_slice %arg2[%dma_wait3A_17, %dma_wait3A_18] : memref<10000x64xf32, #tpu.memory_space<hbm>> -> memref<10000x64xf32, #tpu.memory_space<hbm>>
      tpu.wait_indirect_dma semaphore(%arg10 : memref<!tpu.dma_semaphore, #tpu.memory_space<semaphore_mem>>) src(%dma_wait3A_19 : memref<10000x64xf32, #tpu.memory_space<hbm>>) dst(%arg9 : memref<128x64xf32, #tpu.memory_space<vmem>>)
      "tpu.region"() ({
        %run_scoped3A = tpu.sem_alloc : memref<!tpu.dma_semaphore, #tpu.memory_space<semaphore_mem>>
        %dma_start3A_20 = arith.constant 0 : i32
        %dma_start3A_21 = tpu.memref_slice %arg8[%scan3A_9, %dma_start3A_20] : memref<79x128xi32, #tpu.memory_space<vmem>> -> memref<1x128xi32, #tpu.memory_space<vmem>>
        %dma_start3A_22 = tpu.memref_squeeze %dma_start3A_21 : memref<1x128xi32, #tpu.memory_space<vmem>> -> memref<128xi32, #tpu.memory_space<vmem>>
        %dma_start3A_23 = arith.constant 0 : i32
        %dma_start3A_24 = arith.constant 0 : i32
        %dma_start3A_25 = tpu.memref_slice %arg11[%dma_start3A_23, %dma_start3A_24] : memref<10112x64xf32, #tpu.memory_space<vmem_shared>> -> memref<10112x64xf32, #tpu.memory_space<vmem_shared>>
        tpu.enqueue_indirect_dma source(%arg9 : memref<128x64xf32, #tpu.memory_space<vmem>>) target(%dma_start3A_25 : memref<10112x64xf32, #tpu.memory_space<vmem_shared>>) offsets(%dma_start3A_22 : memref<128xi32, #tpu.memory_space<vmem>>) semaphore(%run_scoped3A : memref<!tpu.dma_semaphore, #tpu.memory_space<semaphore_mem>>) {add = true}
        %dma_wait3A_26 = arith.constant 0 : i32
        %dma_wait3A_27 = tpu.memref_slice %arg8[%scan3A_9, %dma_wait3A_26] : memref<79x128xi32, #tpu.memory_space<vmem>> -> memref<1x128xi32, #tpu.memory_space<vmem>>
        %dma_wait3A_28 = tpu.memref_squeeze %dma_wait3A_27 : memref<1x128xi32, #tpu.memory_space<vmem>> -> memref<128xi32, #tpu.memory_space<vmem>>
        %dma_wait3A_29 = arith.constant 0 : i32
        %dma_wait3A_30 = arith.constant 0 : i32
        %dma_wait3A_31 = tpu.memref_slice %arg11[%dma_wait3A_29, %dma_wait3A_30] : memref<10112x64xf32, #tpu.memory_space<vmem_shared>> -> memref<10112x64xf32, #tpu.memory_space<vmem_shared>>
        tpu.wait_indirect_dma semaphore(%run_scoped3A : memref<!tpu.dma_semaphore, #tpu.memory_space<semaphore_mem>>) src(%arg9 : memref<128x64xf32, #tpu.memory_space<vmem>>) dst(%dma_wait3A_31 : memref<10112x64xf32, #tpu.memory_space<vmem_shared>>)
        tpu.yield
      }) : () -> ()
    }
    %scan3A_7 = arith.constant 79 : i32
    %barrier3A_8 = arith.constant 0 : index
    tpu.barrier barrier_id(%barrier3A_8)
    "tpu.region"() ({
      %run_scoped3A = tpu.sem_alloc : memref<!tpu.dma_semaphore, #tpu.memory_space<semaphore_mem>>
      %dma_start3A = arith.constant 0 : i32
      %dma_start3A_9 = tpu.memref_slice %arg6[%arg0, %mul3A_2, %dma_start3A] : memref<2x10112x64xf32, #tpu.memory_space<hbm>> -> memref<1x632x64xf32, #tpu.memory_space<hbm>>
      %dma_start3A_10 = tpu.memref_squeeze %dma_start3A_9 : memref<1x632x64xf32, #tpu.memory_space<hbm>> -> memref<632x64xf32, #tpu.memory_space<hbm>>
      %dma_start3A_11 = arith.constant 0 : i32
      %dma_start3A_12 = tpu.memref_slice %arg11[%mul3A_2, %dma_start3A_11] : memref<10112x64xf32, #tpu.memory_space<vmem_shared>> -> memref<632x64xf32, #tpu.memory_space<vmem_shared>>
      tpu.enqueue_dma source(%dma_start3A_12 : memref<632x64xf32, #tpu.memory_space<vmem_shared>>) target(%dma_start3A_10 : memref<632x64xf32, #tpu.memory_space<hbm>>) target_semaphore(%run_scoped3A : memref<!tpu.dma_semaphore, #tpu.memory_space<semaphore_mem>>)
      %dma_wait3A = arith.constant 0 : i32
      %dma_wait3A_13 = tpu.memref_slice %arg6[%arg0, %mul3A_2, %dma_wait3A] : memref<2x10112x64xf32, #tpu.memory_space<hbm>> -> memref<1x632x64xf32, #tpu.memory_space<hbm>>
      %dma_wait3A_14 = tpu.memref_squeeze %dma_wait3A_13 : memref<1x632x64xf32, #tpu.memory_space<hbm>> -> memref<632x64xf32, #tpu.memory_space<hbm>>
      %dma_wait3A_15 = arith.constant 0 : i32
      %dma_wait3A_16 = tpu.memref_slice %arg11[%mul3A_2, %dma_wait3A_15] : memref<10112x64xf32, #tpu.memory_space<vmem_shared>> -> memref<632x64xf32, #tpu.memory_space<vmem_shared>>
      tpu.wait_dma2 semaphore(%run_scoped3A : memref<!tpu.dma_semaphore, #tpu.memory_space<semaphore_mem>>) src(%dma_wait3A_16 : memref<632x64xf32, #tpu.memory_space<vmem_shared>>) dst(%dma_wait3A_14 : memref<632x64xf32, #tpu.memory_space<hbm>>)
      tpu.yield
    }) : () -> ()
    return
  }
}

#map = affine_map<(d0, d1) -> (0, 0)>
#map1 = affine_map<(d0, d1) -> (0, 0, 0)>
module attributes {stable_mosaic.version = 14 : i64} {
  func.func @body(%arg0: i32, %arg1: i32, %arg2: memref<10000x16xf32, #tpu.memory_space<hbm>>, %arg3: memref<32x79x128xi32, #tpu.memory_space<hbm>>, %arg4: memref<32x79x128xi32, #tpu.memory_space<hbm>>, %arg5: memref<632x16xf32, #tpu.memory_space<hbm>>, %arg6: memref<2x10112x16xf32, #tpu.memory_space<hbm>>, %arg7: memref<79x128xi32, #tpu.memory_space<vmem>>, %arg8: memref<79x128xi32, #tpu.memory_space<vmem>>, %arg9: memref<128x16xf32, #tpu.memory_space<vmem>>, %arg10: memref<!tpu.dma_semaphore, #tpu.memory_space<semaphore_mem>>, %arg11: memref<10112x16xf32, #tpu.memory_space<vmem_shared>>) attributes {dimension_semantics = [#tpu.dimension_semantics<core_parallel>, #tpu.dimension_semantics<subcore_parallel>], iteration_bounds = array<i64: 2, 16>, scalar_prefetch = 0 : i64, scratch_operands = 5 : i64, tpu.core_type = #tpu.core_type<sc_vector_subcore>, window_params = [{transform_indices = #map}, {transform_indices = #map1}, {transform_indices = #map1}, {transform_indices = #map}, {transform_indices = #map1}]} {
    %mul3A = arith.constant 16 : i32
    %mul3A_0 = arith.muli %arg0, %mul3A : i32
    %add3A = arith.addi %mul3A_0, %arg1 : i32
    %mul3A_1 = arith.constant 632 : i32
    %mul3A_2 = arith.muli %arg1, %mul3A_1 : i32
    "tpu.region"() ({
      %run_scoped3A = tpu.sem_alloc : memref<!tpu.dma_semaphore, #tpu.memory_space<semaphore_mem>>
      %dma_start3A = arith.constant 0 : i32
      %dma_start3A_9 = tpu.memref_slice %arg11[%mul3A_2, %dma_start3A] : memref<10112x16xf32, #tpu.memory_space<vmem_shared>> -> memref<632x16xf32, #tpu.memory_space<vmem_shared>>
      tpu.enqueue_dma source(%arg5 : memref<632x16xf32, #tpu.memory_space<hbm>>) target(%dma_start3A_9 : memref<632x16xf32, #tpu.memory_space<vmem_shared>>) target_semaphore(%run_scoped3A : memref<!tpu.dma_semaphore, #tpu.memory_space<semaphore_mem>>)
      %dma_wait3A = arith.constant 0 : i32
      %dma_wait3A_10 = tpu.memref_slice %arg11[%mul3A_2, %dma_wait3A] : memref<10112x16xf32, #tpu.memory_space<vmem_shared>> -> memref<632x16xf32, #tpu.memory_space<vmem_shared>>
      tpu.wait_dma2 semaphore(%run_scoped3A : memref<!tpu.dma_semaphore, #tpu.memory_space<semaphore_mem>>) src(%arg5 : memref<632x16xf32, #tpu.memory_space<hbm>>) dst(%dma_wait3A_10 : memref<632x16xf32, #tpu.memory_space<vmem_shared>>)
      tpu.yield
    }) : () -> ()
    "tpu.region"() ({
      %run_scoped3A = tpu.sem_alloc : memref<!tpu.dma_semaphore, #tpu.memory_space<semaphore_mem>>
      %dma_start3A = arith.constant 0 : i32
      %dma_start3A_9 = arith.constant 0 : i32
      %dma_start3A_10 = tpu.memref_slice %arg3[%add3A, %dma_start3A, %dma_start3A_9] : memref<32x79x128xi32, #tpu.memory_space<hbm>> -> memref<1x79x128xi32, #tpu.memory_space<hbm>>
      %dma_start3A_11 = tpu.memref_squeeze %dma_start3A_10 : memref<1x79x128xi32, #tpu.memory_space<hbm>> -> memref<79x128xi32, #tpu.memory_space<hbm>>
      %dma_start3A_12 = arith.constant 0 : i32
      %dma_start3A_13 = arith.constant 0 : i32
      %dma_start3A_14 = tpu.memref_slice %arg3[%add3A, %dma_start3A_12, %dma_start3A_13] : memref<32x79x128xi32, #tpu.memory_space<hbm>> -> memref<1x79x128xi32, #tpu.memory_space<hbm>>
      %dma_start3A_15 = tpu.memref_squeeze %dma_start3A_14 : memref<1x79x128xi32, #tpu.memory_space<hbm>> -> memref<79x128xi32, #tpu.memory_space<hbm>>
      tpu.enqueue_dma source(%dma_start3A_15 : memref<79x128xi32, #tpu.memory_space<hbm>>) target(%arg7 : memref<79x128xi32, #tpu.memory_space<vmem>>) target_semaphore(%run_scoped3A : memref<!tpu.dma_semaphore, #tpu.memory_space<semaphore_mem>>)
      %dma_wait3A = arith.constant 0 : i32
      %dma_wait3A_16 = arith.constant 0 : i32
      %dma_wait3A_17 = tpu.memref_slice %arg3[%add3A, %dma_wait3A, %dma_wait3A_16] : memref<32x79x128xi32, #tpu.memory_space<hbm>> -> memref<1x79x128xi32, #tpu.memory_space<hbm>>
      %dma_wait3A_18 = tpu.memref_squeeze %dma_wait3A_17 : memref<1x79x128xi32, #tpu.memory_space<hbm>> -> memref<79x128xi32, #tpu.memory_space<hbm>>
      %dma_wait3A_19 = arith.constant 0 : i32
      %dma_wait3A_20 = arith.constant 0 : i32
      %dma_wait3A_21 = tpu.memref_slice %arg3[%add3A, %dma_wait3A_19, %dma_wait3A_20] : memref<32x79x128xi32, #tpu.memory_space<hbm>> -> memref<1x79x128xi32, #tpu.memory_space<hbm>>
      %dma_wait3A_22 = tpu.memref_squeeze %dma_wait3A_21 : memref<1x79x128xi32, #tpu.memory_space<hbm>> -> memref<79x128xi32, #tpu.memory_space<hbm>>
      tpu.wait_dma2 semaphore(%run_scoped3A : memref<!tpu.dma_semaphore, #tpu.memory_space<semaphore_mem>>) src(%dma_wait3A_22 : memref<79x128xi32, #tpu.memory_space<hbm>>) dst(%arg7 : memref<79x128xi32, #tpu.memory_space<vmem>>)
      tpu.yield
    }) : () -> ()
    "tpu.region"() ({
      %run_scoped3A = tpu.sem_alloc : memref<!tpu.dma_semaphore, #tpu.memory_space<semaphore_mem>>
      %dma_start3A = arith.constant 0 : i32
      %dma_start3A_9 = arith.constant 0 : i32
      %dma_start3A_10 = tpu.memref_slice %arg4[%add3A, %dma_start3A, %dma_start3A_9] : memref<32x79x128xi32, #tpu.memory_space<hbm>> -> memref<1x79x128xi32, #tpu.memory_space<hbm>>
      %dma_start3A_11 = tpu.memref_squeeze %dma_start3A_10 : memref<1x79x128xi32, #tpu.memory_space<hbm>> -> memref<79x128xi32, #tpu.memory_space<hbm>>
      %dma_start3A_12 = arith.constant 0 : i32
      %dma_start3A_13 = arith.constant 0 : i32
      %dma_start3A_14 = tpu.memref_slice %arg4[%add3A, %dma_start3A_12, %dma_start3A_13] : memref<32x79x128xi32, #tpu.memory_space<hbm>> -> memref<1x79x128xi32, #tpu.memory_space<hbm>>
      %dma_start3A_15 = tpu.memref_squeeze %dma_start3A_14 : memref<1x79x128xi32, #tpu.memory_space<hbm>> -> memref<79x128xi32, #tpu.memory_space<hbm>>
      tpu.enqueue_dma source(%dma_start3A_15 : memref<79x128xi32, #tpu.memory_space<hbm>>) target(%arg8 : memref<79x128xi32, #tpu.memory_space<vmem>>) target_semaphore(%run_scoped3A : memref<!tpu.dma_semaphore, #tpu.memory_space<semaphore_mem>>)
      %dma_wait3A = arith.constant 0 : i32
      %dma_wait3A_16 = arith.constant 0 : i32
      %dma_wait3A_17 = tpu.memref_slice %arg4[%add3A, %dma_wait3A, %dma_wait3A_16] : memref<32x79x128xi32, #tpu.memory_space<hbm>> -> memref<1x79x128xi32, #tpu.memory_space<hbm>>
      %dma_wait3A_18 = tpu.memref_squeeze %dma_wait3A_17 : memref<1x79x128xi32, #tpu.memory_space<hbm>> -> memref<79x128xi32, #tpu.memory_space<hbm>>
      %dma_wait3A_19 = arith.constant 0 : i32
      %dma_wait3A_20 = arith.constant 0 : i32
      %dma_wait3A_21 = tpu.memref_slice %arg4[%add3A, %dma_wait3A_19, %dma_wait3A_20] : memref<32x79x128xi32, #tpu.memory_space<hbm>> -> memref<1x79x128xi32, #tpu.memory_space<hbm>>
      %dma_wait3A_22 = tpu.memref_squeeze %dma_wait3A_21 : memref<1x79x128xi32, #tpu.memory_space<hbm>> -> memref<79x128xi32, #tpu.memory_space<hbm>>
      tpu.wait_dma2 semaphore(%run_scoped3A : memref<!tpu.dma_semaphore, #tpu.memory_space<semaphore_mem>>) src(%dma_wait3A_22 : memref<79x128xi32, #tpu.memory_space<hbm>>) dst(%arg8 : memref<79x128xi32, #tpu.memory_space<vmem>>)
      tpu.yield
    }) : () -> ()
    %barrier3A = arith.constant 0 : index
    tpu.barrier barrier_id(%barrier3A)
    %scan3A = arith.constant 0 : i32
    %scan3A_3 = arith.constant 0 : i32
    %scan3A_4 = arith.constant 79 : i32
    %scan3A_5 = arith.addi %scan3A_3, %scan3A_4 : i32
    %scan3A_6 = arith.constant 1 : i32
    scf.for %scan3A_9 = %scan3A_3 to %scan3A_5 step %scan3A_6  : i32 {
      %dma_start3A = arith.constant 0 : i32
      %dma_start3A_10 = tpu.memref_slice %arg7[%scan3A_9, %dma_start3A] : memref<79x128xi32, #tpu.memory_space<vmem>> -> memref<1x128xi32, #tpu.memory_space<vmem>>
      %dma_start3A_11 = tpu.memref_squeeze %dma_start3A_10 : memref<1x128xi32, #tpu.memory_space<vmem>> -> memref<128xi32, #tpu.memory_space<vmem>>
      %dma_start3A_12 = arith.constant 0 : i32
      %dma_start3A_13 = arith.constant 0 : i32
      %dma_start3A_14 = tpu.memref_slice %arg2[%dma_start3A_12, %dma_start3A_13] : memref<10000x16xf32, #tpu.memory_space<hbm>> -> memref<10000x16xf32, #tpu.memory_space<hbm>>
      tpu.enqueue_indirect_dma source(%dma_start3A_14 : memref<10000x16xf32, #tpu.memory_space<hbm>>) target(%arg9 : memref<128x16xf32, #tpu.memory_space<vmem>>) offsets(%dma_start3A_11 : memref<128xi32, #tpu.memory_space<vmem>>) semaphore(%arg10 : memref<!tpu.dma_semaphore, #tpu.memory_space<semaphore_mem>>)
      %dma_wait3A = arith.constant 0 : i32
      %dma_wait3A_15 = tpu.memref_slice %arg7[%scan3A_9, %dma_wait3A] : memref<79x128xi32, #tpu.memory_space<vmem>> -> memref<1x128xi32, #tpu.memory_space<vmem>>
      %dma_wait3A_16 = tpu.memref_squeeze %dma_wait3A_15 : memref<1x128xi32, #tpu.memory_space<vmem>> -> memref<128xi32, #tpu.memory_space<vmem>>
      %dma_wait3A_17 = arith.constant 0 : i32
      %dma_wait3A_18 = arith.constant 0 : i32
      %dma_wait3A_19 = tpu.memref_slice %arg2[%dma_wait3A_17, %dma_wait3A_18] : memref<10000x16xf32, #tpu.memory_space<hbm>> -> memref<10000x16xf32, #tpu.memory_space<hbm>>
      tpu.wait_indirect_dma semaphore(%arg10 : memref<!tpu.dma_semaphore, #tpu.memory_space<semaphore_mem>>) src(%dma_wait3A_19 : memref<10000x16xf32, #tpu.memory_space<hbm>>) dst(%arg9 : memref<128x16xf32, #tpu.memory_space<vmem>>)
      "tpu.region"() ({
        %run_scoped3A = tpu.sem_alloc : memref<!tpu.dma_semaphore, #tpu.memory_space<semaphore_mem>>
        %dma_start3A_20 = arith.constant 0 : i32
        %dma_start3A_21 = tpu.memref_slice %arg8[%scan3A_9, %dma_start3A_20] : memref<79x128xi32, #tpu.memory_space<vmem>> -> memref<1x128xi32, #tpu.memory_space<vmem>>
        %dma_start3A_22 = tpu.memref_squeeze %dma_start3A_21 : memref<1x128xi32, #tpu.memory_space<vmem>> -> memref<128xi32, #tpu.memory_space<vmem>>
        %dma_start3A_23 = arith.constant 0 : i32
        %dma_start3A_24 = arith.constant 0 : i32
        %dma_start3A_25 = tpu.memref_slice %arg11[%dma_start3A_23, %dma_start3A_24] : memref<10112x16xf32, #tpu.memory_space<vmem_shared>> -> memref<10112x16xf32, #tpu.memory_space<vmem_shared>>
        tpu.enqueue_indirect_dma source(%arg9 : memref<128x16xf32, #tpu.memory_space<vmem>>) target(%dma_start3A_25 : memref<10112x16xf32, #tpu.memory_space<vmem_shared>>) offsets(%dma_start3A_22 : memref<128xi32, #tpu.memory_space<vmem>>) semaphore(%run_scoped3A : memref<!tpu.dma_semaphore, #tpu.memory_space<semaphore_mem>>) {add = true}
        %dma_wait3A_26 = arith.constant 0 : i32
        %dma_wait3A_27 = tpu.memref_slice %arg8[%scan3A_9, %dma_wait3A_26] : memref<79x128xi32, #tpu.memory_space<vmem>> -> memref<1x128xi32, #tpu.memory_space<vmem>>
        %dma_wait3A_28 = tpu.memref_squeeze %dma_wait3A_27 : memref<1x128xi32, #tpu.memory_space<vmem>> -> memref<128xi32, #tpu.memory_space<vmem>>
        %dma_wait3A_29 = arith.constant 0 : i32
        %dma_wait3A_30 = arith.constant 0 : i32
        %dma_wait3A_31 = tpu.memref_slice %arg11[%dma_wait3A_29, %dma_wait3A_30] : memref<10112x16xf32, #tpu.memory_space<vmem_shared>> -> memref<10112x16xf32, #tpu.memory_space<vmem_shared>>
        tpu.wait_indirect_dma semaphore(%run_scoped3A : memref<!tpu.dma_semaphore, #tpu.memory_space<semaphore_mem>>) src(%arg9 : memref<128x16xf32, #tpu.memory_space<vmem>>) dst(%dma_wait3A_31 : memref<10112x16xf32, #tpu.memory_space<vmem_shared>>)
        tpu.yield
      }) : () -> ()
    }
    %scan3A_7 = arith.constant 79 : i32
    %barrier3A_8 = arith.constant 0 : index
    tpu.barrier barrier_id(%barrier3A_8)
    "tpu.region"() ({
      %run_scoped3A = tpu.sem_alloc : memref<!tpu.dma_semaphore, #tpu.memory_space<semaphore_mem>>
      %dma_start3A = arith.constant 0 : i32
      %dma_start3A_9 = tpu.memref_slice %arg6[%arg0, %mul3A_2, %dma_start3A] : memref<2x10112x16xf32, #tpu.memory_space<hbm>> -> memref<1x632x16xf32, #tpu.memory_space<hbm>>
      %dma_start3A_10 = tpu.memref_squeeze %dma_start3A_9 : memref<1x632x16xf32, #tpu.memory_space<hbm>> -> memref<632x16xf32, #tpu.memory_space<hbm>>
      %dma_start3A_11 = arith.constant 0 : i32
      %dma_start3A_12 = tpu.memref_slice %arg11[%mul3A_2, %dma_start3A_11] : memref<10112x16xf32, #tpu.memory_space<vmem_shared>> -> memref<632x16xf32, #tpu.memory_space<vmem_shared>>
      tpu.enqueue_dma source(%dma_start3A_12 : memref<632x16xf32, #tpu.memory_space<vmem_shared>>) target(%dma_start3A_10 : memref<632x16xf32, #tpu.memory_space<hbm>>) target_semaphore(%run_scoped3A : memref<!tpu.dma_semaphore, #tpu.memory_space<semaphore_mem>>)
      %dma_wait3A = arith.constant 0 : i32
      %dma_wait3A_13 = tpu.memref_slice %arg6[%arg0, %mul3A_2, %dma_wait3A] : memref<2x10112x16xf32, #tpu.memory_space<hbm>> -> memref<1x632x16xf32, #tpu.memory_space<hbm>>
      %dma_wait3A_14 = tpu.memref_squeeze %dma_wait3A_13 : memref<1x632x16xf32, #tpu.memory_space<hbm>> -> memref<632x16xf32, #tpu.memory_space<hbm>>
      %dma_wait3A_15 = arith.constant 0 : i32
      %dma_wait3A_16 = tpu.memref_slice %arg11[%mul3A_2, %dma_wait3A_15] : memref<10112x16xf32, #tpu.memory_space<vmem_shared>> -> memref<632x16xf32, #tpu.memory_space<vmem_shared>>
      tpu.wait_dma2 semaphore(%run_scoped3A : memref<!tpu.dma_semaphore, #tpu.memory_space<semaphore_mem>>) src(%dma_wait3A_16 : memref<632x16xf32, #tpu.memory_space<vmem_shared>>) dst(%dma_wait3A_14 : memref<632x16xf32, #tpu.memory_space<hbm>>)
      tpu.yield
    }) : () -> ()
    return
  }
}

module attributes {stable_mosaic.version = 14 : i64} {
  func.func @_lin_body(%arg0: i32, %arg1: memref<2000x128xf32, #tpu.memory_space<vmem>>, %arg2: memref<128x64xf32, #tpu.memory_space<vmem>>, %arg3: memref<2x2000x16xf32, #tpu.memory_space<vmem>>, %arg4: memref<2000x64xf32, #tpu.memory_space<vmem>>) attributes {dimension_semantics = [#tpu.dimension_semantics<arbitrary>], iteration_bounds = array<i64: 5>, scalar_prefetch = 0 : i64, scratch_operands = 0 : i64, tpu.core_type = #tpu.core_type<tc>, window_params = [{transform_indices = @transform_0, window_bounds = array<i64: 2000, 128>}, {pipeline_mode = #tpu.pipeline_mode<synchronous>, transform_indices = @transform_1, window_bounds = array<i64: 128, 64>}, {transform_indices = @transform_2, window_bounds = array<i64: 2, 2000, 16>}, {transform_indices = @transform_3, window_bounds = array<i64: 2000, 64>}]} {
    %get3A = arith.constant 0 : index
    %get3A_0 = arith.constant 0 : index
    %get3A_1 = arith.constant 0 : index
    %get3A_2 = vector.load %arg3[%get3A, %get3A_0, %get3A_1] : memref<2x2000x16xf32, #tpu.memory_space<vmem>>, vector<2x2000x16xf32>
    %slice3A = vector.extract_strided_slice %get3A_2 {offsets = [0, 0, 0], sizes = [1, 2000, 1], strides = [1, 1, 1]} : vector<2x2000x16xf32> to vector<1x2000x1xf32>
    %squeeze3A = vector.shape_cast %slice3A : vector<1x2000x1xf32> to vector<2000x1xf32>
    %slice3A_3 = vector.extract_strided_slice %get3A_2 {offsets = [1, 0, 0], sizes = [1, 2000, 1], strides = [1, 1, 1]} : vector<2x2000x16xf32> to vector<1x2000x1xf32>
    %squeeze3A_4 = vector.shape_cast %slice3A_3 : vector<1x2000x1xf32> to vector<2000x1xf32>
    %add3A = arith.addf %squeeze3A, %squeeze3A_4 : vector<2000x1xf32>
    %add3A_5 = arith.constant 1.000000e+00 : f32
    %add3A_6 = vector.broadcast %add3A_5 : f32 to vector<2000x1xf32>
    %add3A_7 = arith.addf %add3A, %add3A_6 : vector<2000x1xf32>
    %sqrt3A = math.sqrt %add3A_7 : vector<2000x1xf32>
    %div3A = arith.constant 1.000000e+00 : f32
    %div3A_8 = vector.broadcast %div3A : f32 to vector<2000x1xf32>
    %div3A_9 = arith.divf %div3A_8, %sqrt3A : vector<2000x1xf32>
    %get3A_10 = arith.constant 0 : index
    %get3A_11 = arith.constant 0 : index
    %get3A_12 = vector.load %arg1[%get3A_10, %get3A_11] : memref<2000x128xf32, #tpu.memory_space<vmem>>, vector<2000x128xf32>
    %get3A_13 = arith.constant 0 : index
    %get3A_14 = arith.constant 0 : index
    %get3A_15 = vector.load %arg2[%get3A_13, %get3A_14] : memref<128x64xf32, #tpu.memory_space<vmem>>, vector<128x64xf32>
    %dot_general3A = arith.constant dense<0.000000e+00> : vector<2000x64xf32>
    %dot_general3A_16 = tpu.matmul %get3A_12, %get3A_15, %dot_general3A {dimension_numbers = #tpu.dot_dimension_numbers<[1], [0], [0], [1], [0, 0, 1, 1], [], []>, transpose_lhs_hint = false} : vector<2000x128xf32>, vector<128x64xf32>, vector<2000x64xf32> -> vector<2000x64xf32>
    %mul3A = vector.broadcast %div3A_9 : vector<2000x1xf32> to vector<2000x64xf32>
    %mul3A_17 = arith.mulf %mul3A, %dot_general3A_16 : vector<2000x64xf32>
    %swap3A = arith.constant 0 : index
    %swap3A_18 = arith.constant 0 : index
    %swap3A_19 = vector.load %arg4[%swap3A, %swap3A_18] : memref<2000x64xf32, #tpu.memory_space<vmem>>, vector<2000x64xf32>
    tpu.vector_store %arg4[%swap3A, %swap3A_18], %mul3A_17 {strides = array<i32>} : memref<2000x64xf32, #tpu.memory_space<vmem>>, vector<2000x64xf32>,
    return
  }
  func.func @transform_0(%arg0: i32) -> (i32, i32) {
    %c0_i32 = arith.constant 0 : i32
    %c0_i32_0 = arith.constant 0 : i32
    return %arg0, %c0_i32 : i32, i32
  }
  func.func @transform_1(%arg0: i32) -> (i32, i32) {
    %c0_i32 = arith.constant 0 : i32
    %c0_i32_0 = arith.constant 0 : i32
    %c0_i32_1 = arith.constant 0 : i32
    return %c0_i32, %c0_i32_0 : i32, i32
  }
  func.func @transform_2(%arg0: i32) -> (i32, i32, i32) {
    %c0_i32 = arith.constant 0 : i32
    %c0_i32_0 = arith.constant 0 : i32
    %c0_i32_1 = arith.constant 0 : i32
    return %c0_i32, %arg0, %c0_i32_0 : i32, i32, i32
  }
  func.func @transform_3(%arg0: i32) -> (i32, i32) {
    %c0_i32 = arith.constant 0 : i32
    %c0_i32_0 = arith.constant 0 : i32
    return %arg0, %c0_i32 : i32, i32
  }
}

module attributes {stable_mosaic.version = 14 : i64} {
  func.func @_combine_body(%arg0: i32, %arg1: memref<2x2000x64xf32, #tpu.memory_space<vmem>>, %arg2: memref<2000x64xf32, #tpu.memory_space<vmem>>, %arg3: memref<2x2000x16xf32, #tpu.memory_space<vmem>>, %arg4: memref<1x64xf32, #tpu.memory_space<vmem>>, %arg5: memref<64x32xf32, #tpu.memory_space<vmem>>, %arg6: memref<2000x32xf32, #tpu.memory_space<vmem>>) attributes {dimension_semantics = [#tpu.dimension_semantics<arbitrary>], iteration_bounds = array<i64: 5>, scalar_prefetch = 0 : i64, scratch_operands = 0 : i64, tpu.core_type = #tpu.core_type<tc>, window_params = [{transform_indices = @transform_0, window_bounds = array<i64: 2, 2000, 64>}, {transform_indices = @transform_1, window_bounds = array<i64: 2000, 64>}, {transform_indices = @transform_2, window_bounds = array<i64: 2, 2000, 16>}, {pipeline_mode = #tpu.pipeline_mode<synchronous>, transform_indices = @transform_3, window_bounds = array<i64: 1, 64>}, {pipeline_mode = #tpu.pipeline_mode<synchronous>, transform_indices = @transform_4, window_bounds = array<i64: 64, 32>}, {transform_indices = @transform_5, window_bounds = array<i64: 2000, 32>}]} {
    %get3A = arith.constant 0 : index
    %get3A_0 = arith.constant 0 : index
    %get3A_1 = arith.constant 0 : index
    %get3A_2 = vector.load %arg3[%get3A, %get3A_0, %get3A_1] : memref<2x2000x16xf32, #tpu.memory_space<vmem>>, vector<2x2000x16xf32>
    %slice3A = vector.extract_strided_slice %get3A_2 {offsets = [0, 0, 0], sizes = [1, 2000, 1], strides = [1, 1, 1]} : vector<2x2000x16xf32> to vector<1x2000x1xf32>
    %squeeze3A = vector.shape_cast %slice3A : vector<1x2000x1xf32> to vector<2000x1xf32>
    %slice3A_3 = vector.extract_strided_slice %get3A_2 {offsets = [1, 0, 0], sizes = [1, 2000, 1], strides = [1, 1, 1]} : vector<2x2000x16xf32> to vector<1x2000x1xf32>
    %squeeze3A_4 = vector.shape_cast %slice3A_3 : vector<1x2000x1xf32> to vector<2000x1xf32>
    %add3A = arith.addf %squeeze3A, %squeeze3A_4 : vector<2000x1xf32>
    %add3A_5 = arith.constant 1.000000e+00 : f32
    %add3A_6 = vector.broadcast %add3A_5 : f32 to vector<2000x1xf32>
    %add3A_7 = arith.addf %add3A, %add3A_6 : vector<2000x1xf32>
    %sqrt3A = math.sqrt %add3A_7 : vector<2000x1xf32>
    %div3A = arith.constant 1.000000e+00 : f32
    %div3A_8 = vector.broadcast %div3A : f32 to vector<2000x1xf32>
    %div3A_9 = arith.divf %div3A_8, %sqrt3A : vector<2000x1xf32>
    %get3A_10 = arith.constant 0 : index
    %get3A_11 = arith.constant 0 : index
    %get3A_12 = arith.constant 0 : index
    %get3A_13 = vector.load %arg1[%get3A_10, %get3A_11, %get3A_12] : memref<2x2000x64xf32, #tpu.memory_space<vmem>>, vector<2x2000x64xf32>
    %slice3A_14 = vector.extract_strided_slice %get3A_13 {offsets = [0, 0, 0], sizes = [1, 2000, 64], strides = [1, 1, 1]} : vector<2x2000x64xf32> to vector<1x2000x64xf32>
    %squeeze3A_15 = vector.shape_cast %slice3A_14 : vector<1x2000x64xf32> to vector<2000x64xf32>
    %slice3A_16 = vector.extract_strided_slice %get3A_13 {offsets = [1, 0, 0], sizes = [1, 2000, 64], strides = [1, 1, 1]} : vector<2x2000x64xf32> to vector<1x2000x64xf32>
    %squeeze3A_17 = vector.shape_cast %slice3A_16 : vector<1x2000x64xf32> to vector<2000x64xf32>
    %add3A_18 = arith.addf %squeeze3A_15, %squeeze3A_17 : vector<2000x64xf32>
    %get3A_19 = arith.constant 0 : index
    %get3A_20 = arith.constant 0 : index
    %get3A_21 = vector.load %arg2[%get3A_19, %get3A_20] : memref<2000x64xf32, #tpu.memory_space<vmem>>, vector<2000x64xf32>
    %add3A_22 = arith.addf %add3A_18, %get3A_21 : vector<2000x64xf32>
    %mul3A = vector.broadcast %div3A_9 : vector<2000x1xf32> to vector<2000x64xf32>
    %mul3A_23 = arith.mulf %mul3A, %add3A_22 : vector<2000x64xf32>
    %get3A_24 = arith.constant 0 : index
    %get3A_25 = arith.constant 0 : index
    %get3A_26 = vector.load %arg4[%get3A_24, %get3A_25] : memref<1x64xf32, #tpu.memory_space<vmem>>, vector<1x64xf32>
    %add3A_27 = vector.broadcast %get3A_26 : vector<1x64xf32> to vector<2000x64xf32>
    %add3A_28 = arith.addf %mul3A_23, %add3A_27 : vector<2000x64xf32>
    %max3A = arith.constant 0.000000e+00 : f32
    %max3A_29 = vector.broadcast %max3A : f32 to vector<2000x64xf32>
    %max3A_30 = arith.maximumf %add3A_28, %max3A_29 : vector<2000x64xf32>
    %get3A_31 = arith.constant 0 : index
    %get3A_32 = arith.constant 0 : index
    %get3A_33 = vector.load %arg5[%get3A_31, %get3A_32] : memref<64x32xf32, #tpu.memory_space<vmem>>, vector<64x32xf32>
    %dot_general3A = arith.constant dense<0.000000e+00> : vector<2000x32xf32>
    %dot_general3A_34 = tpu.matmul %max3A_30, %get3A_33, %dot_general3A {dimension_numbers = #tpu.dot_dimension_numbers<[1], [0], [0], [1], [0, 0, 1, 1], [], []>, transpose_lhs_hint = false} : vector<2000x64xf32>, vector<64x32xf32>, vector<2000x32xf32> -> vector<2000x32xf32>
    %mul3A_35 = vector.broadcast %div3A_9 : vector<2000x1xf32> to vector<2000x32xf32>
    %mul3A_36 = arith.mulf %mul3A_35, %dot_general3A_34 : vector<2000x32xf32>
    %swap3A = arith.constant 0 : index
    %swap3A_37 = arith.constant 0 : index
    %swap3A_38 = vector.load %arg6[%swap3A, %swap3A_37] : memref<2000x32xf32, #tpu.memory_space<vmem>>, vector<2000x32xf32>
    tpu.vector_store %arg6[%swap3A, %swap3A_37], %mul3A_36 {strides = array<i32>} : memref<2000x32xf32, #tpu.memory_space<vmem>>, vector<2000x32xf32>,
    return
  }
  func.func @transform_0(%arg0: i32) -> (i32, i32, i32) {
    %c0_i32 = arith.constant 0 : i32
    %c0_i32_0 = arith.constant 0 : i32
    %c0_i32_1 = arith.constant 0 : i32
    return %c0_i32, %arg0, %c0_i32_0 : i32, i32, i32
  }
  func.func @transform_1(%arg0: i32) -> (i32, i32) {
    %c0_i32 = arith.constant 0 : i32
    %c0_i32_0 = arith.constant 0 : i32
    return %arg0, %c0_i32 : i32, i32
  }
  func.func @transform_2(%arg0: i32) -> (i32, i32, i32) {
    %c0_i32 = arith.constant 0 : i32
    %c0_i32_0 = arith.constant 0 : i32
    %c0_i32_1 = arith.constant 0 : i32
    return %c0_i32, %arg0, %c0_i32_0 : i32, i32, i32
  }
  func.func @transform_3(%arg0: i32) -> (i32, i32) {
    %c0_i32 = arith.constant 0 : i32
    %c0_i32_0 = arith.constant 0 : i32
    %c0_i32_1 = arith.constant 0 : i32
    return %c0_i32, %c0_i32_0 : i32, i32
  }
  func.func @transform_4(%arg0: i32) -> (i32, i32) {
    %c0_i32 = arith.constant 0 : i32
    %c0_i32_0 = arith.constant 0 : i32
    %c0_i32_1 = arith.constant 0 : i32
    return %c0_i32, %c0_i32_0 : i32, i32
  }
  func.func @transform_5(%arg0: i32) -> (i32, i32) {
    %c0_i32 = arith.constant 0 : i32
    %c0_i32_0 = arith.constant 0 : i32
    return %arg0, %c0_i32 : i32, i32
  }
}

module attributes {stable_mosaic.version = 14 : i64} {
  func.func @_combine_body(%arg0: i32, %arg1: memref<2x2000x32xf32, #tpu.memory_space<vmem>>, %arg2: memref<2000x32xf32, #tpu.memory_space<vmem>>, %arg3: memref<2x2000x16xf32, #tpu.memory_space<vmem>>, %arg4: memref<1x32xf32, #tpu.memory_space<vmem>>, %arg5: memref<32x16xf32, #tpu.memory_space<vmem>>, %arg6: memref<2000x16xf32, #tpu.memory_space<vmem>>) attributes {dimension_semantics = [#tpu.dimension_semantics<arbitrary>], iteration_bounds = array<i64: 5>, scalar_prefetch = 0 : i64, scratch_operands = 0 : i64, tpu.core_type = #tpu.core_type<tc>, window_params = [{transform_indices = @transform_0, window_bounds = array<i64: 2, 2000, 32>}, {transform_indices = @transform_1, window_bounds = array<i64: 2000, 32>}, {transform_indices = @transform_2, window_bounds = array<i64: 2, 2000, 16>}, {pipeline_mode = #tpu.pipeline_mode<synchronous>, transform_indices = @transform_3, window_bounds = array<i64: 1, 32>}, {pipeline_mode = #tpu.pipeline_mode<synchronous>, transform_indices = @transform_4, window_bounds = array<i64: 32, 16>}, {transform_indices = @transform_5, window_bounds = array<i64: 2000, 16>}]} {
    %get3A = arith.constant 0 : index
    %get3A_0 = arith.constant 0 : index
    %get3A_1 = arith.constant 0 : index
    %get3A_2 = vector.load %arg3[%get3A, %get3A_0, %get3A_1] : memref<2x2000x16xf32, #tpu.memory_space<vmem>>, vector<2x2000x16xf32>
    %slice3A = vector.extract_strided_slice %get3A_2 {offsets = [0, 0, 0], sizes = [1, 2000, 1], strides = [1, 1, 1]} : vector<2x2000x16xf32> to vector<1x2000x1xf32>
    %squeeze3A = vector.shape_cast %slice3A : vector<1x2000x1xf32> to vector<2000x1xf32>
    %slice3A_3 = vector.extract_strided_slice %get3A_2 {offsets = [1, 0, 0], sizes = [1, 2000, 1], strides = [1, 1, 1]} : vector<2x2000x16xf32> to vector<1x2000x1xf32>
    %squeeze3A_4 = vector.shape_cast %slice3A_3 : vector<1x2000x1xf32> to vector<2000x1xf32>
    %add3A = arith.addf %squeeze3A, %squeeze3A_4 : vector<2000x1xf32>
    %add3A_5 = arith.constant 1.000000e+00 : f32
    %add3A_6 = vector.broadcast %add3A_5 : f32 to vector<2000x1xf32>
    %add3A_7 = arith.addf %add3A, %add3A_6 : vector<2000x1xf32>
    %sqrt3A = math.sqrt %add3A_7 : vector<2000x1xf32>
    %div3A = arith.constant 1.000000e+00 : f32
    %div3A_8 = vector.broadcast %div3A : f32 to vector<2000x1xf32>
    %div3A_9 = arith.divf %div3A_8, %sqrt3A : vector<2000x1xf32>
    %get3A_10 = arith.constant 0 : index
    %get3A_11 = arith.constant 0 : index
    %get3A_12 = arith.constant 0 : index
    %get3A_13 = vector.load %arg1[%get3A_10, %get3A_11, %get3A_12] : memref<2x2000x32xf32, #tpu.memory_space<vmem>>, vector<2x2000x32xf32>
    %slice3A_14 = vector.extract_strided_slice %get3A_13 {offsets = [0, 0, 0], sizes = [1, 2000, 32], strides = [1, 1, 1]} : vector<2x2000x32xf32> to vector<1x2000x32xf32>
    %squeeze3A_15 = vector.shape_cast %slice3A_14 : vector<1x2000x32xf32> to vector<2000x32xf32>
    %slice3A_16 = vector.extract_strided_slice %get3A_13 {offsets = [1, 0, 0], sizes = [1, 2000, 32], strides = [1, 1, 1]} : vector<2x2000x32xf32> to vector<1x2000x32xf32>
    %squeeze3A_17 = vector.shape_cast %slice3A_16 : vector<1x2000x32xf32> to vector<2000x32xf32>
    %add3A_18 = arith.addf %squeeze3A_15, %squeeze3A_17 : vector<2000x32xf32>
    %get3A_19 = arith.constant 0 : index
    %get3A_20 = arith.constant 0 : index
    %get3A_21 = vector.load %arg2[%get3A_19, %get3A_20] : memref<2000x32xf32, #tpu.memory_space<vmem>>, vector<2000x32xf32>
    %add3A_22 = arith.addf %add3A_18, %get3A_21 : vector<2000x32xf32>
    %mul3A = vector.broadcast %div3A_9 : vector<2000x1xf32> to vector<2000x32xf32>
    %mul3A_23 = arith.mulf %mul3A, %add3A_22 : vector<2000x32xf32>
    %get3A_24 = arith.constant 0 : index
    %get3A_25 = arith.constant 0 : index
    %get3A_26 = vector.load %arg4[%get3A_24, %get3A_25] : memref<1x32xf32, #tpu.memory_space<vmem>>, vector<1x32xf32>
    %add3A_27 = vector.broadcast %get3A_26 : vector<1x32xf32> to vector<2000x32xf32>
    %add3A_28 = arith.addf %mul3A_23, %add3A_27 : vector<2000x32xf32>
    %max3A = arith.constant 0.000000e+00 : f32
    %max3A_29 = vector.broadcast %max3A : f32 to vector<2000x32xf32>
    %max3A_30 = arith.maximumf %add3A_28, %max3A_29 : vector<2000x32xf32>
    %get3A_31 = arith.constant 0 : index
    %get3A_32 = arith.constant 0 : index
    %get3A_33 = vector.load %arg5[%get3A_31, %get3A_32] : memref<32x16xf32, #tpu.memory_space<vmem>>, vector<32x16xf32>
    %dot_general3A = arith.constant dense<0.000000e+00> : vector<2000x16xf32>
    %dot_general3A_34 = tpu.matmul %max3A_30, %get3A_33, %dot_general3A {dimension_numbers = #tpu.dot_dimension_numbers<[1], [0], [0], [1], [0, 0, 1, 1], [], []>, transpose_lhs_hint = false} : vector<2000x32xf32>, vector<32x16xf32>, vector<2000x16xf32> -> vector<2000x16xf32>
    %mul3A_35 = vector.broadcast %div3A_9 : vector<2000x1xf32> to vector<2000x16xf32>
    %mul3A_36 = arith.mulf %mul3A_35, %dot_general3A_34 : vector<2000x16xf32>
    %swap3A = arith.constant 0 : index
    %swap3A_37 = arith.constant 0 : index
    %swap3A_38 = vector.load %arg6[%swap3A, %swap3A_37] : memref<2000x16xf32, #tpu.memory_space<vmem>>, vector<2000x16xf32>
    tpu.vector_store %arg6[%swap3A, %swap3A_37], %mul3A_36 {strides = array<i32>} : memref<2000x16xf32, #tpu.memory_space<vmem>>, vector<2000x16xf32>,
    return
  }
  func.func @transform_0(%arg0: i32) -> (i32, i32, i32) {
    %c0_i32 = arith.constant 0 : i32
    %c0_i32_0 = arith.constant 0 : i32
    %c0_i32_1 = arith.constant 0 : i32
    return %c0_i32, %arg0, %c0_i32_0 : i32, i32, i32
  }
  func.func @transform_1(%arg0: i32) -> (i32, i32) {
    %c0_i32 = arith.constant 0 : i32
    %c0_i32_0 = arith.constant 0 : i32
    return %arg0, %c0_i32 : i32, i32
  }
  func.func @transform_2(%arg0: i32) -> (i32, i32, i32) {
    %c0_i32 = arith.constant 0 : i32
    %c0_i32_0 = arith.constant 0 : i32
    %c0_i32_1 = arith.constant 0 : i32
    return %c0_i32, %arg0, %c0_i32_0 : i32, i32, i32
  }
  func.func @transform_3(%arg0: i32) -> (i32, i32) {
    %c0_i32 = arith.constant 0 : i32
    %c0_i32_0 = arith.constant 0 : i32
    %c0_i32_1 = arith.constant 0 : i32
    return %c0_i32, %c0_i32_0 : i32, i32
  }
  func.func @transform_4(%arg0: i32) -> (i32, i32) {
    %c0_i32 = arith.constant 0 : i32
    %c0_i32_0 = arith.constant 0 : i32
    %c0_i32_1 = arith.constant 0 : i32
    return %c0_i32, %c0_i32_0 : i32, i32
  }
  func.func @transform_5(%arg0: i32) -> (i32, i32) {
    %c0_i32 = arith.constant 0 : i32
    %c0_i32_0 = arith.constant 0 : i32
    return %arg0, %c0_i32 : i32, i32
  }
}

module attributes {stable_mosaic.version = 14 : i64} {
  func.func @_combine_body(%arg0: i32, %arg1: memref<2x2000x16xf32, #tpu.memory_space<vmem>>, %arg2: memref<2000x16xf32, #tpu.memory_space<vmem>>, %arg3: memref<2x2000x16xf32, #tpu.memory_space<vmem>>, %arg4: memref<1x16xf32, #tpu.memory_space<vmem>>, %arg5: memref<2000x16xf32, #tpu.memory_space<vmem>>) attributes {dimension_semantics = [#tpu.dimension_semantics<arbitrary>], iteration_bounds = array<i64: 5>, scalar_prefetch = 0 : i64, scratch_operands = 0 : i64, tpu.core_type = #tpu.core_type<tc>, window_params = [{transform_indices = @transform_0, window_bounds = array<i64: 2, 2000, 16>}, {transform_indices = @transform_1, window_bounds = array<i64: 2000, 16>}, {transform_indices = @transform_2, window_bounds = array<i64: 2, 2000, 16>}, {pipeline_mode = #tpu.pipeline_mode<synchronous>, transform_indices = @transform_3, window_bounds = array<i64: 1, 16>}, {transform_indices = @transform_4, window_bounds = array<i64: 2000, 16>}]} {
    %get3A = arith.constant 0 : index
    %get3A_0 = arith.constant 0 : index
    %get3A_1 = arith.constant 0 : index
    %get3A_2 = vector.load %arg3[%get3A, %get3A_0, %get3A_1] : memref<2x2000x16xf32, #tpu.memory_space<vmem>>, vector<2x2000x16xf32>
    %slice3A = vector.extract_strided_slice %get3A_2 {offsets = [0, 0, 0], sizes = [1, 2000, 1], strides = [1, 1, 1]} : vector<2x2000x16xf32> to vector<1x2000x1xf32>
    %squeeze3A = vector.shape_cast %slice3A : vector<1x2000x1xf32> to vector<2000x1xf32>
    %slice3A_3 = vector.extract_strided_slice %get3A_2 {offsets = [1, 0, 0], sizes = [1, 2000, 1], strides = [1, 1, 1]} : vector<2x2000x16xf32> to vector<1x2000x1xf32>
    %squeeze3A_4 = vector.shape_cast %slice3A_3 : vector<1x2000x1xf32> to vector<2000x1xf32>
    %add3A = arith.addf %squeeze3A, %squeeze3A_4 : vector<2000x1xf32>
    %add3A_5 = arith.constant 1.000000e+00 : f32
    %add3A_6 = vector.broadcast %add3A_5 : f32 to vector<2000x1xf32>
    %add3A_7 = arith.addf %add3A, %add3A_6 : vector<2000x1xf32>
    %sqrt3A = math.sqrt %add3A_7 : vector<2000x1xf32>
    %div3A = arith.constant 1.000000e+00 : f32
    %div3A_8 = vector.broadcast %div3A : f32 to vector<2000x1xf32>
    %div3A_9 = arith.divf %div3A_8, %sqrt3A : vector<2000x1xf32>
    %get3A_10 = arith.constant 0 : index
    %get3A_11 = arith.constant 0 : index
    %get3A_12 = arith.constant 0 : index
    %get3A_13 = vector.load %arg1[%get3A_10, %get3A_11, %get3A_12] : memref<2x2000x16xf32, #tpu.memory_space<vmem>>, vector<2x2000x16xf32>
    %slice3A_14 = vector.extract_strided_slice %get3A_13 {offsets = [0, 0, 0], sizes = [1, 2000, 16], strides = [1, 1, 1]} : vector<2x2000x16xf32> to vector<1x2000x16xf32>
    %squeeze3A_15 = vector.shape_cast %slice3A_14 : vector<1x2000x16xf32> to vector<2000x16xf32>
    %slice3A_16 = vector.extract_strided_slice %get3A_13 {offsets = [1, 0, 0], sizes = [1, 2000, 16], strides = [1, 1, 1]} : vector<2x2000x16xf32> to vector<1x2000x16xf32>
    %squeeze3A_17 = vector.shape_cast %slice3A_16 : vector<1x2000x16xf32> to vector<2000x16xf32>
    %add3A_18 = arith.addf %squeeze3A_15, %squeeze3A_17 : vector<2000x16xf32>
    %get3A_19 = arith.constant 0 : index
    %get3A_20 = arith.constant 0 : index
    %get3A_21 = vector.load %arg2[%get3A_19, %get3A_20] : memref<2000x16xf32, #tpu.memory_space<vmem>>, vector<2000x16xf32>
    %add3A_22 = arith.addf %add3A_18, %get3A_21 : vector<2000x16xf32>
    %mul3A = vector.broadcast %div3A_9 : vector<2000x1xf32> to vector<2000x16xf32>
    %mul3A_23 = arith.mulf %mul3A, %add3A_22 : vector<2000x16xf32>
    %get3A_24 = arith.constant 0 : index
    %get3A_25 = arith.constant 0 : index
    %get3A_26 = vector.load %arg4[%get3A_24, %get3A_25] : memref<1x16xf32, #tpu.memory_space<vmem>>, vector<1x16xf32>
    %add3A_27 = vector.broadcast %get3A_26 : vector<1x16xf32> to vector<2000x16xf32>
    %add3A_28 = arith.addf %mul3A_23, %add3A_27 : vector<2000x16xf32>
    %swap3A = arith.constant 0 : index
    %swap3A_29 = arith.constant 0 : index
    %swap3A_30 = vector.load %arg5[%swap3A, %swap3A_29] : memref<2000x16xf32, #tpu.memory_space<vmem>>, vector<2000x16xf32>
    tpu.vector_store %arg5[%swap3A, %swap3A_29], %add3A_28 {strides = array<i32>} : memref<2000x16xf32, #tpu.memory_space<vmem>>, vector<2000x16xf32>,
    return
  }
  func.func @transform_0(%arg0: i32) -> (i32, i32, i32) {
    %c0_i32 = arith.constant 0 : i32
    %c0_i32_0 = arith.constant 0 : i32
    %c0_i32_1 = arith.constant 0 : i32
    return %c0_i32, %arg0, %c0_i32_0 : i32, i32, i32
  }
  func.func @transform_1(%arg0: i32) -> (i32, i32) {
    %c0_i32 = arith.constant 0 : i32
    %c0_i32_0 = arith.constant 0 : i32
    return %arg0, %c0_i32 : i32, i32
  }
  func.func @transform_2(%arg0: i32) -> (i32, i32, i32) {
    %c0_i32 = arith.constant 0 : i32
    %c0_i32_0 = arith.constant 0 : i32
    %c0_i32_1 = arith.constant 0 : i32
    return %c0_i32, %arg0, %c0_i32_0 : i32, i32, i32
  }
  func.func @transform_3(%arg0: i32) -> (i32, i32) {
    %c0_i32 = arith.constant 0 : i32
    %c0_i32_0 = arith.constant 0 : i32
    %c0_i32_1 = arith.constant 0 : i32
    return %c0_i32, %c0_i32_0 : i32, i32
  }
  func.func @transform_4(%arg0: i32) -> (i32, i32) {
    %c0_i32 = arith.constant 0 : i32
    %c0_i32_0 = arith.constant 0 : i32
    return %arg0, %c0_i32 : i32, i32
  }
}

module attributes {stable_mosaic.version = 14 : i64} {
  func.func @_enc_body(%arg0: i32, %arg1: memref<1x1x2000xf32, #tpu.memory_space<vmem>>, %arg2: memref<2000x128xf32, #tpu.memory_space<vmem>>, %arg3: memref<1x128xf32, #tpu.memory_space<vmem>>, %arg4: memref<1x128xf32, #tpu.memory_space<vmem>>, %arg5: memref<1x128xf32, #tpu.memory_space<vmem>>) attributes {dimension_semantics = [#tpu.dimension_semantics<arbitrary>], iteration_bounds = array<i64: 80>, scalar_prefetch = 0 : i64, scratch_operands = 1 : i64, tpu.core_type = #tpu.core_type<tc>, window_params = [{transform_indices = @transform_0, window_bounds = array<i64: 1, 1, 2000>}, {transform_indices = @transform_1, window_bounds = array<i64: 2000, 128>}, {pipeline_mode = #tpu.pipeline_mode<synchronous>, transform_indices = @transform_2, window_bounds = array<i64: 1, 128>}, {pipeline_mode = #tpu.pipeline_mode<synchronous>, transform_indices = @transform_3, window_bounds = array<i64: 1, 128>}]} {
    %eq3A = arith.constant 0 : i32
    %eq3A_0 = arith.cmpi eq, %arg0, %eq3A : i32
    %convert_element_type3A = arith.extui %eq3A_0 : i1 to i32
    %cond3A = arith.constant 0 : i32
    %cond3A_1 = arith.cmpi ne, %convert_element_type3A, %cond3A : i32
    scf.if %cond3A_1 {
      %broadcast_in_dim3A = arith.constant 0.000000e+00 : f32
      %broadcast_in_dim3A_20 = vector.broadcast %broadcast_in_dim3A : f32 to vector<1x128xf32>
      %swap3A_21 = arith.constant 0 : index
      %swap3A_22 = arith.constant 0 : index
      %swap3A_23 = vector.load %arg5[%swap3A_21, %swap3A_22] : memref<1x128xf32, #tpu.memory_space<vmem>>, vector<1x128xf32>
      tpu.vector_store %arg5[%swap3A_21, %swap3A_22], %broadcast_in_dim3A_20 {strides = array<i32>} : memref<1x128xf32, #tpu.memory_space<vmem>>, vector<1x128xf32>,
    } else {
    }
    %get3A = arith.constant 0 : index
    %get3A_2 = arith.constant 0 : index
    %get3A_3 = vector.load %arg5[%get3A, %get3A_2] : memref<1x128xf32, #tpu.memory_space<vmem>>, vector<1x128xf32>
    %get3A_4 = arith.constant 0 : index
    %get3A_5 = arith.constant 0 : index
    %get3A_6 = arith.constant 0 : index
    %get3A_7 = vector.load %arg1[%get3A_4, %get3A_5, %get3A_6] : memref<1x1x2000xf32, #tpu.memory_space<vmem>>, vector<1x1x2000xf32>
    %get3A_8 = vector.shape_cast %get3A_7 : vector<1x1x2000xf32> to vector<1x2000xf32>
    %get3A_9 = arith.constant 0 : index
    %get3A_10 = arith.constant 0 : index
    %get3A_11 = vector.load %arg2[%get3A_9, %get3A_10] : memref<2000x128xf32, #tpu.memory_space<vmem>>, vector<2000x128xf32>
    %dot_general3A = arith.constant dense<0.000000e+00> : vector<1x128xf32>
    %dot_general3A_12 = tpu.matmul %get3A_8, %get3A_11, %dot_general3A {dimension_numbers = #tpu.dot_dimension_numbers<[1], [0], [0], [1], [0, 0, 1, 1], [], []>, transpose_lhs_hint = false} : vector<1x2000xf32>, vector<2000x128xf32>, vector<1x128xf32> -> vector<1x128xf32>
    %add3A = arith.addf %get3A_3, %dot_general3A_12 : vector<1x128xf32>
    %swap3A = arith.constant 0 : index
    %swap3A_13 = arith.constant 0 : index
    %swap3A_14 = vector.load %arg5[%swap3A, %swap3A_13] : memref<1x128xf32, #tpu.memory_space<vmem>>, vector<1x128xf32>
    tpu.vector_store %arg5[%swap3A, %swap3A_13], %add3A {strides = array<i32>} : memref<1x128xf32, #tpu.memory_space<vmem>>, vector<1x128xf32>,
    %eq3A_15 = arith.constant 79 : i32
    %eq3A_16 = arith.cmpi eq, %arg0, %eq3A_15 : i32
    %convert_element_type3A_17 = arith.extui %eq3A_16 : i1 to i32
    %cond3A_18 = arith.constant 0 : i32
    %cond3A_19 = arith.cmpi ne, %convert_element_type3A_17, %cond3A_18 : i32
    scf.if %cond3A_19 {
      %get3A_20 = arith.constant 0 : index
      %get3A_21 = arith.constant 0 : index
      %get3A_22 = vector.load %arg5[%get3A_20, %get3A_21] : memref<1x128xf32, #tpu.memory_space<vmem>>, vector<1x128xf32>
      %get3A_23 = arith.constant 0 : index
      %get3A_24 = arith.constant 0 : index
      %get3A_25 = vector.load %arg3[%get3A_23, %get3A_24] : memref<1x128xf32, #tpu.memory_space<vmem>>, vector<1x128xf32>
      %add3A_26 = arith.addf %get3A_22, %get3A_25 : vector<1x128xf32>
      %swap3A_27 = arith.constant 0 : index
      %swap3A_28 = arith.constant 0 : index
      %swap3A_29 = vector.load %arg4[%swap3A_27, %swap3A_28] : memref<1x128xf32, #tpu.memory_space<vmem>>, vector<1x128xf32>
      tpu.vector_store %arg4[%swap3A_27, %swap3A_28], %add3A_26 {strides = array<i32>} : memref<1x128xf32, #tpu.memory_space<vmem>>, vector<1x128xf32>,
    } else {
    }
    return
  }
  func.func @transform_0(%arg0: i32) -> (i32, i32, i32) {
    %c0_i32 = arith.constant 0 : i32
    %c0_i32_0 = arith.constant 0 : i32
    %c0_i32_1 = arith.constant 0 : i32
    return %arg0, %c0_i32, %c0_i32_0 : i32, i32, i32
  }
  func.func @transform_1(%arg0: i32) -> (i32, i32) {
    %c0_i32 = arith.constant 0 : i32
    %c0_i32_0 = arith.constant 0 : i32
    return %arg0, %c0_i32 : i32, i32
  }
  func.func @transform_2(%arg0: i32) -> (i32, i32) {
    %c0_i32 = arith.constant 0 : i32
    %c0_i32_0 = arith.constant 0 : i32
    %c0_i32_1 = arith.constant 0 : i32
    return %c0_i32, %c0_i32_0 : i32, i32
  }
  func.func @transform_3(%arg0: i32) -> (i32, i32) {
    %c0_i32 = arith.constant 0 : i32
    %c0_i32_0 = arith.constant 0 : i32
    %c0_i32_1 = arith.constant 0 : i32
    return %c0_i32, %c0_i32_0 : i32, i32
  }
}

module attributes {stable_mosaic.version = 14 : i64} {
  func.func @_dec_body(%arg0: i32, %arg1: memref<1x128xf32, #tpu.memory_space<vmem>>, %arg2: memref<128x3200xf32, #tpu.memory_space<vmem>>, %arg3: memref<1x3200xf32, #tpu.memory_space<vmem>>, %arg4: memref<1x3200xf32, #tpu.memory_space<vmem>>) attributes {dimension_semantics = [#tpu.dimension_semantics<arbitrary>], iteration_bounds = array<i64: 50>, scalar_prefetch = 0 : i64, scratch_operands = 0 : i64, tpu.core_type = #tpu.core_type<tc>, window_params = [{pipeline_mode = #tpu.pipeline_mode<synchronous>, transform_indices = @transform_0, window_bounds = array<i64: 1, 128>}, {transform_indices = @transform_1, window_bounds = array<i64: 128, 3200>}, {transform_indices = @transform_2, window_bounds = array<i64: 1, 3200>}, {transform_indices = @transform_3, window_bounds = array<i64: 1, 3200>}]} {
    %get3A = arith.constant 0 : index
    %get3A_0 = arith.constant 0 : index
    %get3A_1 = vector.load %arg1[%get3A, %get3A_0] : memref<1x128xf32, #tpu.memory_space<vmem>>, vector<1x128xf32>
    %get3A_2 = arith.constant 0 : index
    %get3A_3 = arith.constant 0 : index
    %get3A_4 = vector.load %arg2[%get3A_2, %get3A_3] : memref<128x3200xf32, #tpu.memory_space<vmem>>, vector<128x3200xf32>
    %dot_general3A = arith.constant dense<0.000000e+00> : vector<1x3200xf32>
    %dot_general3A_5 = tpu.matmul %get3A_1, %get3A_4, %dot_general3A {dimension_numbers = #tpu.dot_dimension_numbers<[1], [0], [0], [1], [0, 0, 1, 1], [], []>, transpose_lhs_hint = false} : vector<1x128xf32>, vector<128x3200xf32>, vector<1x3200xf32> -> vector<1x3200xf32>
    %get3A_6 = arith.constant 0 : index
    %get3A_7 = arith.constant 0 : index
    %get3A_8 = vector.load %arg3[%get3A_6, %get3A_7] : memref<1x3200xf32, #tpu.memory_space<vmem>>, vector<1x3200xf32>
    %add3A = arith.addf %dot_general3A_5, %get3A_8 : vector<1x3200xf32>
    %swap3A = arith.constant 0 : index
    %swap3A_9 = arith.constant 0 : index
    %swap3A_10 = vector.load %arg4[%swap3A, %swap3A_9] : memref<1x3200xf32, #tpu.memory_space<vmem>>, vector<1x3200xf32>
    tpu.vector_store %arg4[%swap3A, %swap3A_9], %add3A {strides = array<i32>} : memref<1x3200xf32, #tpu.memory_space<vmem>>, vector<1x3200xf32>,
    return
  }
  func.func @transform_0(%arg0: i32) -> (i32, i32) {
    %c0_i32 = arith.constant 0 : i32
    %c0_i32_0 = arith.constant 0 : i32
    %c0_i32_1 = arith.constant 0 : i32
    return %c0_i32, %c0_i32_0 : i32, i32
  }
  func.func @transform_1(%arg0: i32) -> (i32, i32) {
    %c0_i32 = arith.constant 0 : i32
    %c0_i32_0 = arith.constant 0 : i32
    return %c0_i32, %arg0 : i32, i32
  }
  func.func @transform_2(%arg0: i32) -> (i32, i32) {
    %c0_i32 = arith.constant 0 : i32
    %c0_i32_0 = arith.constant 0 : i32
    return %c0_i32, %arg0 : i32, i32
  }
  func.func @transform_3(%arg0: i32) -> (i32, i32) {
    %c0_i32 = arith.constant 0 : i32
    %c0_i32_0 = arith.constant 0 : i32
    return %c0_i32, %arg0 : i32, i32
  }
}

module attributes {stable_mosaic.version = 14 : i64} {
  func.func @_lin_body(%arg0: i32, %arg1: memref<2000x16xf32, #tpu.memory_space<vmem>>, %arg2: memref<16x32xf32, #tpu.memory_space<vmem>>, %arg3: memref<2x2000x16xf32, #tpu.memory_space<vmem>>, %arg4: memref<2000x32xf32, #tpu.memory_space<vmem>>) attributes {dimension_semantics = [#tpu.dimension_semantics<arbitrary>], iteration_bounds = array<i64: 5>, scalar_prefetch = 0 : i64, scratch_operands = 0 : i64, tpu.core_type = #tpu.core_type<tc>, window_params = [{transform_indices = @transform_0, window_bounds = array<i64: 2000, 16>}, {pipeline_mode = #tpu.pipeline_mode<synchronous>, transform_indices = @transform_1, window_bounds = array<i64: 16, 32>}, {transform_indices = @transform_2, window_bounds = array<i64: 2, 2000, 16>}, {transform_indices = @transform_3, window_bounds = array<i64: 2000, 32>}]} {
    %get3A = arith.constant 0 : index
    %get3A_0 = arith.constant 0 : index
    %get3A_1 = arith.constant 0 : index
    %get3A_2 = vector.load %arg3[%get3A, %get3A_0, %get3A_1] : memref<2x2000x16xf32, #tpu.memory_space<vmem>>, vector<2x2000x16xf32>
    %slice3A = vector.extract_strided_slice %get3A_2 {offsets = [0, 0, 0], sizes = [1, 2000, 1], strides = [1, 1, 1]} : vector<2x2000x16xf32> to vector<1x2000x1xf32>
    %squeeze3A = vector.shape_cast %slice3A : vector<1x2000x1xf32> to vector<2000x1xf32>
    %slice3A_3 = vector.extract_strided_slice %get3A_2 {offsets = [1, 0, 0], sizes = [1, 2000, 1], strides = [1, 1, 1]} : vector<2x2000x16xf32> to vector<1x2000x1xf32>
    %squeeze3A_4 = vector.shape_cast %slice3A_3 : vector<1x2000x1xf32> to vector<2000x1xf32>
    %add3A = arith.addf %squeeze3A, %squeeze3A_4 : vector<2000x1xf32>
    %add3A_5 = arith.constant 1.000000e+00 : f32
    %add3A_6 = vector.broadcast %add3A_5 : f32 to vector<2000x1xf32>
    %add3A_7 = arith.addf %add3A, %add3A_6 : vector<2000x1xf32>
    %sqrt3A = math.sqrt %add3A_7 : vector<2000x1xf32>
    %div3A = arith.constant 1.000000e+00 : f32
    %div3A_8 = vector.broadcast %div3A : f32 to vector<2000x1xf32>
    %div3A_9 = arith.divf %div3A_8, %sqrt3A : vector<2000x1xf32>
    %get3A_10 = arith.constant 0 : index
    %get3A_11 = arith.constant 0 : index
    %get3A_12 = vector.load %arg1[%get3A_10, %get3A_11] : memref<2000x16xf32, #tpu.memory_space<vmem>>, vector<2000x16xf32>
    %get3A_13 = arith.constant 0 : index
    %get3A_14 = arith.constant 0 : index
    %get3A_15 = vector.load %arg2[%get3A_13, %get3A_14] : memref<16x32xf32, #tpu.memory_space<vmem>>, vector<16x32xf32>
    %dot_general3A = arith.constant dense<0.000000e+00> : vector<2000x32xf32>
    %dot_general3A_16 = tpu.matmul %get3A_12, %get3A_15, %dot_general3A {dimension_numbers = #tpu.dot_dimension_numbers<[1], [0], [0], [1], [0, 0, 1, 1], [], []>, transpose_lhs_hint = false} : vector<2000x16xf32>, vector<16x32xf32>, vector<2000x32xf32> -> vector<2000x32xf32>
    %mul3A = vector.broadcast %div3A_9 : vector<2000x1xf32> to vector<2000x32xf32>
    %mul3A_17 = arith.mulf %mul3A, %dot_general3A_16 : vector<2000x32xf32>
    %swap3A = arith.constant 0 : index
    %swap3A_18 = arith.constant 0 : index
    %swap3A_19 = vector.load %arg4[%swap3A, %swap3A_18] : memref<2000x32xf32, #tpu.memory_space<vmem>>, vector<2000x32xf32>
    tpu.vector_store %arg4[%swap3A, %swap3A_18], %mul3A_17 {strides = array<i32>} : memref<2000x32xf32, #tpu.memory_space<vmem>>, vector<2000x32xf32>,
    return
  }
  func.func @transform_0(%arg0: i32) -> (i32, i32) {
    %c0_i32 = arith.constant 0 : i32
    %c0_i32_0 = arith.constant 0 : i32
    return %arg0, %c0_i32 : i32, i32
  }
  func.func @transform_1(%arg0: i32) -> (i32, i32) {
    %c0_i32 = arith.constant 0 : i32
    %c0_i32_0 = arith.constant 0 : i32
    %c0_i32_1 = arith.constant 0 : i32
    return %c0_i32, %c0_i32_0 : i32, i32
  }
  func.func @transform_2(%arg0: i32) -> (i32, i32, i32) {
    %c0_i32 = arith.constant 0 : i32
    %c0_i32_0 = arith.constant 0 : i32
    %c0_i32_1 = arith.constant 0 : i32
    return %c0_i32, %arg0, %c0_i32_0 : i32, i32, i32
  }
  func.func @transform_3(%arg0: i32) -> (i32, i32) {
    %c0_i32 = arith.constant 0 : i32
    %c0_i32_0 = arith.constant 0 : i32
    return %arg0, %c0_i32 : i32, i32
  }
}

module attributes {stable_mosaic.version = 14 : i64} {
  func.func @_combine_body(%arg0: i32, %arg1: memref<2x2000x32xf32, #tpu.memory_space<vmem>>, %arg2: memref<2000x32xf32, #tpu.memory_space<vmem>>, %arg3: memref<2x2000x16xf32, #tpu.memory_space<vmem>>, %arg4: memref<1x32xf32, #tpu.memory_space<vmem>>, %arg5: memref<32x64xf32, #tpu.memory_space<vmem>>, %arg6: memref<2000x64xf32, #tpu.memory_space<vmem>>) attributes {dimension_semantics = [#tpu.dimension_semantics<arbitrary>], iteration_bounds = array<i64: 5>, scalar_prefetch = 0 : i64, scratch_operands = 0 : i64, tpu.core_type = #tpu.core_type<tc>, window_params = [{transform_indices = @transform_0, window_bounds = array<i64: 2, 2000, 32>}, {transform_indices = @transform_1, window_bounds = array<i64: 2000, 32>}, {transform_indices = @transform_2, window_bounds = array<i64: 2, 2000, 16>}, {pipeline_mode = #tpu.pipeline_mode<synchronous>, transform_indices = @transform_3, window_bounds = array<i64: 1, 32>}, {pipeline_mode = #tpu.pipeline_mode<synchronous>, transform_indices = @transform_4, window_bounds = array<i64: 32, 64>}, {transform_indices = @transform_5, window_bounds = array<i64: 2000, 64>}]} {
    %get3A = arith.constant 0 : index
    %get3A_0 = arith.constant 0 : index
    %get3A_1 = arith.constant 0 : index
    %get3A_2 = vector.load %arg3[%get3A, %get3A_0, %get3A_1] : memref<2x2000x16xf32, #tpu.memory_space<vmem>>, vector<2x2000x16xf32>
    %slice3A = vector.extract_strided_slice %get3A_2 {offsets = [0, 0, 0], sizes = [1, 2000, 1], strides = [1, 1, 1]} : vector<2x2000x16xf32> to vector<1x2000x1xf32>
    %squeeze3A = vector.shape_cast %slice3A : vector<1x2000x1xf32> to vector<2000x1xf32>
    %slice3A_3 = vector.extract_strided_slice %get3A_2 {offsets = [1, 0, 0], sizes = [1, 2000, 1], strides = [1, 1, 1]} : vector<2x2000x16xf32> to vector<1x2000x1xf32>
    %squeeze3A_4 = vector.shape_cast %slice3A_3 : vector<1x2000x1xf32> to vector<2000x1xf32>
    %add3A = arith.addf %squeeze3A, %squeeze3A_4 : vector<2000x1xf32>
    %add3A_5 = arith.constant 1.000000e+00 : f32
    %add3A_6 = vector.broadcast %add3A_5 : f32 to vector<2000x1xf32>
    %add3A_7 = arith.addf %add3A, %add3A_6 : vector<2000x1xf32>
    %sqrt3A = math.sqrt %add3A_7 : vector<2000x1xf32>
    %div3A = arith.constant 1.000000e+00 : f32
    %div3A_8 = vector.broadcast %div3A : f32 to vector<2000x1xf32>
    %div3A_9 = arith.divf %div3A_8, %sqrt3A : vector<2000x1xf32>
    %get3A_10 = arith.constant 0 : index
    %get3A_11 = arith.constant 0 : index
    %get3A_12 = arith.constant 0 : index
    %get3A_13 = vector.load %arg1[%get3A_10, %get3A_11, %get3A_12] : memref<2x2000x32xf32, #tpu.memory_space<vmem>>, vector<2x2000x32xf32>
    %slice3A_14 = vector.extract_strided_slice %get3A_13 {offsets = [0, 0, 0], sizes = [1, 2000, 32], strides = [1, 1, 1]} : vector<2x2000x32xf32> to vector<1x2000x32xf32>
    %squeeze3A_15 = vector.shape_cast %slice3A_14 : vector<1x2000x32xf32> to vector<2000x32xf32>
    %slice3A_16 = vector.extract_strided_slice %get3A_13 {offsets = [1, 0, 0], sizes = [1, 2000, 32], strides = [1, 1, 1]} : vector<2x2000x32xf32> to vector<1x2000x32xf32>
    %squeeze3A_17 = vector.shape_cast %slice3A_16 : vector<1x2000x32xf32> to vector<2000x32xf32>
    %add3A_18 = arith.addf %squeeze3A_15, %squeeze3A_17 : vector<2000x32xf32>
    %get3A_19 = arith.constant 0 : index
    %get3A_20 = arith.constant 0 : index
    %get3A_21 = vector.load %arg2[%get3A_19, %get3A_20] : memref<2000x32xf32, #tpu.memory_space<vmem>>, vector<2000x32xf32>
    %add3A_22 = arith.addf %add3A_18, %get3A_21 : vector<2000x32xf32>
    %mul3A = vector.broadcast %div3A_9 : vector<2000x1xf32> to vector<2000x32xf32>
    %mul3A_23 = arith.mulf %mul3A, %add3A_22 : vector<2000x32xf32>
    %get3A_24 = arith.constant 0 : index
    %get3A_25 = arith.constant 0 : index
    %get3A_26 = vector.load %arg4[%get3A_24, %get3A_25] : memref<1x32xf32, #tpu.memory_space<vmem>>, vector<1x32xf32>
    %add3A_27 = vector.broadcast %get3A_26 : vector<1x32xf32> to vector<2000x32xf32>
    %add3A_28 = arith.addf %mul3A_23, %add3A_27 : vector<2000x32xf32>
    %max3A = arith.constant 0.000000e+00 : f32
    %max3A_29 = vector.broadcast %max3A : f32 to vector<2000x32xf32>
    %max3A_30 = arith.maximumf %add3A_28, %max3A_29 : vector<2000x32xf32>
    %get3A_31 = arith.constant 0 : index
    %get3A_32 = arith.constant 0 : index
    %get3A_33 = vector.load %arg5[%get3A_31, %get3A_32] : memref<32x64xf32, #tpu.memory_space<vmem>>, vector<32x64xf32>
    %dot_general3A = arith.constant dense<0.000000e+00> : vector<2000x64xf32>
    %dot_general3A_34 = tpu.matmul %max3A_30, %get3A_33, %dot_general3A {dimension_numbers = #tpu.dot_dimension_numbers<[1], [0], [0], [1], [0, 0, 1, 1], [], []>, transpose_lhs_hint = false} : vector<2000x32xf32>, vector<32x64xf32>, vector<2000x64xf32> -> vector<2000x64xf32>
    %mul3A_35 = vector.broadcast %div3A_9 : vector<2000x1xf32> to vector<2000x64xf32>
    %mul3A_36 = arith.mulf %mul3A_35, %dot_general3A_34 : vector<2000x64xf32>
    %swap3A = arith.constant 0 : index
    %swap3A_37 = arith.constant 0 : index
    %swap3A_38 = vector.load %arg6[%swap3A, %swap3A_37] : memref<2000x64xf32, #tpu.memory_space<vmem>>, vector<2000x64xf32>
    tpu.vector_store %arg6[%swap3A, %swap3A_37], %mul3A_36 {strides = array<i32>} : memref<2000x64xf32, #tpu.memory_space<vmem>>, vector<2000x64xf32>,
    return
  }
  func.func @transform_0(%arg0: i32) -> (i32, i32, i32) {
    %c0_i32 = arith.constant 0 : i32
    %c0_i32_0 = arith.constant 0 : i32
    %c0_i32_1 = arith.constant 0 : i32
    return %c0_i32, %arg0, %c0_i32_0 : i32, i32, i32
  }
  func.func @transform_1(%arg0: i32) -> (i32, i32) {
    %c0_i32 = arith.constant 0 : i32
    %c0_i32_0 = arith.constant 0 : i32
    return %arg0, %c0_i32 : i32, i32
  }
  func.func @transform_2(%arg0: i32) -> (i32, i32, i32) {
    %c0_i32 = arith.constant 0 : i32
    %c0_i32_0 = arith.constant 0 : i32
    %c0_i32_1 = arith.constant 0 : i32
    return %c0_i32, %arg0, %c0_i32_0 : i32, i32, i32
  }
  func.func @transform_3(%arg0: i32) -> (i32, i32) {
    %c0_i32 = arith.constant 0 : i32
    %c0_i32_0 = arith.constant 0 : i32
    %c0_i32_1 = arith.constant 0 : i32
    return %c0_i32, %c0_i32_0 : i32, i32
  }
  func.func @transform_4(%arg0: i32) -> (i32, i32) {
    %c0_i32 = arith.constant 0 : i32
    %c0_i32_0 = arith.constant 0 : i32
    %c0_i32_1 = arith.constant 0 : i32
    return %c0_i32, %c0_i32_0 : i32, i32
  }
  func.func @transform_5(%arg0: i32) -> (i32, i32) {
    %c0_i32 = arith.constant 0 : i32
    %c0_i32_0 = arith.constant 0 : i32
    return %arg0, %c0_i32 : i32, i32
  }
}

module attributes {stable_mosaic.version = 14 : i64} {
  func.func @_combine_body(%arg0: i32, %arg1: memref<2x2000x64xf32, #tpu.memory_space<vmem>>, %arg2: memref<2000x64xf32, #tpu.memory_space<vmem>>, %arg3: memref<2x2000x16xf32, #tpu.memory_space<vmem>>, %arg4: memref<1x64xf32, #tpu.memory_space<vmem>>, %arg5: memref<64x16xf32, #tpu.memory_space<vmem>>, %arg6: memref<2000x16xf32, #tpu.memory_space<vmem>>) attributes {dimension_semantics = [#tpu.dimension_semantics<arbitrary>], iteration_bounds = array<i64: 5>, scalar_prefetch = 0 : i64, scratch_operands = 0 : i64, tpu.core_type = #tpu.core_type<tc>, window_params = [{transform_indices = @transform_0, window_bounds = array<i64: 2, 2000, 64>}, {transform_indices = @transform_1, window_bounds = array<i64: 2000, 64>}, {transform_indices = @transform_2, window_bounds = array<i64: 2, 2000, 16>}, {pipeline_mode = #tpu.pipeline_mode<synchronous>, transform_indices = @transform_3, window_bounds = array<i64: 1, 64>}, {pipeline_mode = #tpu.pipeline_mode<synchronous>, transform_indices = @transform_4, window_bounds = array<i64: 64, 16>}, {transform_indices = @transform_5, window_bounds = array<i64: 2000, 16>}]} {
    %get3A = arith.constant 0 : index
    %get3A_0 = arith.constant 0 : index
    %get3A_1 = arith.constant 0 : index
    %get3A_2 = vector.load %arg3[%get3A, %get3A_0, %get3A_1] : memref<2x2000x16xf32, #tpu.memory_space<vmem>>, vector<2x2000x16xf32>
    %slice3A = vector.extract_strided_slice %get3A_2 {offsets = [0, 0, 0], sizes = [1, 2000, 1], strides = [1, 1, 1]} : vector<2x2000x16xf32> to vector<1x2000x1xf32>
    %squeeze3A = vector.shape_cast %slice3A : vector<1x2000x1xf32> to vector<2000x1xf32>
    %slice3A_3 = vector.extract_strided_slice %get3A_2 {offsets = [1, 0, 0], sizes = [1, 2000, 1], strides = [1, 1, 1]} : vector<2x2000x16xf32> to vector<1x2000x1xf32>
    %squeeze3A_4 = vector.shape_cast %slice3A_3 : vector<1x2000x1xf32> to vector<2000x1xf32>
    %add3A = arith.addf %squeeze3A, %squeeze3A_4 : vector<2000x1xf32>
    %add3A_5 = arith.constant 1.000000e+00 : f32
    %add3A_6 = vector.broadcast %add3A_5 : f32 to vector<2000x1xf32>
    %add3A_7 = arith.addf %add3A, %add3A_6 : vector<2000x1xf32>
    %sqrt3A = math.sqrt %add3A_7 : vector<2000x1xf32>
    %div3A = arith.constant 1.000000e+00 : f32
    %div3A_8 = vector.broadcast %div3A : f32 to vector<2000x1xf32>
    %div3A_9 = arith.divf %div3A_8, %sqrt3A : vector<2000x1xf32>
    %get3A_10 = arith.constant 0 : index
    %get3A_11 = arith.constant 0 : index
    %get3A_12 = arith.constant 0 : index
    %get3A_13 = vector.load %arg1[%get3A_10, %get3A_11, %get3A_12] : memref<2x2000x64xf32, #tpu.memory_space<vmem>>, vector<2x2000x64xf32>
    %slice3A_14 = vector.extract_strided_slice %get3A_13 {offsets = [0, 0, 0], sizes = [1, 2000, 64], strides = [1, 1, 1]} : vector<2x2000x64xf32> to vector<1x2000x64xf32>
    %squeeze3A_15 = vector.shape_cast %slice3A_14 : vector<1x2000x64xf32> to vector<2000x64xf32>
    %slice3A_16 = vector.extract_strided_slice %get3A_13 {offsets = [1, 0, 0], sizes = [1, 2000, 64], strides = [1, 1, 1]} : vector<2x2000x64xf32> to vector<1x2000x64xf32>
    %squeeze3A_17 = vector.shape_cast %slice3A_16 : vector<1x2000x64xf32> to vector<2000x64xf32>
    %add3A_18 = arith.addf %squeeze3A_15, %squeeze3A_17 : vector<2000x64xf32>
    %get3A_19 = arith.constant 0 : index
    %get3A_20 = arith.constant 0 : index
    %get3A_21 = vector.load %arg2[%get3A_19, %get3A_20] : memref<2000x64xf32, #tpu.memory_space<vmem>>, vector<2000x64xf32>
    %add3A_22 = arith.addf %add3A_18, %get3A_21 : vector<2000x64xf32>
    %mul3A = vector.broadcast %div3A_9 : vector<2000x1xf32> to vector<2000x64xf32>
    %mul3A_23 = arith.mulf %mul3A, %add3A_22 : vector<2000x64xf32>
    %get3A_24 = arith.constant 0 : index
    %get3A_25 = arith.constant 0 : index
    %get3A_26 = vector.load %arg4[%get3A_24, %get3A_25] : memref<1x64xf32, #tpu.memory_space<vmem>>, vector<1x64xf32>
    %add3A_27 = vector.broadcast %get3A_26 : vector<1x64xf32> to vector<2000x64xf32>
    %add3A_28 = arith.addf %mul3A_23, %add3A_27 : vector<2000x64xf32>
    %max3A = arith.constant 0.000000e+00 : f32
    %max3A_29 = vector.broadcast %max3A : f32 to vector<2000x64xf32>
    %max3A_30 = arith.maximumf %add3A_28, %max3A_29 : vector<2000x64xf32>
    %get3A_31 = arith.constant 0 : index
    %get3A_32 = arith.constant 0 : index
    %get3A_33 = vector.load %arg5[%get3A_31, %get3A_32] : memref<64x16xf32, #tpu.memory_space<vmem>>, vector<64x16xf32>
    %dot_general3A = arith.constant dense<0.000000e+00> : vector<2000x16xf32>
    %dot_general3A_34 = tpu.matmul %max3A_30, %get3A_33, %dot_general3A {dimension_numbers = #tpu.dot_dimension_numbers<[1], [0], [0], [1], [0, 0, 1, 1], [], []>, transpose_lhs_hint = false} : vector<2000x64xf32>, vector<64x16xf32>, vector<2000x16xf32> -> vector<2000x16xf32>
    %mul3A_35 = vector.broadcast %div3A_9 : vector<2000x1xf32> to vector<2000x16xf32>
    %mul3A_36 = arith.mulf %mul3A_35, %dot_general3A_34 : vector<2000x16xf32>
    %swap3A = arith.constant 0 : index
    %swap3A_37 = arith.constant 0 : index
    %swap3A_38 = vector.load %arg6[%swap3A, %swap3A_37] : memref<2000x16xf32, #tpu.memory_space<vmem>>, vector<2000x16xf32>
    tpu.vector_store %arg6[%swap3A, %swap3A_37], %mul3A_36 {strides = array<i32>} : memref<2000x16xf32, #tpu.memory_space<vmem>>, vector<2000x16xf32>,
    return
  }
  func.func @transform_0(%arg0: i32) -> (i32, i32, i32) {
    %c0_i32 = arith.constant 0 : i32
    %c0_i32_0 = arith.constant 0 : i32
    %c0_i32_1 = arith.constant 0 : i32
    return %c0_i32, %arg0, %c0_i32_0 : i32, i32, i32
  }
  func.func @transform_1(%arg0: i32) -> (i32, i32) {
    %c0_i32 = arith.constant 0 : i32
    %c0_i32_0 = arith.constant 0 : i32
    return %arg0, %c0_i32 : i32, i32
  }
  func.func @transform_2(%arg0: i32) -> (i32, i32, i32) {
    %c0_i32 = arith.constant 0 : i32
    %c0_i32_0 = arith.constant 0 : i32
    %c0_i32_1 = arith.constant 0 : i32
    return %c0_i32, %arg0, %c0_i32_0 : i32, i32, i32
  }
  func.func @transform_3(%arg0: i32) -> (i32, i32) {
    %c0_i32 = arith.constant 0 : i32
    %c0_i32_0 = arith.constant 0 : i32
    %c0_i32_1 = arith.constant 0 : i32
    return %c0_i32, %c0_i32_0 : i32, i32
  }
  func.func @transform_4(%arg0: i32) -> (i32, i32) {
    %c0_i32 = arith.constant 0 : i32
    %c0_i32_0 = arith.constant 0 : i32
    %c0_i32_1 = arith.constant 0 : i32
    return %c0_i32, %c0_i32_0 : i32, i32
  }
  func.func @transform_5(%arg0: i32) -> (i32, i32) {
    %c0_i32 = arith.constant 0 : i32
    %c0_i32_0 = arith.constant 0 : i32
    return %arg0, %c0_i32 : i32, i32
  }
}

</mosaic_0001>

<sc_bundles>
// kernel: kernel.19.cloned.1.call-start
scs
__scs_entry_jumppad:
0x0: {  	(pc) =	sbr.rel $0x88, $3  }
0x1: {  	(tag) =	ssettag $0x0;
	lr =	simm.s32 $0x1  }
0x2: {  	[smem:$0x3F8F] =	sst lr;
	_ =	strace $0xD0000000  }
0x3: {  	_ = 	snop  }
0x4: {  	_ = 	snop  }
0x5: {  	_ = 	snop  }
0x6: {  	_ = 	snop  }
0x7: {  	_ = 	snop  }
__scs_overlays_trampoline_lowered:
0x8: {  	[smem:$0x3F9E] =	sst s0  }
0x9: {  	[smem:$0x3F9F] =	sst s1  }
0xa: {  	[smem:$0x3FA0] =	sst s2  }
0xb: {  	[smem:$0x3FA1] =	sst s3  }
0xc: {  	[smem:$0x3FA2] =	sst s4  }
0xd: {  	[smem:$0x3FA3] =	sst s5  }
0xe: {  	[smem:$0x3FA4] =	sst s6  }
0xf: {  	[smem:$0x3FA5] =	sst s7  }
0x10: {  	[smem:$0x3FA6] =	sst s8  }
0x11: {  	[smem:$0x3FA7] =	sst s9;
	s0 =	simm.s32 @!p0 $0x0  }
0x12: {  	s1 =	sld [smem:$0x3F8D];
	s0 =	simm.s32 @p0 $0x1  }
0x13: {  	[smem:$0x3FA8] =	sst s0;
	s0 =	simm.s32 @!p1 $0x0  }
0x14: {  	s2 =	sld [smem:$0x3F8C];
	s0 =	simm.s32 @p1 $0x1  }
0x15: {  	[smem:$0x3FA9] =	sst s0;
	s0 =	simm.s32 @!p2 $0x0  }
0x16: {  	s3 =	sld [smem:$0x3FDB];
	s0 =	simm.s32 @p2 $0x1  }
0x17: {  	s4 =	simm.s32 $0x1BF5;
	[smem:$0x3FAB] =	sst s0  }
0x18: {  	s0 =	sld [smem:$0x3F8E];
	_ =	swait.ge [sflag:s4], $0x0  }
0x19: {  	s7 =	sld [smem:$0x3F8F]  }
0x1a: {  	s8 =	sadd.s32 $0xFFFFE003, lr  }
0x1b: {  	s9 =	sadd.s32 $0xFFFFFEF7, lr;
	s5 =	simm.s32 $0xFFFFFFFF;
	p2 =	slt.u32 s8, $0xFFFFF086  }
0x1c: {  	p1 =	slt.u32 s9, $0xF7A;
	s5 =	simm.s32 @!p2 $0x0  }
0x1d: {  	s5 =	simm.s32 @p1 $0x1;
	p0 =	seq.s32 s7, s2  }
0x1e: {  	s7 =	smul.u32 @!p0 $0xF7A, s2;
	p2 =	seq.s32 @!p0 s5, $0x0  }
0x1f: {  	s9 =	smul.u32 $0xF7A, s1;
	s8 =	simm.s32 @!p0 $0x1BF5;
	p2 =	por !p2, p0  }
0x20: {  	[sflag:s8] =	ssyncset.s32 @!p0 $0xFFFFF086;
	s6 =	sadd.s32 @!p0 s3, s7;
	s7 =	simm.s32 @!p0 $0x108  }
0x21: {  	s3 =	sadd.s32 s3, s9;
	s6 =	sadd.s32 @!p0 $0x88, s6;
	s7 =	simm.s32 @p2 $0x1082  }
0x22: {  	[simem:s7], [sflag:s8] =	dma.local @!p0 [hbm:s6], $0xF7A  }
0x23: {  	s9 =	sor.u32 $0xD0000000, s2;
	s6 =	simm.s32 $0x108;
	_ =	swait.ge @!p0 [sflag:s8], $0x0  }
0x24: {  	s3 =	sadd.s32 $0x88, s3;
	s6 =	simm.s32 @!p1 $0x1082;
	[sflag:s4] =	ssyncset.s32 $0xFFFFF086  }
0x25: {  	[simem:s6], [sflag:s4] =	dma.local [hbm:s3], $0xF7A  }
0x26: {  	[smem:$0x3F8F] =	sst s1;
	(tag) =	ssettag s2;
	_ =	strace s9  }
0x27: {  	s1 =	sld [smem:$0x3F9F]  }
0x28: {  	s2 =	sld [smem:$0x3FA0]  }
0x29: {  	s4 =	sld [smem:$0x3FA2]  }
0x2a: {  	p0 =	seq.s32 s5, $0x0;
	s5 =	sld [smem:$0x3FA3]  }
0x2b: {  	s6 =	sld [smem:$0x3FA4]  }
0x2c: {  	s7 =	sld [smem:$0x3FA5]  }
0x2d: {  	s3 =	simm.s32 $0x108;
	s8 =	sld [smem:$0x3FA6]  }
0x2e: {  	s3 =	simm.s32 @!p0 $0x1082;
	s9 =	sld [smem:$0x3FA7]  }
0x2f: {  	lr =	sadd.s32 s0, s3;
	s0 =	sld [smem:$0x3F9E]  }
0x30: {  	s3 =	sld [smem:$0x3FA1]  }
0x31: {  	[smem:$0x3FAA] =	sst s10  }
0x32: {  	s10 =	sld [smem:$0x3FA8];
	_ =	sdelay $0x3  }
0x33: {  	p0 =	seq.s32 s10, $0x1;
	s10 =	sld [smem:$0x3FAA];
	_ =	sdelay $0x3  }
0x34: {  	[smem:$0x3FAA] =	sst s10  }
0x35: {  	s10 =	sld [smem:$0x3FA9];
	_ =	sdelay $0x3  }
0x36: {  	p1 =	seq.s32 s10, $0x1;
	s10 =	sld [smem:$0x3FAA];
	_ =	sdelay $0x3  }
0x37: {  	[smem:$0x3FAA] =	sst s10  }
0x38: {  	s10 =	sld [smem:$0x3FAB]  }
0x39: {  	_ = 	snop;
	(pc) =	sbr.ind lr, $3  }
0x3a: {  	_ = 	snop  }
0x3b: {  	_ = 	snop  }
0x3c: {  	p2 =	seq.s32 s10, $0x1;
	s10 =	sld [smem:$0x3FAA]  }
0x3d: {  	_ =	shalt  }
0x3e: {  	_ =	shalt  }
0x3f: {  	_ =	shalt  }
0x40: {  	_ =	shalt  }
0x41: {  	_ =	shalt  }
0x42: {  	_ =	shalt  }
0x43: {  	_ =	shalt  }
0x44: {  	_ =	shalt  }
0x45: {  	_ =	shalt  }
0x46: {  	_ =	shalt  }
0x47: {  	_ =	shalt  }
0x48: {  	_ =	shalt  }
0x49: {  	_ =	shalt  }
0x4a: {  	_ =	shalt  }
0x4b: {  	_ =	shalt  }
0x4c: {  	_ =	shalt  }
0x4d: {  	_ =	shalt  }
0x4e: {  	_ =	shalt  }
0x4f: {  	_ =	shalt  }
0x50: {  	_ =	shalt  }
0x51: {  	_ =	shalt  }
0x52: {  	_ =	shalt  }
0x53: {  	_ =	shalt  }
0x54: {  	_ =	shalt  }
0x55: {  	_ =	shalt  }
0x56: {  	_ =	shalt  }
0x57: {  	_ =	shalt  }
0x58: {  	_ =	shalt  }
0x59: {  	_ =	shalt  }
0x5a: {  	_ =	shalt  }
0x5b: {  	_ =	shalt  }
0x5c: {  	_ =	shalt  }
0x5d: {  	_ =	shalt  }
0x5e: {  	_ =	shalt  }
0x5f: {  	_ =	shalt  }
0x60: {  	_ =	shalt  }
0x61: {  	_ =	shalt  }
0x62: {  	_ =	shalt  }
0x63: {  	_ =	shalt  }
0x64: {  	_ =	shalt  }
0x65: {  	_ =	shalt  }
0x66: {  	_ =	shalt  }
0x67: {  	_ =	shalt  }
0x68: {  	_ =	shalt  }
0x69: {  	_ =	shalt  }
0x6a: {  	_ =	shalt  }
0x6b: {  	_ =	shalt  }
0x6c: {  	_ =	shalt  }
0x6d: {  	_ =	shalt  }
0x6e: {  	_ =	shalt  }
0x6f: {  	_ =	shalt  }
0x70: {  	_ =	shalt  }
0x71: {  	_ =	shalt  }
0x72: {  	_ =	shalt  }
0x73: {  	_ =	shalt  }
0x74: {  	_ =	shalt  }
0x75: {  	_ =	shalt  }
0x76: {  	_ =	shalt  }
0x77: {  	_ =	shalt  }
0x78: {  	_ =	shalt  }
0x79: {  	_ =	shalt  }
0x7a: {  	_ =	shalt  }
0x7b: {  	_ =	shalt  }
0x7c: {  	_ =	shalt  }
0x7d: {  	_ =	shalt  }
0x7e: {  	_ =	shalt  }
0x7f: {  	_ =	shalt  }
0x80: {  	_ =	shalt  }
0x81: {  	_ =	shalt  }
0x82: {  	_ =	shalt  }
0x83: {  	_ =	shalt  }
0x84: {  	_ =	shalt  }
0x85: {  	_ =	shalt  }
0x86: {  	_ =	shalt  }
0x87: {  	_ =	shalt  }
.Lfunc_end0:
.L_simem_size_0:
called_computation_lowered:
.L_overlay_start_0:
0x88: {  	s2 =	sld [smem:$0x3FD9]  }
0x89: {  	s3 =	sld [smem:$0x3FFE];
	_ =	sdelay $0x1  }
0x8a: {  	s1 =	srdreg.scid  }
0x8b: {  	s0 =	sand.u32 $0x1, s1  }
0x8c: {  	s17 =	sshll.u32 s0, $0xA;
	s2 =	sadd.s32 s3, s2  }
0x8d: {  	s2 =	sadd.s32 s2, s17  }
0x8e: {  	[smem:$0x3FB6] =	sst s2  }
0x8f: {  	_ = 	snop  }
0x90: {  	s2 =	sld [smem:$0x3FD0];
	(tm) =	ssettm $0x1  }
0x91: {  	s18 =	sld [smem:$0x3FFB];
	_ =	sdelay $0x3  }
0x92: {  	_ =	strace s18  }
0x93: {  	s3 =	sld [smem:$0x3FFC];
	_ =	sdelay $0x3  }
0x94: {  	_ =	strace s3  }
0x95: {  	s3 =	sld [smem:$0x3FFD];
	_ =	sdelay $0x3  }
0x96: {  	_ =	strace s3  }
0x97: {  	_ =	strace $0x8FFFFFFF  }
0x98: {  	s19 =	sld [smem:$0x3FDB];
	_ =	sdelay $0x1  }
0x99: {  	s4 =	simm.s32 $_scs_section_size  }
0x9a: {  	s5 =	simm.s32 $_size__tile_overlayer_lowered;
	s6 =	simm.s32 $_tile_overlayer_lowered  }
0x9b: {  	s22 =	simm.s32 $0x1BFF;
	s21 =	sshll.u32 s6, $0x1;
	s3 =	sadd.s32 s4, s19  }
0x9c: {  	s7 =	simm.s32 $0x0;
	s20 =	sshll.u32 s5, $0x1;
	s5 =	sadd.s32 s21, s3  }
0x9d: {  	[timem:s7], [sflag:s22] =	dma.local [hbm:s5], s20  }
0x9e: {  	_ =	swait.ge [sflag:s22], s20  }
0x9f: {  	s4 =	ssub.s32 $0x0, s20;
	[sflag:s22] =	ssyncset.done $0x0  }
0xa0: {  	[sflag:s22] =	ssyncadd.s32 s4;
	_ =	sdelay $0x1  }
0xa1: {  	s23 =	simm.s32 $0x1B8B  }
0xa2: {  	_ =	swait.ge [sflag:s23], $0x1  }
0xa3: {  	[sflag:s23] =	ssyncset.done $0x0  }
0xa4: {  	s25 =	simm.s32 $0x1B8E;
	s24 =	sld [smem:$0x3FFE];
	[sflag:s23] =	ssyncadd.s32 $0xFFFFFFFF  }
0xa5: {  	s26 =	simm.s32 $execute0_lowered;
	[smem:$0x3FD2] =	sst s25  }
0xa6: {  	s5 =	sshll.u32 s26, $0x1;
	_ =	strace $0x80000046;
	[dreg:$0x1] =	wrdreg $0xFFFFFFFF  }
0xa7: {  	s28 =	simm.s32 $_size_execute0_lowered;
	s3 =	sadd.s32 s3, s5;
	[dreg:$0x0] =	wrdreg $0x0  }
0xa8: {  	s5 =	sshll.u32 s28, $0x1;
	[dreg:$0x2] =	wrdreg s3  }
0xa9: {  	[dreg:$0x3] =	wrdreg s5  }
0xaa: {  	[dreg:$0x4] =	wrdreg $0xC0  }
0xab: {  	_ =	task [dreg:s7], $0x5FFFF  }
0xac: {  	[dreg:$0x1] =	wrdreg $0xFFFFFFFF  }
0xad: {  	[dreg:$0x0] =	wrdreg $0x60  }
0xae: {  	[dreg:$0x2] =	wrdreg s2  }
0xaf: {  	[dreg:$0x3] =	wrdreg s24  }
0xb0: {  	[dreg:$0x4] =	wrdreg $0x2F800  }
0xb1: {  	[dreg:$0x5] =	wrdreg $0x9  }
0xb2: {  	_ =	task.clear_ibuf [dreg:s7], $0x6FFFF;
	_ =	strace $0x90000046  }
0xb3: {  	s29 =	simm.s32 $0x9;
	_ =	strace $0x80000048  }
0xb4: {  	_ =	swait.ge [sflag:s29], $0x1  }
0xb5: {  	[sflag:s29] =	ssyncadd.s32 $0xFFFFFFFF  }
0xb6: {  	_ =	strace $0x90000048  }
0xb7: {  	_ =	sfence  }
0xb8: {  	s30 =	sld [smem:$0x0];
	_ =	sdelay $0x2  }
0xb9: {  	s31 =	sshll.u32 s1, $0xD;
	s1 =	sshrl.u32 s1, $0x2  }
0xba: {  	s3 =	sand.u32 $0x4000, s31;
	s1 =	sadd.s32 s1, s30  }
0xbb: {  	s0 =	sor.u32 s3, s0;
	s1 =	sshll.u32 s1, $0x11  }
0xbc: {  	s0 =	sor.u32 s1, s0  }
0xbd: {  	s0 =	sadd.s32 $0x8F2B, s0  }
0xbe: {  	[sflag:s0] =	ssyncadd.remote.s32 $0x1  }
0xbf: {  	_ =	sfence.sel $0xFFFF  }
0xc0: {  	[dreg:$0x0] =	wrdreg $0xFFFFFFFF;
	(pc) =	sbr.abs _section_cstart, $3  }
0xc1: {  	[dreg:$0x1] =	wrdreg $0xFFFFFFFF  }
0xc2: {  	_ =	task.clear_ibuf [dreg:s7], $0x2FFFF;
	_ =	strace $0x9FFFFFFF  }
0xc3: {  	(tm) =	ssettm $0x7FFFFFFF  }
tec
execute0_lowered:
.L_overlay_start_1:
0x0: {  	(tag) =	ssettag $0x1  }
0x1: {  	s2 =	rddreg [dreg:$0x0]  }
0x2: {  	s6 =	rddreg [dreg:$0x1]  }
0x3: {  	s0 =	srdreg.scid;
	s3 =	rddreg [dreg:$0x2]  }
0x4: {  	s1 =	stileid.u32;
	s4 =	simm.s32 $0x0;
	s12 =	simm.s32 $0x800  }
0x5: {  	s13 =	simm.s32 $0x80;
	s5 =	sand.u32 $0x1, s0;
	s0 =	rddreg [dreg:$0x3]  }
0x6: {  	s14 =	simm.s32 $0x0;
	s8 =	smul.u32 $0x2780, s1;
	[smem:$0x7FF] =	sst s4  }
0x7: {  	s31 =	sshll.u32 s1, $0x6;
	s7 =	sshll.u32 s5, $0x4;
	s9 =	smul.u32 $0x27800, s5  }
0x8: {  	_ =	strace $0x80000047;
	s10 =	ssub.s32 $0x2, s5;
	s7 =	sor.u32 s1, s7  }
0x9: {  	s5 =	sadd.s32 $0xDA00, s6;
	s7 =	smul.u32 $0x4F0, s7;
	s9 =	sadd.s32 s8, s9  }
0xa: {  	s30 =	sshrl.u32 s10, $0x1;
	s11 =	sadd.s32 s8, s3;
	s9 =	sshrl.u32 s9, $0x3  }
0xb: {  	s10 =	ssub.s32 s10, s30;
	s7 =	sadd.s32 s7, s6;
	s9 =	sadd.s32 s9, s6  }
0xc: {  	s6 =	sor.u32 $0x1C01, s31;
	s7 =	sadd.s32 $0x3C00, s7;
	s8 =	sadd.s32 $0xE000, s9  }
0xd: {  	s9 =	smax.u32 s10, $0x1;
	s10 =	sshrl.u32 s11, $0x3;
	s11 =	simm.s32 $0x1  }
.LBB2_1:
0xe: {  	[spmem:s10], [sflag:s6] =	dma.local [hbm:s5], $0x4F0  }
0xf: {  	_ =	swait.ge [sflag:s11], $0x4F0  }
0x10: {  	[sflag:s11] =	ssyncset.done $0x0  }
0x11: {  	[sflag:s11] =	ssyncadd.s32 $0xFFFFFB10  }
0x12: {  	[tilespmem:s4], [sflag:$0x1] =	stream.linear.gather [hbm4b:s2+s4], $0x800, $0x38;
	[tilespmem:$0x5700] =	vst v63  }
0x13: {  	_ =	swait.ge [sflag:s11], $0x800  }
0x14: {  	[sflag:s11] =	ssyncset.done $0x0  }
0x15: {  	[sflag:s11] =	ssyncadd.s32 $0xFFFFF800  }
0x16: {  	[tilespmem:s12], [sflag:$0x1] =	stream.linear.gather [hbm4b:s7+s4], $0x2780, $0x38;
	[tilespmem:$0x5700] =	vst v63  }
0x17: {  	_ =	swait.ge [sflag:s11], $0x2780  }
0x18: {  	[sflag:s11] =	ssyncset.done $0x0  }
0x19: {  	[sflag:s11] =	ssyncadd.s32 $0xFFFFD880  }
0x1a: {  	s15 =	simm.s32 $0x800;
	[bflag:$0x0] =	sbarrier.arrive $0xFFFF  }
0x1b: {  	[spmem:s3] =	stream.indirect.scatter.add.f32 [tilespmem:s4], [sflag:$0x1], $0x10, s15, s13, $0xb8;
	[tilespmem:$0x5700] =	vst v63  }
0x1c: {  	s15 =	simm.s32 $0x200;
	_ =	swait.ge [sflag:s11], $0x800  }
.LBB2_2:
0x1d: {  	s16 =	sshra.s32 s15, $0x2;
	[sflag:s11] =	ssyncset.done $0x0;
	p0 =	sne.s32 s15, $0x9C00  }
.Ltmp0:
0x1e: {  	s16 =	sadd.s32 $0x800, s16;
	[sflag:s11] =	ssyncadd.s32 $0xFFFFF800;
	(pc) =	sbr.rel @p0 .LBB2_2-.Ltmp0, $3  }
0x1f: {  	[spmem:s3] =	stream.indirect.scatter.add.f32 [tilespmem:s4], [sflag:$0x1], $0x10, s16, s13, $0xb8;
	[tilespmem:$0x5700] =	vst v63  }
0x20: {  	s15 =	sadd.s32 $0x200, s15;
	_ =	sdelay $0x1  }
0x21: {  	_ =	swait.ge [sflag:s11], $0x800  }
0x22: {  	[sflag:s11] =	ssyncset.done $0x0;
	s14 =	sadd.s32 $0x1, s14  }
0x23: {  	[sflag:s11] =	ssyncadd.s32 $0xFFFFF800;
	p0 =	sne.s32 s14, s9  }
.Ltmp1:
0x24: {  	[bflag:$0x0] =	sbarrier.arrive $0xFFFF;
	(pc) =	sbr.rel @p0 .LBB2_1-.Ltmp1, $4  }
0x25: {  	[hbm:s8], [sflag:s6] =	dma.local [spmem:s10], $0x4F0  }
0x26: {  	_ =	swait.ge [sflag:s11], $0x4F0  }
0x27: {  	[sflag:s11] =	ssyncset.done $0x0  }
0x28: {  	[sflag:s11] =	ssyncadd.s32 $0xFFFFFB10  }
0x29: {  	_ =	sfence.sel $0x180000  }
0x2a: {  	[bflag:$0x0] =	sbarrier.arrive $0xFFFF  }
0x2b: {  	p0 =	sne.s32 s1, $0x0;
	_ =	strace $0x90000047  }
0x2c: {  	s0 =	sadd.s32 @!p0 $0x100000, s0;
	[bflag:$0x2] =	sbarrier.arrive $0xFFFF  }
0x2d: {  	[sflag:s0] =	ssyncadd.tile.s32 @!p0 $0x1;
	_ =	shalt  }
.Lfunc_end2:
_tile_overlayer_lowered:
.L_overlay_start_2:
0x2e: {  	(tag) =	ssettag $0x2  }
0x2f: {  	s0 =	rddreg [dreg:$0x0];
	s2 =	stileid.u32  }
0x30: {  	s1 =	rddreg [dreg:$0x1];
	p0 =	sne.s32 s2, $0x0  }
0x31: {  	s3 =	rddreg [dreg:$0x2];
	[bflag:$0x3] =	sbarrier.arrive $0xFFFF;
	s2 =	simm.s32 @!p0 $0x1C01  }
0x32: {  	[timem:s3], [sflag:s2] =	dma.local @!p0 [hbm:s0], s1  }
0x33: {  	s0 =	simm.s32 @!p0 $0x1  }
0x34: {  	_ =	swait.ge @!p0 [sflag:s0], s1  }
0x35: {  	s1 =	ssub.s32 @!p0 $0x0, s1;
	[sflag:s0] =	ssyncset.done @!p0 $0x0  }
0x36: {  	[sflag:s0] =	ssyncadd.s32 @!p0 s1  }
0x37: {  	[bflag:$0x3] =	sbarrier.arrive $0xFFFF  }
0x38: {  	_ =	shalt  }

// kernel: kernel.22.cloned.1.call-start
scs
__scs_entry_jumppad:
0x0: {  	(pc) =	sbr.rel $0x88, $3  }
0x1: {  	(tag) =	ssettag $0x0;
	lr =	simm.s32 $0x1  }
0x2: {  	[smem:$0x3F8F] =	sst lr;
	_ =	strace $0xD0000000  }
0x3: {  	_ = 	snop  }
0x4: {  	_ = 	snop  }
0x5: {  	_ = 	snop  }
0x6: {  	_ = 	snop  }
0x7: {  	_ = 	snop  }
__scs_overlays_trampoline_lowered:
0x8: {  	[smem:$0x3F9E] =	sst s0  }
0x9: {  	[smem:$0x3F9F] =	sst s1  }
0xa: {  	[smem:$0x3FA0] =	sst s2  }
0xb: {  	[smem:$0x3FA1] =	sst s3  }
0xc: {  	[smem:$0x3FA2] =	sst s4  }
0xd: {  	[smem:$0x3FA3] =	sst s5  }
0xe: {  	[smem:$0x3FA4] =	sst s6  }
0xf: {  	[smem:$0x3FA5] =	sst s7  }
0x10: {  	[smem:$0x3FA6] =	sst s8  }
0x11: {  	[smem:$0x3FA7] =	sst s9;
	s0 =	simm.s32 @!p0 $0x0  }
0x12: {  	s1 =	sld [smem:$0x3F8D];
	s0 =	simm.s32 @p0 $0x1  }
0x13: {  	[smem:$0x3FA8] =	sst s0;
	s0 =	simm.s32 @!p1 $0x0  }
0x14: {  	s2 =	sld [smem:$0x3F8C];
	s0 =	simm.s32 @p1 $0x1  }
0x15: {  	[smem:$0x3FA9] =	sst s0;
	s0 =	simm.s32 @!p2 $0x0  }
0x16: {  	s3 =	sld [smem:$0x3FDB];
	s0 =	simm.s32 @p2 $0x1  }
0x17: {  	s4 =	simm.s32 $0x1BF5;
	[smem:$0x3FAB] =	sst s0  }
0x18: {  	s0 =	sld [smem:$0x3F8E];
	_ =	swait.ge [sflag:s4], $0x0  }
0x19: {  	s7 =	sld [smem:$0x3F8F]  }
0x1a: {  	s8 =	sadd.s32 $0xFFFFE003, lr  }
0x1b: {  	s9 =	sadd.s32 $0xFFFFFEF7, lr;
	s5 =	simm.s32 $0xFFFFFFFF;
	p2 =	slt.u32 s8, $0xFFFFF086  }
0x1c: {  	p1 =	slt.u32 s9, $0xF7A;
	s5 =	simm.s32 @!p2 $0x0  }
0x1d: {  	s5 =	simm.s32 @p1 $0x1;
	p0 =	seq.s32 s7, s2  }
0x1e: {  	s7 =	smul.u32 @!p0 $0xF7A, s2;
	p2 =	seq.s32 @!p0 s5, $0x0  }
0x1f: {  	s9 =	smul.u32 $0xF7A, s1;
	s8 =	simm.s32 @!p0 $0x1BF5;
	p2 =	por !p2, p0  }
0x20: {  	[sflag:s8] =	ssyncset.s32 @!p0 $0xFFFFF086;
	s6 =	sadd.s32 @!p0 s3, s7;
	s7 =	simm.s32 @!p0 $0x108  }
0x21: {  	s3 =	sadd.s32 s3, s9;
	s6 =	sadd.s32 @!p0 $0x88, s6;
	s7 =	simm.s32 @p2 $0x1082  }
0x22: {  	[simem:s7], [sflag:s8] =	dma.local @!p0 [hbm:s6], $0xF7A  }
0x23: {  	s9 =	sor.u32 $0xD0000000, s2;
	s6 =	simm.s32 $0x108;
	_ =	swait.ge @!p0 [sflag:s8], $0x0  }
0x24: {  	s3 =	sadd.s32 $0x88, s3;
	s6 =	simm.s32 @!p1 $0x1082;
	[sflag:s4] =	ssyncset.s32 $0xFFFFF086  }
0x25: {  	[simem:s6], [sflag:s4] =	dma.local [hbm:s3], $0xF7A  }
0x26: {  	[smem:$0x3F8F] =	sst s1;
	(tag) =	ssettag s2;
	_ =	strace s9  }
0x27: {  	s1 =	sld [smem:$0x3F9F]  }
0x28: {  	s2 =	sld [smem:$0x3FA0]  }
0x29: {  	s4 =	sld [smem:$0x3FA2]  }
0x2a: {  	p0 =	seq.s32 s5, $0x0;
	s5 =	sld [smem:$0x3FA3]  }
0x2b: {  	s6 =	sld [smem:$0x3FA4]  }
0x2c: {  	s7 =	sld [smem:$0x3FA5]  }
0x2d: {  	s3 =	simm.s32 $0x108;
	s8 =	sld [smem:$0x3FA6]  }
0x2e: {  	s3 =	simm.s32 @!p0 $0x1082;
	s9 =	sld [smem:$0x3FA7]  }
0x2f: {  	lr =	sadd.s32 s0, s3;
	s0 =	sld [smem:$0x3F9E]  }
0x30: {  	s3 =	sld [smem:$0x3FA1]  }
0x31: {  	[smem:$0x3FAA] =	sst s10  }
0x32: {  	s10 =	sld [smem:$0x3FA8];
	_ =	sdelay $0x3  }
0x33: {  	p0 =	seq.s32 s10, $0x1;
	s10 =	sld [smem:$0x3FAA];
	_ =	sdelay $0x3  }
0x34: {  	[smem:$0x3FAA] =	sst s10  }
0x35: {  	s10 =	sld [smem:$0x3FA9];
	_ =	sdelay $0x3  }
0x36: {  	p1 =	seq.s32 s10, $0x1;
	s10 =	sld [smem:$0x3FAA];
	_ =	sdelay $0x3  }
0x37: {  	[smem:$0x3FAA] =	sst s10  }
0x38: {  	s10 =	sld [smem:$0x3FAB]  }
0x39: {  	_ = 	snop;
	(pc) =	sbr.ind lr, $3  }
0x3a: {  	_ = 	snop  }
0x3b: {  	_ = 	snop  }
0x3c: {  	p2 =	seq.s32 s10, $0x1;
	s10 =	sld [smem:$0x3FAA]  }
0x3d: {  	_ =	shalt  }
0x3e: {  	_ =	shalt  }
0x3f: {  	_ =	shalt  }
0x40: {  	_ =	shalt  }
0x41: {  	_ =	shalt  }
0x42: {  	_ =	shalt  }
0x43: {  	_ =	shalt  }
0x44: {  	_ =	shalt  }
0x45: {  	_ =	shalt  }
0x46: {  	_ =	shalt  }
0x47: {  	_ =	shalt  }
0x48: {  	_ =	shalt  }
0x49: {  	_ =	shalt  }
0x4a: {  	_ =	shalt  }
0x4b: {  	_ =	shalt  }
0x4c: {  	_ =	shalt  }
0x4d: {  	_ =	shalt  }
0x4e: {  	_ =	shalt  }
0x4f: {  	_ =	shalt  }
0x50: {  	_ =	shalt  }
0x51: {  	_ =	shalt  }
0x52: {  	_ =	shalt  }
0x53: {  	_ =	shalt  }
0x54: {  	_ =	shalt  }
0x55: {  	_ =	shalt  }
0x56: {  	_ =	shalt  }
0x57: {  	_ =	shalt  }
0x58: {  	_ =	shalt  }
0x59: {  	_ =	shalt  }
0x5a: {  	_ =	shalt  }
0x5b: {  	_ =	shalt  }
0x5c: {  	_ =	shalt  }
0x5d: {  	_ =	shalt  }
0x5e: {  	_ =	shalt  }
0x5f: {  	_ =	shalt  }
0x60: {  	_ =	shalt  }
0x61: {  	_ =	shalt  }
0x62: {  	_ =	shalt  }
0x63: {  	_ =	shalt  }
0x64: {  	_ =	shalt  }
0x65: {  	_ =	shalt  }
0x66: {  	_ =	shalt  }
0x67: {  	_ =	shalt  }
0x68: {  	_ =	shalt  }
0x69: {  	_ =	shalt  }
0x6a: {  	_ =	shalt  }
0x6b: {  	_ =	shalt  }
0x6c: {  	_ =	shalt  }
0x6d: {  	_ =	shalt  }
0x6e: {  	_ =	shalt  }
0x6f: {  	_ =	shalt  }
0x70: {  	_ =	shalt  }
0x71: {  	_ =	shalt  }
0x72: {  	_ =	shalt  }
0x73: {  	_ =	shalt  }
0x74: {  	_ =	shalt  }
0x75: {  	_ =	shalt  }
0x76: {  	_ =	shalt  }
0x77: {  	_ =	shalt  }
0x78: {  	_ =	shalt  }
0x79: {  	_ =	shalt  }
0x7a: {  	_ =	shalt  }
0x7b: {  	_ =	shalt  }
0x7c: {  	_ =	shalt  }
0x7d: {  	_ =	shalt  }
0x7e: {  	_ =	shalt  }
0x7f: {  	_ =	shalt  }
0x80: {  	_ =	shalt  }
0x81: {  	_ =	shalt  }
0x82: {  	_ =	shalt  }
0x83: {  	_ =	shalt  }
0x84: {  	_ =	shalt  }
0x85: {  	_ =	shalt  }
0x86: {  	_ =	shalt  }
0x87: {  	_ =	shalt  }
.Lfunc_end0:
.L_simem_size_0:
called_computation.1_lowered:
.L_overlay_start_0:
0x88: {  	s2 =	sld [smem:$0x3FD9]  }
0x89: {  	s3 =	sld [smem:$0x3FFE];
	_ =	sdelay $0x1  }
0x8a: {  	s1 =	srdreg.scid  }
0x8b: {  	s0 =	sand.u32 $0x1, s1  }
0x8c: {  	s16 =	sshll.u32 s0, $0xA;
	s2 =	sadd.s32 s3, s2  }
0x8d: {  	s2 =	sadd.s32 s2, s16  }
0x8e: {  	[smem:$0x3FB6] =	sst s2  }
0x8f: {  	_ = 	snop  }
0x90: {  	(tm) =	ssettm $0x1  }
0x91: {  	s17 =	sld [smem:$0x3FFB];
	_ =	sdelay $0x3  }
0x92: {  	_ =	strace s17  }
0x93: {  	s2 =	sld [smem:$0x3FFC];
	_ =	sdelay $0x3  }
0x94: {  	_ =	strace s2  }
0x95: {  	s2 =	sld [smem:$0x3FFD];
	_ =	sdelay $0x3  }
0x96: {  	_ =	strace s2  }
0x97: {  	_ =	strace $0x8FFFFFFF  }
0x98: {  	s18 =	sld [smem:$0x3FDB];
	_ =	sdelay $0x1  }
0x99: {  	s19 =	simm.s32 $_scs_section_size  }
0x9a: {  	s4 =	simm.s32 $_size__tile_overlayer_lowered;
	s5 =	simm.s32 $_tile_overlayer_lowered  }
0x9b: {  	s22 =	simm.s32 $0x1BFF;
	s21 =	sshll.u32 s5, $0x1;
	s2 =	sadd.s32 s19, s18  }
0x9c: {  	s6 =	simm.s32 $0x0;
	s20 =	sshll.u32 s4, $0x1;
	s4 =	sadd.s32 s21, s2  }
0x9d: {  	[timem:s6], [sflag:s22] =	dma.local [hbm:s4], s20  }
0x9e: {  	_ =	swait.ge [sflag:s22], s20  }
0x9f: {  	s3 =	ssub.s32 $0x0, s20;
	[sflag:s22] =	ssyncset.done $0x0  }
0xa0: {  	[sflag:s22] =	ssyncadd.s32 s3;
	_ =	sdelay $0x1  }
0xa1: {  	s23 =	simm.s32 $0x1B8B  }
0xa2: {  	_ =	swait.ge [sflag:s23], $0x1  }
0xa3: {  	[sflag:s23] =	ssyncset.done $0x0  }
0xa4: {  	s25 =	simm.s32 $0x1B8E;
	s24 =	sld [smem:$0x3FFE];
	[sflag:s23] =	ssyncadd.s32 $0xFFFFFFFF  }
0xa5: {  	s26 =	simm.s32 $execute0_lowered;
	[smem:$0x3FD2] =	sst s25  }
0xa6: {  	s4 =	sshll.u32 s26, $0x1;
	_ =	strace $0x80000049;
	[dreg:$0x1] =	wrdreg $0xFFFFFFFF  }
0xa7: {  	s28 =	simm.s32 $_size_execute0_lowered;
	s2 =	sadd.s32 s2, s4;
	[dreg:$0x0] =	wrdreg $0x0  }
0xa8: {  	s4 =	sshll.u32 s28, $0x1;
	[dreg:$0x2] =	wrdreg s2  }
0xa9: {  	[dreg:$0x3] =	wrdreg s4  }
0xaa: {  	[dreg:$0x4] =	wrdreg $0xC0  }
0xab: {  	_ =	task [dreg:s6], $0x5FFFF  }
0xac: {  	[dreg:$0x1] =	wrdreg $0xFFFFFFFF  }
0xad: {  	[dreg:$0x0] =	wrdreg $0x60  }
0xae: {  	[dreg:$0x2] =	wrdreg s24  }
0xaf: {  	[dreg:$0x3] =	wrdreg $0x6F000  }
0xb0: {  	[dreg:$0x4] =	wrdreg $0x9  }
0xb1: {  	_ =	task.clear_ibuf [dreg:s6], $0x5FFFF;
	_ =	strace $0x90000049  }
0xb2: {  	s29 =	simm.s32 $0x9;
	_ =	strace $0x8000004B  }
0xb3: {  	_ =	swait.ge [sflag:s29], $0x1  }
0xb4: {  	[sflag:s29] =	ssyncadd.s32 $0xFFFFFFFF  }
0xb5: {  	_ =	strace $0x9000004B  }
0xb6: {  	_ =	sfence  }
0xb7: {  	s30 =	sld [smem:$0x0];
	_ =	sdelay $0x2  }
0xb8: {  	s31 =	sshll.u32 s1, $0xD;
	s1 =	sshrl.u32 s1, $0x2  }
0xb9: {  	s3 =	sand.u32 $0x4000, s31;
	s1 =	sadd.s32 s1, s30  }
0xba: {  	s0 =	sor.u32 s3, s0;
	s1 =	sshll.u32 s1, $0x11  }
0xbb: {  	s0 =	sor.u32 s1, s0  }
0xbc: {  	s0 =	sadd.s32 $0x8F2B, s0  }
0xbd: {  	[sflag:s0] =	ssyncadd.remote.s32 $0x1  }
0xbe: {  	_ =	sfence.sel $0xFFFF  }
0xbf: {  	[dreg:$0x0] =	wrdreg $0xFFFFFFFF;
	(pc) =	sbr.abs _section_cstart, $3  }
0xc0: {  	[dreg:$0x1] =	wrdreg $0xFFFFFFFF  }
0xc1: {  	_ =	task.clear_ibuf [dreg:s6], $0x2FFFF;
	_ =	strace $0x9FFFFFFF  }
0xc2: {  	(tm) =	ssettm $0x7FFFFFFF  }
0xc3: {  	_ =	shalt  }
tec
execute0_lowered:
.L_overlay_start_1:
0x0: {  	(tag) =	ssettag $0x1  }
0x1: {  	s6 =	rddreg [dreg:$0x0];
	s0 =	srdreg.scid  }
0x2: {  	s2 =	rddreg [dreg:$0x1];
	s1 =	stileid.u32  }
0x3: {  	s3 =	simm.s32 $0x0;
	s13 =	simm.s32 $0x2780;
	s14 =	simm.s32 $0x80  }
0x4: {  	s15 =	simm.s32 $0x4F00;
	s16 =	simm.s32 $0x1;
	s17 =	simm.s32 $0x0  }
0x5: {  	s5 =	sand.u32 $0x1, s0;
	s0 =	rddreg [dreg:$0x2];
	s7 =	smul.u32 $0x9E00, s1  }
0x6: {  	[smem:$0x7FF] =	sst s3;
	s31 =	sshll.u32 s1, $0x6;
	s4 =	sshll.u32 s5, $0x4  }
0x7: {  	s8 =	smul.u32 $0x9E000, s5;
	_ =	strace $0x8000004A;
	s10 =	ssub.s32 $0x2, s5  }
0x8: {  	s5 =	sadd.s32 $0xE000, s6;
	s4 =	sor.u32 s1, s4;
	s30 =	sshrl.u32 s10, $0x1  }
0x9: {  	s12 =	sadd.s32 s7, s2;
	s9 =	smul.u32 $0x4F0, s4;
	s8 =	sadd.s32 s7, s8  }
0xa: {  	s4 =	sadd.s32 $0x97E00, s6;
	s10 =	ssub.s32 s10, s30;
	s8 =	sshrl.u32 s8, $0x3  }
0xb: {  	s10 =	smax.u32 s10, $0x1;
	s9 =	sadd.s32 s9, s6;
	s11 =	sadd.s32 s8, s6  }
0xc: {  	s6 =	sor.u32 $0x1C02, s31;
	s7 =	sadd.s32 $0x17E00, s9;
	s8 =	sadd.s32 $0x3C00, s9  }
0xd: {  	s9 =	sadd.s32 $0xAB800, s11;
	s11 =	sshrl.u32 s12, $0x3;
	s12 =	simm.s32 $0x2  }
.LBB2_1:
0xe: {  	[spmem:s11], [sflag:s6] =	dma.local [hbm:s5], $0x13C0  }
0xf: {  	_ =	swait.ge [sflag:s12], $0x13C0  }
0x10: {  	[sflag:s12] =	ssyncset.done $0x0  }
0x11: {  	[sflag:s12] =	ssyncadd.s32 $0xFFFFEC40  }
0x12: {  	[tilespmem:s3], [sflag:$0x2] =	stream.linear.gather [hbm4b:s7+s3], $0x2780, $0x38;
	[tilespmem:$0x10D00] =	vst v63  }
0x13: {  	_ =	swait.ge [sflag:s12], $0x2780  }
0x14: {  	[sflag:s12] =	ssyncset.done $0x0  }
0x15: {  	[sflag:s12] =	ssyncadd.s32 $0xFFFFD880  }
0x16: {  	[tilespmem:s13], [sflag:$0x2] =	stream.linear.gather [hbm4b:s8+s3], $0x2780, $0x38;
	[tilespmem:$0x10D00] =	vst v63  }
0x17: {  	_ =	swait.ge [sflag:s12], $0x2780  }
0x18: {  	[sflag:s12] =	ssyncset.done $0x0  }
0x19: {  	[sflag:s12] =	ssyncadd.s32 $0xFFFFD880  }
0x1a: {  	s18 =	simm.s32 $0x0;
	[bflag:$0x0] =	sbarrier.arrive $0xFFFF  }
0x1b: {  	[tilespmem:s15], [sflag:$0x1] =	stream.indirect.gather [hbm4b:s4+s14], $0x40, s18, s14, $0xb8;
	[tilespmem:$0x10D00] =	vst v63  }
0x1c: {  	_ =	swait.ge [sflag:s16], $0x2000  }
0x1d: {  	[sflag:s16] =	ssyncset.done $0x0  }
0x1e: {  	s31 =	simm.s32 $0x2780;
	[sflag:s16] =	ssyncadd.s32 $0xFFFFE000  }
0x1f: {  	[spmem:s2] =	stream.indirect.scatter.add.f32 [tilespmem:s15], [sflag:$0x2], $0x40, s31, s14, $0xb8;
	[tilespmem:$0x10D00] =	vst v63  }
0x20: {  	_ =	swait.ge [sflag:s12], $0x2000  }
0x21: {  	s19 =	simm.s32 $0x400;
	s18 =	simm.s32 $0x200;
	[sflag:s12] =	ssyncset.done $0x0  }
.LBB2_2:
0x22: {  	s20 =	sshra.s32 s18, $0x2  }
0x23: {  	[sflag:s12] =	ssyncadd.s32 $0xFFFFE000;
	s18 =	smov.u32 s19;
	s21 =	sadd.s32 $0x200, s19  }
0x24: {  	[tilespmem:s15], [sflag:$0x1] =	stream.indirect.gather [hbm4b:s4+s14], $0x40, s20, s14, $0xb8;
	[tilespmem:$0x10D00] =	vst v63  }
0x25: {  	p0 =	sne.s32 s19, $0x9C00;
	_ =	swait.ge [sflag:s16], $0x2000  }
.Ltmp0:
0x26: {  	[sflag:s16] =	ssyncset.done $0x0;
	(pc) =	sbr.rel @p0 .LBB2_2-.Ltmp0, $4  }
0x27: {  	s19 =	sadd.s32 $0x2780, s20;
	[sflag:s16] =	ssyncadd.s32 $0xFFFFE000  }
0x28: {  	[spmem:s2] =	stream.indirect.scatter.add.f32 [tilespmem:s15], [sflag:$0x2], $0x40, s19, s14, $0xb8;
	[tilespmem:$0x10D00] =	vst v63  }
0x29: {  	_ =	swait.ge [sflag:s12], $0x2000  }
0x2a: {  	s19 =	smov.u32 s21;
	[sflag:s12] =	ssyncset.done $0x0  }
0x2b: {  	s18 =	sshra.s32 s18, $0x2;
	[sflag:s12] =	ssyncadd.s32 $0xFFFFE000  }
0x2c: {  	[tilespmem:s15], [sflag:$0x1] =	stream.indirect.gather [hbm4b:s4+s14], $0x40, s18, s14, $0xb8;
	[tilespmem:$0x10D00] =	vst v63  }
0x2d: {  	_ =	swait.ge [sflag:s16], $0x2000  }
0x2e: {  	[sflag:s16] =	ssyncset.done $0x0  }
0x2f: {  	s18 =	sadd.s32 $0x2780, s18;
	[sflag:s16] =	ssyncadd.s32 $0xFFFFE000  }
0x30: {  	[spmem:s2] =	stream.indirect.scatter.add.f32 [tilespmem:s15], [sflag:$0x2], $0x40, s18, s14, $0xb8;
	[tilespmem:$0x10D00] =	vst v63  }
0x31: {  	_ =	swait.ge [sflag:s12], $0x2000  }
0x32: {  	s17 =	sadd.s32 $0x1, s17;
	[sflag:s12] =	ssyncset.done $0x0  }
0x33: {  	p0 =	sne.s32 s17, s10;
	[sflag:s12] =	ssyncadd.s32 $0xFFFFE000  }
.Ltmp1:
0x34: {  	[bflag:$0x0] =	sbarrier.arrive $0xFFFF;
	(pc) =	sbr.rel @p0 .LBB2_1-.Ltmp1, $4  }
0x35: {  	[hbm:s9], [sflag:s6] =	dma.local [spmem:s11], $0x13C0  }
0x36: {  	_ =	swait.ge [sflag:s12], $0x13C0  }
0x37: {  	[sflag:s12] =	ssyncset.done $0x0  }
0x38: {  	[sflag:s12] =	ssyncadd.s32 $0xFFFFEC40  }
0x39: {  	_ =	sfence.sel $0x180000  }
0x3a: {  	[bflag:$0x0] =	sbarrier.arrive $0xFFFF  }
0x3b: {  	p0 =	sne.s32 s1, $0x0;
	_ =	strace $0x9000004A  }
0x3c: {  	s0 =	sadd.s32 @!p0 $0x100000, s0;
	[bflag:$0x2] =	sbarrier.arrive $0xFFFF  }
0x3d: {  	[sflag:s0] =	ssyncadd.tile.s32 @!p0 $0x1;
	_ =	shalt  }
.Lfunc_end2:
_tile_overlayer_lowered:
.L_overlay_start_2:
0x3e: {  	(tag) =	ssettag $0x2  }
0x3f: {  	s0 =	rddreg [dreg:$0x0];
	s2 =	stileid.u32  }
0x40: {  	s1 =	rddreg [dreg:$0x1];
	p0 =	sne.s32 s2, $0x0  }
0x41: {  	s3 =	rddreg [dreg:$0x2];
	[bflag:$0x3] =	sbarrier.arrive $0xFFFF;
	s2 =	simm.s32 @!p0 $0x1C02  }
0x42: {  	[timem:s3], [sflag:s2] =	dma.local @!p0 [hbm:s0], s1  }
0x43: {  	s0 =	simm.s32 @!p0 $0x2  }
0x44: {  	_ =	swait.ge @!p0 [sflag:s0], s1  }
0x45: {  	s1 =	ssub.s32 @!p0 $0x0, s1;
	[sflag:s0] =	ssyncset.done @!p0 $0x0  }
0x46: {  	[sflag:s0] =	ssyncadd.s32 @!p0 s1  }
0x47: {  	[bflag:$0x3] =	sbarrier.arrive $0xFFFF  }
0x48: {  	_ =	shalt  }

// kernel: kernel.25.cloned.1.call-start
scs
__scs_entry_jumppad:
0x0: {  	(pc) =	sbr.rel $0x88, $3  }
0x1: {  	(tag) =	ssettag $0x0;
	lr =	simm.s32 $0x1  }
0x2: {  	[smem:$0x3F8F] =	sst lr;
	_ =	strace $0xD0000000  }
0x3: {  	_ = 	snop  }
0x4: {  	_ = 	snop  }
0x5: {  	_ = 	snop  }
0x6: {  	_ = 	snop  }
0x7: {  	_ = 	snop  }
__scs_overlays_trampoline_lowered:
0x8: {  	[smem:$0x3F9E] =	sst s0  }
0x9: {  	[smem:$0x3F9F] =	sst s1  }
0xa: {  	[smem:$0x3FA0] =	sst s2  }
0xb: {  	[smem:$0x3FA1] =	sst s3  }
0xc: {  	[smem:$0x3FA2] =	sst s4  }
0xd: {  	[smem:$0x3FA3] =	sst s5  }
0xe: {  	[smem:$0x3FA4] =	sst s6  }
0xf: {  	[smem:$0x3FA5] =	sst s7  }
0x10: {  	[smem:$0x3FA6] =	sst s8  }
0x11: {  	[smem:$0x3FA7] =	sst s9;
	s0 =	simm.s32 @!p0 $0x0  }
0x12: {  	s1 =	sld [smem:$0x3F8D];
	s0 =	simm.s32 @p0 $0x1  }
0x13: {  	[smem:$0x3FA8] =	sst s0;
	s0 =	simm.s32 @!p1 $0x0  }
0x14: {  	s2 =	sld [smem:$0x3F8C];
	s0 =	simm.s32 @p1 $0x1  }
0x15: {  	[smem:$0x3FA9] =	sst s0;
	s0 =	simm.s32 @!p2 $0x0  }
0x16: {  	s3 =	sld [smem:$0x3FDB];
	s0 =	simm.s32 @p2 $0x1  }
0x17: {  	s4 =	simm.s32 $0x1BF5;
	[smem:$0x3FAB] =	sst s0  }
0x18: {  	s0 =	sld [smem:$0x3F8E];
	_ =	swait.ge [sflag:s4], $0x0  }
0x19: {  	s7 =	sld [smem:$0x3F8F]  }
0x1a: {  	s8 =	sadd.s32 $0xFFFFE003, lr  }
0x1b: {  	s9 =	sadd.s32 $0xFFFFFEF7, lr;
	s5 =	simm.s32 $0xFFFFFFFF;
	p2 =	slt.u32 s8, $0xFFFFF086  }
0x1c: {  	p1 =	slt.u32 s9, $0xF7A;
	s5 =	simm.s32 @!p2 $0x0  }
0x1d: {  	s5 =	simm.s32 @p1 $0x1;
	p0 =	seq.s32 s7, s2  }
0x1e: {  	s7 =	smul.u32 @!p0 $0xF7A, s2;
	p2 =	seq.s32 @!p0 s5, $0x0  }
0x1f: {  	s9 =	smul.u32 $0xF7A, s1;
	s8 =	simm.s32 @!p0 $0x1BF5;
	p2 =	por !p2, p0  }
0x20: {  	[sflag:s8] =	ssyncset.s32 @!p0 $0xFFFFF086;
	s6 =	sadd.s32 @!p0 s3, s7;
	s7 =	simm.s32 @!p0 $0x108  }
0x21: {  	s3 =	sadd.s32 s3, s9;
	s6 =	sadd.s32 @!p0 $0x88, s6;
	s7 =	simm.s32 @p2 $0x1082  }
0x22: {  	[simem:s7], [sflag:s8] =	dma.local @!p0 [hbm:s6], $0xF7A  }
0x23: {  	s9 =	sor.u32 $0xD0000000, s2;
	s6 =	simm.s32 $0x108;
	_ =	swait.ge @!p0 [sflag:s8], $0x0  }
0x24: {  	s3 =	sadd.s32 $0x88, s3;
	s6 =	simm.s32 @!p1 $0x1082;
	[sflag:s4] =	ssyncset.s32 $0xFFFFF086  }
0x25: {  	[simem:s6], [sflag:s4] =	dma.local [hbm:s3], $0xF7A  }
0x26: {  	[smem:$0x3F8F] =	sst s1;
	(tag) =	ssettag s2;
	_ =	strace s9  }
0x27: {  	s1 =	sld [smem:$0x3F9F]  }
0x28: {  	s2 =	sld [smem:$0x3FA0]  }
0x29: {  	s4 =	sld [smem:$0x3FA2]  }
0x2a: {  	p0 =	seq.s32 s5, $0x0;
	s5 =	sld [smem:$0x3FA3]  }
0x2b: {  	s6 =	sld [smem:$0x3FA4]  }
0x2c: {  	s7 =	sld [smem:$0x3FA5]  }
0x2d: {  	s3 =	simm.s32 $0x108;
	s8 =	sld [smem:$0x3FA6]  }
0x2e: {  	s3 =	simm.s32 @!p0 $0x1082;
	s9 =	sld [smem:$0x3FA7]  }
0x2f: {  	lr =	sadd.s32 s0, s3;
	s0 =	sld [smem:$0x3F9E]  }
0x30: {  	s3 =	sld [smem:$0x3FA1]  }
0x31: {  	[smem:$0x3FAA] =	sst s10  }
0x32: {  	s10 =	sld [smem:$0x3FA8];
	_ =	sdelay $0x3  }
0x33: {  	p0 =	seq.s32 s10, $0x1;
	s10 =	sld [smem:$0x3FAA];
	_ =	sdelay $0x3  }
0x34: {  	[smem:$0x3FAA] =	sst s10  }
0x35: {  	s10 =	sld [smem:$0x3FA9];
	_ =	sdelay $0x3  }
0x36: {  	p1 =	seq.s32 s10, $0x1;
	s10 =	sld [smem:$0x3FAA];
	_ =	sdelay $0x3  }
0x37: {  	[smem:$0x3FAA] =	sst s10  }
0x38: {  	s10 =	sld [smem:$0x3FAB]  }
0x39: {  	_ = 	snop;
	(pc) =	sbr.ind lr, $3  }
0x3a: {  	_ = 	snop  }
0x3b: {  	_ = 	snop  }
0x3c: {  	p2 =	seq.s32 s10, $0x1;
	s10 =	sld [smem:$0x3FAA]  }
0x3d: {  	_ =	shalt  }
0x3e: {  	_ =	shalt  }
0x3f: {  	_ =	shalt  }
0x40: {  	_ =	shalt  }
0x41: {  	_ =	shalt  }
0x42: {  	_ =	shalt  }
0x43: {  	_ =	shalt  }
0x44: {  	_ =	shalt  }
0x45: {  	_ =	shalt  }
0x46: {  	_ =	shalt  }
0x47: {  	_ =	shalt  }
0x48: {  	_ =	shalt  }
0x49: {  	_ =	shalt  }
0x4a: {  	_ =	shalt  }
0x4b: {  	_ =	shalt  }
0x4c: {  	_ =	shalt  }
0x4d: {  	_ =	shalt  }
0x4e: {  	_ =	shalt  }
0x4f: {  	_ =	shalt  }
0x50: {  	_ =	shalt  }
0x51: {  	_ =	shalt  }
0x52: {  	_ =	shalt  }
0x53: {  	_ =	shalt  }
0x54: {  	_ =	shalt  }
0x55: {  	_ =	shalt  }
0x56: {  	_ =	shalt  }
0x57: {  	_ =	shalt  }
0x58: {  	_ =	shalt  }
0x59: {  	_ =	shalt  }
0x5a: {  	_ =	shalt  }
0x5b: {  	_ =	shalt  }
0x5c: {  	_ =	shalt  }
0x5d: {  	_ =	shalt  }
0x5e: {  	_ =	shalt  }
0x5f: {  	_ =	shalt  }
0x60: {  	_ =	shalt  }
0x61: {  	_ =	shalt  }
0x62: {  	_ =	shalt  }
0x63: {  	_ =	shalt  }
0x64: {  	_ =	shalt  }
0x65: {  	_ =	shalt  }
0x66: {  	_ =	shalt  }
0x67: {  	_ =	shalt  }
0x68: {  	_ =	shalt  }
0x69: {  	_ =	shalt  }
0x6a: {  	_ =	shalt  }
0x6b: {  	_ =	shalt  }
0x6c: {  	_ =	shalt  }
0x6d: {  	_ =	shalt  }
0x6e: {  	_ =	shalt  }
0x6f: {  	_ =	shalt  }
0x70: {  	_ =	shalt  }
0x71: {  	_ =	shalt  }
0x72: {  	_ =	shalt  }
0x73: {  	_ =	shalt  }
0x74: {  	_ =	shalt  }
0x75: {  	_ =	shalt  }
0x76: {  	_ =	shalt  }
0x77: {  	_ =	shalt  }
0x78: {  	_ =	shalt  }
0x79: {  	_ =	shalt  }
0x7a: {  	_ =	shalt  }
0x7b: {  	_ =	shalt  }
0x7c: {  	_ =	shalt  }
0x7d: {  	_ =	shalt  }
0x7e: {  	_ =	shalt  }
0x7f: {  	_ =	shalt  }
0x80: {  	_ =	shalt  }
0x81: {  	_ =	shalt  }
0x82: {  	_ =	shalt  }
0x83: {  	_ =	shalt  }
0x84: {  	_ =	shalt  }
0x85: {  	_ =	shalt  }
0x86: {  	_ =	shalt  }
0x87: {  	_ =	shalt  }
.Lfunc_end0:
.L_simem_size_0:
called_computation.2_lowered:
.L_overlay_start_0:
0x88: {  	s2 =	sld [smem:$0x3FD9]  }
0x89: {  	s3 =	sld [smem:$0x3FFE];
	_ =	sdelay $0x1  }
0x8a: {  	s1 =	srdreg.scid  }
0x8b: {  	s0 =	sand.u32 $0x1, s1  }
0x8c: {  	s16 =	sshll.u32 s0, $0xA;
	s2 =	sadd.s32 s3, s2  }
0x8d: {  	s2 =	sadd.s32 s2, s16  }
0x8e: {  	[smem:$0x3FB6] =	sst s2  }
0x8f: {  	_ = 	snop  }
0x90: {  	(tm) =	ssettm $0x1  }
0x91: {  	s17 =	sld [smem:$0x3FFB];
	_ =	sdelay $0x3  }
0x92: {  	_ =	strace s17  }
0x93: {  	s2 =	sld [smem:$0x3FFC];
	_ =	sdelay $0x3  }
0x94: {  	_ =	strace s2  }
0x95: {  	s2 =	sld [smem:$0x3FFD];
	_ =	sdelay $0x3  }
0x96: {  	_ =	strace s2  }
0x97: {  	_ =	strace $0x8FFFFFFF  }
0x98: {  	s18 =	sld [smem:$0x3FDB];
	_ =	sdelay $0x1  }
0x99: {  	s19 =	simm.s32 $_scs_section_size  }
0x9a: {  	s4 =	simm.s32 $_size__tile_overlayer_lowered;
	s5 =	simm.s32 $_tile_overlayer_lowered  }
0x9b: {  	s22 =	simm.s32 $0x1BFF;
	s21 =	sshll.u32 s5, $0x1;
	s2 =	sadd.s32 s19, s18  }
0x9c: {  	s6 =	simm.s32 $0x0;
	s20 =	sshll.u32 s4, $0x1;
	s4 =	sadd.s32 s21, s2  }
0x9d: {  	[timem:s6], [sflag:s22] =	dma.local [hbm:s4], s20  }
0x9e: {  	_ =	swait.ge [sflag:s22], s20  }
0x9f: {  	s3 =	ssub.s32 $0x0, s20;
	[sflag:s22] =	ssyncset.done $0x0  }
0xa0: {  	[sflag:s22] =	ssyncadd.s32 s3;
	_ =	sdelay $0x1  }
0xa1: {  	s23 =	simm.s32 $0x1B8B  }
0xa2: {  	_ =	swait.ge [sflag:s23], $0x1  }
0xa3: {  	[sflag:s23] =	ssyncset.done $0x0  }
0xa4: {  	s25 =	simm.s32 $0x1B8E;
	s24 =	sld [smem:$0x3FFE];
	[sflag:s23] =	ssyncadd.s32 $0xFFFFFFFF  }
0xa5: {  	s26 =	simm.s32 $execute0_lowered;
	[smem:$0x3FD2] =	sst s25  }
0xa6: {  	s4 =	sshll.u32 s26, $0x1;
	_ =	strace $0x8000004C;
	[dreg:$0x1] =	wrdreg $0xFFFFFFFF  }
0xa7: {  	s28 =	simm.s32 $_size_execute0_lowered;
	s2 =	sadd.s32 s2, s4;
	[dreg:$0x0] =	wrdreg $0x0  }
0xa8: {  	s4 =	sshll.u32 s28, $0x1;
	[dreg:$0x2] =	wrdreg s2  }
0xa9: {  	[dreg:$0x3] =	wrdreg s4  }
0xaa: {  	[dreg:$0x4] =	wrdreg $0xC0  }
0xab: {  	_ =	task [dreg:s6], $0x5FFFF  }
0xac: {  	[dreg:$0x1] =	wrdreg $0xFFFFFFFF  }
0xad: {  	[dreg:$0x0] =	wrdreg $0x60  }
0xae: {  	[dreg:$0x2] =	wrdreg s24  }
0xaf: {  	[dreg:$0x3] =	wrdreg $0x5F000  }
0xb0: {  	[dreg:$0x4] =	wrdreg $0x9  }
0xb1: {  	_ =	task.clear_ibuf [dreg:s6], $0x5FFFF;
	_ =	strace $0x9000004C  }
0xb2: {  	s29 =	simm.s32 $0x9;
	_ =	strace $0x8000004E  }
0xb3: {  	_ =	swait.ge [sflag:s29], $0x1  }
0xb4: {  	[sflag:s29] =	ssyncadd.s32 $0xFFFFFFFF  }
0xb5: {  	_ =	strace $0x9000004E  }
0xb6: {  	_ =	sfence  }
0xb7: {  	s30 =	sld [smem:$0x0];
	_ =	sdelay $0x2  }
0xb8: {  	s31 =	sshll.u32 s1, $0xD;
	s1 =	sshrl.u32 s1, $0x2  }
0xb9: {  	s3 =	sand.u32 $0x4000, s31;
	s1 =	sadd.s32 s1, s30  }
0xba: {  	s0 =	sor.u32 s3, s0;
	s1 =	sshll.u32 s1, $0x11  }
0xbb: {  	s0 =	sor.u32 s1, s0  }
0xbc: {  	s0 =	sadd.s32 $0x8F2B, s0  }
0xbd: {  	[sflag:s0] =	ssyncadd.remote.s32 $0x1  }
0xbe: {  	_ =	sfence.sel $0xFFFF  }
0xbf: {  	[dreg:$0x0] =	wrdreg $0xFFFFFFFF;
	(pc) =	sbr.abs _section_cstart, $3  }
0xc0: {  	[dreg:$0x1] =	wrdreg $0xFFFFFFFF  }
0xc1: {  	_ =	task.clear_ibuf [dreg:s6], $0x2FFFF;
	_ =	strace $0x9FFFFFFF  }
0xc2: {  	(tm) =	ssettm $0x7FFFFFFF  }
0xc3: {  	_ =	shalt  }
tec
execute0_lowered:
.L_overlay_start_1:
0x0: {  	(tag) =	ssettag $0x1  }
0x1: {  	s6 =	rddreg [dreg:$0x0];
	s0 =	srdreg.scid  }
0x2: {  	s2 =	rddreg [dreg:$0x1];
	s1 =	stileid.u32  }
0x3: {  	s3 =	simm.s32 $0x0;
	s13 =	simm.s32 $0x2780;
	s14 =	simm.s32 $0x80  }
0x4: {  	s15 =	simm.s32 $0x4F00;
	s16 =	simm.s32 $0x1;
	s17 =	simm.s32 $0x0  }
0x5: {  	s5 =	sand.u32 $0x1, s0;
	s0 =	rddreg [dreg:$0x2];
	s7 =	smul.u32 $0x4F00, s1  }
0x6: {  	[smem:$0x7FF] =	sst s3;
	s31 =	sshll.u32 s1, $0x6;
	s4 =	sshll.u32 s5, $0x4  }
0x7: {  	s8 =	smul.u32 $0x4F000, s5;
	_ =	strace $0x8000004D;
	s10 =	ssub.s32 $0x2, s5  }
0x8: {  	s5 =	sadd.s32 $0xF400, s6;
	s4 =	sor.u32 s1, s4;
	s30 =	sshrl.u32 s10, $0x1  }
0x9: {  	s12 =	sadd.s32 s7, s2;
	s9 =	smul.u32 $0x4F0, s4;
	s8 =	sadd.s32 s7, s8  }
0xa: {  	s4 =	sadd.s32 $0x70C00, s6;
	s10 =	ssub.s32 s10, s30;
	s8 =	sshrl.u32 s8, $0x3  }
0xb: {  	s10 =	smax.u32 s10, $0x1;
	s9 =	sadd.s32 s9, s6;
	s11 =	sadd.s32 s8, s6  }
0xc: {  	s6 =	sor.u32 $0x1C02, s31;
	s7 =	sadd.s32 $0x17E00, s9;
	s8 =	sadd.s32 $0x3C00, s9  }
0xd: {  	s9 =	sadd.s32 $0x7AA00, s11;
	s11 =	sshrl.u32 s12, $0x3;
	s12 =	simm.s32 $0x2  }
.LBB2_1:
0xe: {  	[spmem:s11], [sflag:s6] =	dma.local [hbm:s5], $0x9E0  }
0xf: {  	_ =	swait.ge [sflag:s12], $0x9E0  }
0x10: {  	[sflag:s12] =	ssyncset.done $0x0  }
0x11: {  	[sflag:s12] =	ssyncadd.s32 $0xFFFFF620  }
0x12: {  	[tilespmem:s3], [sflag:$0x2] =	stream.linear.gather [hbm4b:s7+s3], $0x2780, $0x38;
	[tilespmem:$0xAE00] =	vst v63  }
0x13: {  	_ =	swait.ge [sflag:s12], $0x2780  }
0x14: {  	[sflag:s12] =	ssyncset.done $0x0  }
0x15: {  	[sflag:s12] =	ssyncadd.s32 $0xFFFFD880  }
0x16: {  	[tilespmem:s13], [sflag:$0x2] =	stream.linear.gather [hbm4b:s8+s3], $0x2780, $0x38;
	[tilespmem:$0xAE00] =	vst v63  }
0x17: {  	_ =	swait.ge [sflag:s12], $0x2780  }
0x18: {  	[sflag:s12] =	ssyncset.done $0x0  }
0x19: {  	[sflag:s12] =	ssyncadd.s32 $0xFFFFD880  }
0x1a: {  	s18 =	simm.s32 $0x0;
	[bflag:$0x0] =	sbarrier.arrive $0xFFFF  }
0x1b: {  	[tilespmem:s15], [sflag:$0x1] =	stream.indirect.gather [hbm4b:s4+s14], $0x20, s18, s14, $0xb8;
	[tilespmem:$0xAE00] =	vst v63  }
0x1c: {  	_ =	swait.ge [sflag:s16], $0x1000  }
0x1d: {  	[sflag:s16] =	ssyncset.done $0x0  }
0x1e: {  	s31 =	simm.s32 $0x2780;
	[sflag:s16] =	ssyncadd.s32 $0xFFFFF000  }
0x1f: {  	[spmem:s2] =	stream.indirect.scatter.add.f32 [tilespmem:s15], [sflag:$0x2], $0x20, s31, s14, $0xb8;
	[tilespmem:$0xAE00] =	vst v63  }
0x20: {  	_ =	swait.ge [sflag:s12], $0x1000  }
0x21: {  	s19 =	simm.s32 $0x400;
	s18 =	simm.s32 $0x200;
	[sflag:s12] =	ssyncset.done $0x0  }
.LBB2_2:
0x22: {  	s20 =	sshra.s32 s18, $0x2  }
0x23: {  	[sflag:s12] =	ssyncadd.s32 $0xFFFFF000;
	s18 =	smov.u32 s19;
	s21 =	sadd.s32 $0x200, s19  }
0x24: {  	[tilespmem:s15], [sflag:$0x1] =	stream.indirect.gather [hbm4b:s4+s14], $0x20, s20, s14, $0xb8;
	[tilespmem:$0xAE00] =	vst v63  }
0x25: {  	p0 =	sne.s32 s19, $0x9C00;
	_ =	swait.ge [sflag:s16], $0x1000  }
.Ltmp0:
0x26: {  	[sflag:s16] =	ssyncset.done $0x0;
	(pc) =	sbr.rel @p0 .LBB2_2-.Ltmp0, $4  }
0x27: {  	s19 =	sadd.s32 $0x2780, s20;
	[sflag:s16] =	ssyncadd.s32 $0xFFFFF000  }
0x28: {  	[spmem:s2] =	stream.indirect.scatter.add.f32 [tilespmem:s15], [sflag:$0x2], $0x20, s19, s14, $0xb8;
	[tilespmem:$0xAE00] =	vst v63  }
0x29: {  	_ =	swait.ge [sflag:s12], $0x1000  }
0x2a: {  	s19 =	smov.u32 s21;
	[sflag:s12] =	ssyncset.done $0x0  }
0x2b: {  	s18 =	sshra.s32 s18, $0x2;
	[sflag:s12] =	ssyncadd.s32 $0xFFFFF000  }
0x2c: {  	[tilespmem:s15], [sflag:$0x1] =	stream.indirect.gather [hbm4b:s4+s14], $0x20, s18, s14, $0xb8;
	[tilespmem:$0xAE00] =	vst v63  }
0x2d: {  	_ =	swait.ge [sflag:s16], $0x1000  }
0x2e: {  	[sflag:s16] =	ssyncset.done $0x0  }
0x2f: {  	s18 =	sadd.s32 $0x2780, s18;
	[sflag:s16] =	ssyncadd.s32 $0xFFFFF000  }
0x30: {  	[spmem:s2] =	stream.indirect.scatter.add.f32 [tilespmem:s15], [sflag:$0x2], $0x20, s18, s14, $0xb8;
	[tilespmem:$0xAE00] =	vst v63  }
0x31: {  	_ =	swait.ge [sflag:s12], $0x1000  }
0x32: {  	s17 =	sadd.s32 $0x1, s17;
	[sflag:s12] =	ssyncset.done $0x0  }
0x33: {  	p0 =	sne.s32 s17, s10;
	[sflag:s12] =	ssyncadd.s32 $0xFFFFF000  }
.Ltmp1:
0x34: {  	[bflag:$0x0] =	sbarrier.arrive $0xFFFF;
	(pc) =	sbr.rel @p0 .LBB2_1-.Ltmp1, $4  }
0x35: {  	[hbm:s9], [sflag:s6] =	dma.local [spmem:s11], $0x9E0  }
0x36: {  	_ =	swait.ge [sflag:s12], $0x9E0  }
0x37: {  	[sflag:s12] =	ssyncset.done $0x0  }
0x38: {  	[sflag:s12] =	ssyncadd.s32 $0xFFFFF620  }
0x39: {  	_ =	sfence.sel $0x180000  }
0x3a: {  	[bflag:$0x0] =	sbarrier.arrive $0xFFFF  }
0x3b: {  	p0 =	sne.s32 s1, $0x0;
	_ =	strace $0x9000004D  }
0x3c: {  	s0 =	sadd.s32 @!p0 $0x100000, s0;
	[bflag:$0x2] =	sbarrier.arrive $0xFFFF  }
0x3d: {  	[sflag:s0] =	ssyncadd.tile.s32 @!p0 $0x1;
	_ =	shalt  }
.Lfunc_end2:
_tile_overlayer_lowered:
.L_overlay_start_2:
0x3e: {  	(tag) =	ssettag $0x2  }
0x3f: {  	s0 =	rddreg [dreg:$0x0];
	s2 =	stileid.u32  }
0x40: {  	s1 =	rddreg [dreg:$0x1];
	p0 =	sne.s32 s2, $0x0  }
0x41: {  	s3 =	rddreg [dreg:$0x2];
	[bflag:$0x3] =	sbarrier.arrive $0xFFFF;
	s2 =	simm.s32 @!p0 $0x1C02  }
0x42: {  	[timem:s3], [sflag:s2] =	dma.local @!p0 [hbm:s0], s1  }
0x43: {  	s0 =	simm.s32 @!p0 $0x2  }
0x44: {  	_ =	swait.ge @!p0 [sflag:s0], s1  }
0x45: {  	s1 =	ssub.s32 @!p0 $0x0, s1;
	[sflag:s0] =	ssyncset.done @!p0 $0x0  }
0x46: {  	[sflag:s0] =	ssyncadd.s32 @!p0 s1  }
0x47: {  	[bflag:$0x3] =	sbarrier.arrive $0xFFFF  }
0x48: {  	_ =	shalt  }

// kernel: kernel.28.cloned.1.call-start
scs
__scs_entry_jumppad:
0x0: {  	(pc) =	sbr.rel $0x88, $3  }
0x1: {  	(tag) =	ssettag $0x0;
	lr =	simm.s32 $0x1  }
0x2: {  	[smem:$0x3F8F] =	sst lr;
	_ =	strace $0xD0000000  }
0x3: {  	_ = 	snop  }
0x4: {  	_ = 	snop  }
0x5: {  	_ = 	snop  }
0x6: {  	_ = 	snop  }
0x7: {  	_ = 	snop  }
__scs_overlays_trampoline_lowered:
0x8: {  	[smem:$0x3F9E] =	sst s0  }
0x9: {  	[smem:$0x3F9F] =	sst s1  }
0xa: {  	[smem:$0x3FA0] =	sst s2  }
0xb: {  	[smem:$0x3FA1] =	sst s3  }
0xc: {  	[smem:$0x3FA2] =	sst s4  }
0xd: {  	[smem:$0x3FA3] =	sst s5  }
0xe: {  	[smem:$0x3FA4] =	sst s6  }
0xf: {  	[smem:$0x3FA5] =	sst s7  }
0x10: {  	[smem:$0x3FA6] =	sst s8  }
0x11: {  	[smem:$0x3FA7] =	sst s9;
	s0 =	simm.s32 @!p0 $0x0  }
0x12: {  	s1 =	sld [smem:$0x3F8D];
	s0 =	simm.s32 @p0 $0x1  }
0x13: {  	[smem:$0x3FA8] =	sst s0;
	s0 =	simm.s32 @!p1 $0x0  }
0x14: {  	s2 =	sld [smem:$0x3F8C];
	s0 =	simm.s32 @p1 $0x1  }
0x15: {  	[smem:$0x3FA9] =	sst s0;
	s0 =	simm.s32 @!p2 $0x0  }
0x16: {  	s3 =	sld [smem:$0x3FDB];
	s0 =	simm.s32 @p2 $0x1  }
0x17: {  	s4 =	simm.s32 $0x1BF5;
	[smem:$0x3FAB] =	sst s0  }
0x18: {  	s0 =	sld [smem:$0x3F8E];
	_ =	swait.ge [sflag:s4], $0x0  }
0x19: {  	s7 =	sld [smem:$0x3F8F]  }
0x1a: {  	s8 =	sadd.s32 $0xFFFFE003, lr  }
0x1b: {  	s9 =	sadd.s32 $0xFFFFFEF7, lr;
	s5 =	simm.s32 $0xFFFFFFFF;
	p2 =	slt.u32 s8, $0xFFFFF086  }
0x1c: {  	p1 =	slt.u32 s9, $0xF7A;
	s5 =	simm.s32 @!p2 $0x0  }
0x1d: {  	s5 =	simm.s32 @p1 $0x1;
	p0 =	seq.s32 s7, s2  }
0x1e: {  	s7 =	smul.u32 @!p0 $0xF7A, s2;
	p2 =	seq.s32 @!p0 s5, $0x0  }
0x1f: {  	s9 =	smul.u32 $0xF7A, s1;
	s8 =	simm.s32 @!p0 $0x1BF5;
	p2 =	por !p2, p0  }
0x20: {  	[sflag:s8] =	ssyncset.s32 @!p0 $0xFFFFF086;
	s6 =	sadd.s32 @!p0 s3, s7;
	s7 =	simm.s32 @!p0 $0x108  }
0x21: {  	s3 =	sadd.s32 s3, s9;
	s6 =	sadd.s32 @!p0 $0x88, s6;
	s7 =	simm.s32 @p2 $0x1082  }
0x22: {  	[simem:s7], [sflag:s8] =	dma.local @!p0 [hbm:s6], $0xF7A  }
0x23: {  	s9 =	sor.u32 $0xD0000000, s2;
	s6 =	simm.s32 $0x108;
	_ =	swait.ge @!p0 [sflag:s8], $0x0  }
0x24: {  	s3 =	sadd.s32 $0x88, s3;
	s6 =	simm.s32 @!p1 $0x1082;
	[sflag:s4] =	ssyncset.s32 $0xFFFFF086  }
0x25: {  	[simem:s6], [sflag:s4] =	dma.local [hbm:s3], $0xF7A  }
0x26: {  	[smem:$0x3F8F] =	sst s1;
	(tag) =	ssettag s2;
	_ =	strace s9  }
0x27: {  	s1 =	sld [smem:$0x3F9F]  }
0x28: {  	s2 =	sld [smem:$0x3FA0]  }
0x29: {  	s4 =	sld [smem:$0x3FA2]  }
0x2a: {  	p0 =	seq.s32 s5, $0x0;
	s5 =	sld [smem:$0x3FA3]  }
0x2b: {  	s6 =	sld [smem:$0x3FA4]  }
0x2c: {  	s7 =	sld [smem:$0x3FA5]  }
0x2d: {  	s3 =	simm.s32 $0x108;
	s8 =	sld [smem:$0x3FA6]  }
0x2e: {  	s3 =	simm.s32 @!p0 $0x1082;
	s9 =	sld [smem:$0x3FA7]  }
0x2f: {  	lr =	sadd.s32 s0, s3;
	s0 =	sld [smem:$0x3F9E]  }
0x30: {  	s3 =	sld [smem:$0x3FA1]  }
0x31: {  	[smem:$0x3FAA] =	sst s10  }
0x32: {  	s10 =	sld [smem:$0x3FA8];
	_ =	sdelay $0x3  }
0x33: {  	p0 =	seq.s32 s10, $0x1;
	s10 =	sld [smem:$0x3FAA];
	_ =	sdelay $0x3  }
0x34: {  	[smem:$0x3FAA] =	sst s10  }
0x35: {  	s10 =	sld [smem:$0x3FA9];
	_ =	sdelay $0x3  }
0x36: {  	p1 =	seq.s32 s10, $0x1;
	s10 =	sld [smem:$0x3FAA];
	_ =	sdelay $0x3  }
0x37: {  	[smem:$0x3FAA] =	sst s10  }
0x38: {  	s10 =	sld [smem:$0x3FAB]  }
0x39: {  	_ = 	snop;
	(pc) =	sbr.ind lr, $3  }
0x3a: {  	_ = 	snop  }
0x3b: {  	_ = 	snop  }
0x3c: {  	p2 =	seq.s32 s10, $0x1;
	s10 =	sld [smem:$0x3FAA]  }
0x3d: {  	_ =	shalt  }
0x3e: {  	_ =	shalt  }
0x3f: {  	_ =	shalt  }
0x40: {  	_ =	shalt  }
0x41: {  	_ =	shalt  }
0x42: {  	_ =	shalt  }
0x43: {  	_ =	shalt  }
0x44: {  	_ =	shalt  }
0x45: {  	_ =	shalt  }
0x46: {  	_ =	shalt  }
0x47: {  	_ =	shalt  }
0x48: {  	_ =	shalt  }
0x49: {  	_ =	shalt  }
0x4a: {  	_ =	shalt  }
0x4b: {  	_ =	shalt  }
0x4c: {  	_ =	shalt  }
0x4d: {  	_ =	shalt  }
0x4e: {  	_ =	shalt  }
0x4f: {  	_ =	shalt  }
0x50: {  	_ =	shalt  }
0x51: {  	_ =	shalt  }
0x52: {  	_ =	shalt  }
0x53: {  	_ =	shalt  }
0x54: {  	_ =	shalt  }
0x55: {  	_ =	shalt  }
0x56: {  	_ =	shalt  }
0x57: {  	_ =	shalt  }
0x58: {  	_ =	shalt  }
0x59: {  	_ =	shalt  }
0x5a: {  	_ =	shalt  }
0x5b: {  	_ =	shalt  }
0x5c: {  	_ =	shalt  }
0x5d: {  	_ =	shalt  }
0x5e: {  	_ =	shalt  }
0x5f: {  	_ =	shalt  }
0x60: {  	_ =	shalt  }
0x61: {  	_ =	shalt  }
0x62: {  	_ =	shalt  }
0x63: {  	_ =	shalt  }
0x64: {  	_ =	shalt  }
0x65: {  	_ =	shalt  }
0x66: {  	_ =	shalt  }
0x67: {  	_ =	shalt  }
0x68: {  	_ =	shalt  }
0x69: {  	_ =	shalt  }
0x6a: {  	_ =	shalt  }
0x6b: {  	_ =	shalt  }
0x6c: {  	_ =	shalt  }
0x6d: {  	_ =	shalt  }
0x6e: {  	_ =	shalt  }
0x6f: {  	_ =	shalt  }
0x70: {  	_ =	shalt  }
0x71: {  	_ =	shalt  }
0x72: {  	_ =	shalt  }
0x73: {  	_ =	shalt  }
0x74: {  	_ =	shalt  }
0x75: {  	_ =	shalt  }
0x76: {  	_ =	shalt  }
0x77: {  	_ =	shalt  }
0x78: {  	_ =	shalt  }
0x79: {  	_ =	shalt  }
0x7a: {  	_ =	shalt  }
0x7b: {  	_ =	shalt  }
0x7c: {  	_ =	shalt  }
0x7d: {  	_ =	shalt  }
0x7e: {  	_ =	shalt  }
0x7f: {  	_ =	shalt  }
0x80: {  	_ =	shalt  }
0x81: {  	_ =	shalt  }
0x82: {  	_ =	shalt  }
0x83: {  	_ =	shalt  }
0x84: {  	_ =	shalt  }
0x85: {  	_ =	shalt  }
0x86: {  	_ =	shalt  }
0x87: {  	_ =	shalt  }
.Lfunc_end0:
.L_simem_size_0:
called_computation.3_lowered:
.L_overlay_start_0:
0x88: {  	s2 =	sld [smem:$0x3FD9]  }
0x89: {  	s3 =	sld [smem:$0x3FFE];
	_ =	sdelay $0x1  }
0x8a: {  	s1 =	srdreg.scid  }
0x8b: {  	s0 =	sand.u32 $0x1, s1  }
0x8c: {  	s16 =	sshll.u32 s0, $0xA;
	s2 =	sadd.s32 s3, s2  }
0x8d: {  	s2 =	sadd.s32 s2, s16  }
0x8e: {  	[smem:$0x3FB6] =	sst s2  }
0x8f: {  	_ = 	snop  }
0x90: {  	(tm) =	ssettm $0x1  }
0x91: {  	s17 =	sld [smem:$0x3FFB];
	_ =	sdelay $0x3  }
0x92: {  	_ =	strace s17  }
0x93: {  	s2 =	sld [smem:$0x3FFC];
	_ =	sdelay $0x3  }
0x94: {  	_ =	strace s2  }
0x95: {  	s2 =	sld [smem:$0x3FFD];
	_ =	sdelay $0x3  }
0x96: {  	_ =	strace s2  }
0x97: {  	_ =	strace $0x8FFFFFFF  }
0x98: {  	s18 =	sld [smem:$0x3FDB];
	_ =	sdelay $0x1  }
0x99: {  	s19 =	simm.s32 $_scs_section_size  }
0x9a: {  	s4 =	simm.s32 $_size__tile_overlayer_lowered;
	s5 =	simm.s32 $_tile_overlayer_lowered  }
0x9b: {  	s22 =	simm.s32 $0x1BFF;
	s21 =	sshll.u32 s5, $0x1;
	s2 =	sadd.s32 s19, s18  }
0x9c: {  	s6 =	simm.s32 $0x0;
	s20 =	sshll.u32 s4, $0x1;
	s4 =	sadd.s32 s21, s2  }
0x9d: {  	[timem:s6], [sflag:s22] =	dma.local [hbm:s4], s20  }
0x9e: {  	_ =	swait.ge [sflag:s22], s20  }
0x9f: {  	s3 =	ssub.s32 $0x0, s20;
	[sflag:s22] =	ssyncset.done $0x0  }
0xa0: {  	[sflag:s22] =	ssyncadd.s32 s3;
	_ =	sdelay $0x1  }
0xa1: {  	s23 =	simm.s32 $0x1B8B  }
0xa2: {  	_ =	swait.ge [sflag:s23], $0x1  }
0xa3: {  	[sflag:s23] =	ssyncset.done $0x0  }
0xa4: {  	s25 =	simm.s32 $0x1B8E;
	s24 =	sld [smem:$0x3FFE];
	[sflag:s23] =	ssyncadd.s32 $0xFFFFFFFF  }
0xa5: {  	s26 =	simm.s32 $execute0_lowered;
	[smem:$0x3FD2] =	sst s25  }
0xa6: {  	s4 =	sshll.u32 s26, $0x1;
	_ =	strace $0x8000004F;
	[dreg:$0x1] =	wrdreg $0xFFFFFFFF  }
0xa7: {  	s28 =	simm.s32 $_size_execute0_lowered;
	s2 =	sadd.s32 s2, s4;
	[dreg:$0x0] =	wrdreg $0x0  }
0xa8: {  	s4 =	sshll.u32 s28, $0x1;
	[dreg:$0x2] =	wrdreg s2  }
0xa9: {  	[dreg:$0x3] =	wrdreg s4  }
0xaa: {  	[dreg:$0x4] =	wrdreg $0xC0  }
0xab: {  	_ =	task [dreg:s6], $0x5FFFF  }
0xac: {  	[dreg:$0x1] =	wrdreg $0xFFFFFFFF  }
0xad: {  	[dreg:$0x0] =	wrdreg $0x60  }
0xae: {  	[dreg:$0x2] =	wrdreg s24  }
0xaf: {  	[dreg:$0x3] =	wrdreg $0x57000  }
0xb0: {  	[dreg:$0x4] =	wrdreg $0x9  }
0xb1: {  	_ =	task.clear_ibuf [dreg:s6], $0x5FFFF;
	_ =	strace $0x9000004F  }
0xb2: {  	s29 =	simm.s32 $0x9;
	_ =	strace $0x80000051  }
0xb3: {  	_ =	swait.ge [sflag:s29], $0x1  }
0xb4: {  	[sflag:s29] =	ssyncadd.s32 $0xFFFFFFFF  }
0xb5: {  	_ =	strace $0x90000051  }
0xb6: {  	_ =	sfence  }
0xb7: {  	s30 =	sld [smem:$0x0];
	_ =	sdelay $0x2  }
0xb8: {  	s31 =	sshll.u32 s1, $0xD;
	s1 =	sshrl.u32 s1, $0x2  }
0xb9: {  	s3 =	sand.u32 $0x4000, s31;
	s1 =	sadd.s32 s1, s30  }
0xba: {  	s0 =	sor.u32 s3, s0;
	s1 =	sshll.u32 s1, $0x11  }
0xbb: {  	s0 =	sor.u32 s1, s0  }
0xbc: {  	s0 =	sadd.s32 $0x8F2B, s0  }
0xbd: {  	[sflag:s0] =	ssyncadd.remote.s32 $0x1  }
0xbe: {  	_ =	sfence.sel $0xFFFF  }
0xbf: {  	[dreg:$0x0] =	wrdreg $0xFFFFFFFF;
	(pc) =	sbr.abs _section_cstart, $3  }
0xc0: {  	[dreg:$0x1] =	wrdreg $0xFFFFFFFF  }
0xc1: {  	_ =	task.clear_ibuf [dreg:s6], $0x2FFFF;
	_ =	strace $0x9FFFFFFF  }
0xc2: {  	(tm) =	ssettm $0x7FFFFFFF  }
0xc3: {  	_ =	shalt  }
tec
execute0_lowered:
.L_overlay_start_1:
0x0: {  	(tag) =	ssettag $0x1  }
0x1: {  	s6 =	rddreg [dreg:$0x0];
	s0 =	srdreg.scid  }
0x2: {  	s2 =	rddreg [dreg:$0x1];
	s1 =	stileid.u32  }
0x3: {  	s3 =	simm.s32 $0x0;
	s13 =	simm.s32 $0x2780;
	s14 =	simm.s32 $0x80  }
0x4: {  	s15 =	simm.s32 $0x4F00;
	s16 =	simm.s32 $0x1;
	s17 =	simm.s32 $0x0  }
0x5: {  	s5 =	sand.u32 $0x1, s0;
	s0 =	rddreg [dreg:$0x2];
	s7 =	smul.u32 $0x2780, s1  }
0x6: {  	[smem:$0x7FF] =	sst s3;
	s31 =	sshll.u32 s1, $0x6;
	s4 =	sshll.u32 s5, $0x4  }
0x7: {  	s8 =	smul.u32 $0x27800, s5;
	_ =	strace $0x80000050;
	s10 =	ssub.s32 $0x2, s5  }
0x8: {  	s5 =	sadd.s32 $0xDA00, s6;
	s4 =	sor.u32 s1, s4;
	s30 =	sshrl.u32 s10, $0x1  }
0x9: {  	s12 =	sadd.s32 s7, s2;
	s9 =	smul.u32 $0x4F0, s4;
	s8 =	sadd.s32 s7, s8  }
0xa: {  	s4 =	sadd.s32 $0xFE00, s6;
	s10 =	ssub.s32 s10, s30;
	s8 =	sshrl.u32 s8, $0x3  }
0xb: {  	s10 =	smax.u32 s10, $0x1;
	s9 =	sadd.s32 s9, s6;
	s11 =	sadd.s32 s8, s6  }
0xc: {  	s6 =	sor.u32 $0x1C02, s31;
	s7 =	sadd.s32 $0x17E00, s9;
	s8 =	sadd.s32 $0x3C00, s9  }
0xd: {  	s9 =	sadd.s32 $0x70C00, s11;
	s11 =	sshrl.u32 s12, $0x3;
	s12 =	simm.s32 $0x2  }
.LBB2_1:
0xe: {  	[spmem:s11], [sflag:s6] =	dma.local [hbm:s5], $0x4F0  }
0xf: {  	_ =	swait.ge [sflag:s12], $0x4F0  }
0x10: {  	[sflag:s12] =	ssyncset.done $0x0  }
0x11: {  	[sflag:s12] =	ssyncadd.s32 $0xFFFFFB10  }
0x12: {  	[tilespmem:s3], [sflag:$0x2] =	stream.linear.gather [hbm4b:s7+s3], $0x2780, $0x38;
	[tilespmem:$0x7E80] =	vst v63  }
0x13: {  	_ =	swait.ge [sflag:s12], $0x2780  }
0x14: {  	[sflag:s12] =	ssyncset.done $0x0  }
0x15: {  	[sflag:s12] =	ssyncadd.s32 $0xFFFFD880  }
0x16: {  	[tilespmem:s13], [sflag:$0x2] =	stream.linear.gather [hbm4b:s8+s3], $0x2780, $0x38;
	[tilespmem:$0x7E80] =	vst v63  }
0x17: {  	_ =	swait.ge [sflag:s12], $0x2780  }
0x18: {  	[sflag:s12] =	ssyncset.done $0x0  }
0x19: {  	[sflag:s12] =	ssyncadd.s32 $0xFFFFD880  }
0x1a: {  	s18 =	simm.s32 $0x0;
	[bflag:$0x0] =	sbarrier.arrive $0xFFFF  }
0x1b: {  	[tilespmem:s15], [sflag:$0x1] =	stream.indirect.gather [hbm4b:s4+s14], $0x10, s18, s14, $0xb8;
	[tilespmem:$0x7E80] =	vst v63  }
0x1c: {  	_ =	swait.ge [sflag:s16], $0x800  }
0x1d: {  	[sflag:s16] =	ssyncset.done $0x0  }
0x1e: {  	s31 =	simm.s32 $0x2780;
	[sflag:s16] =	ssyncadd.s32 $0xFFFFF800  }
0x1f: {  	[spmem:s2] =	stream.indirect.scatter.add.f32 [tilespmem:s15], [sflag:$0x2], $0x10, s31, s14, $0xb8;
	[tilespmem:$0x7E80] =	vst v63  }
0x20: {  	_ =	swait.ge [sflag:s12], $0x800  }
0x21: {  	s19 =	simm.s32 $0x400;
	s18 =	simm.s32 $0x200;
	[sflag:s12] =	ssyncset.done $0x0  }
.LBB2_2:
0x22: {  	s20 =	sshra.s32 s18, $0x2  }
0x23: {  	[sflag:s12] =	ssyncadd.s32 $0xFFFFF800;
	s18 =	smov.u32 s19;
	s21 =	sadd.s32 $0x200, s19  }
0x24: {  	[tilespmem:s15], [sflag:$0x1] =	stream.indirect.gather [hbm4b:s4+s14], $0x10, s20, s14, $0xb8;
	[tilespmem:$0x7E80] =	vst v63  }
0x25: {  	p0 =	sne.s32 s19, $0x9C00;
	_ =	swait.ge [sflag:s16], $0x800  }
.Ltmp0:
0x26: {  	[sflag:s16] =	ssyncset.done $0x0;
	(pc) =	sbr.rel @p0 .LBB2_2-.Ltmp0, $4  }
0x27: {  	s19 =	sadd.s32 $0x2780, s20;
	[sflag:s16] =	ssyncadd.s32 $0xFFFFF800  }
0x28: {  	[spmem:s2] =	stream.indirect.scatter.add.f32 [tilespmem:s15], [sflag:$0x2], $0x10, s19, s14, $0xb8;
	[tilespmem:$0x7E80] =	vst v63  }
0x29: {  	_ =	swait.ge [sflag:s12], $0x800  }
0x2a: {  	s19 =	smov.u32 s21;
	[sflag:s12] =	ssyncset.done $0x0  }
0x2b: {  	s18 =	sshra.s32 s18, $0x2;
	[sflag:s12] =	ssyncadd.s32 $0xFFFFF800  }
0x2c: {  	[tilespmem:s15], [sflag:$0x1] =	stream.indirect.gather [hbm4b:s4+s14], $0x10, s18, s14, $0xb8;
	[tilespmem:$0x7E80] =	vst v63  }
0x2d: {  	_ =	swait.ge [sflag:s16], $0x800  }
0x2e: {  	[sflag:s16] =	ssyncset.done $0x0  }
0x2f: {  	s18 =	sadd.s32 $0x2780, s18;
	[sflag:s16] =	ssyncadd.s32 $0xFFFFF800  }
0x30: {  	[spmem:s2] =	stream.indirect.scatter.add.f32 [tilespmem:s15], [sflag:$0x2], $0x10, s18, s14, $0xb8;
	[tilespmem:$0x7E80] =	vst v63  }
0x31: {  	_ =	swait.ge [sflag:s12], $0x800  }
0x32: {  	s17 =	sadd.s32 $0x1, s17;
	[sflag:s12] =	ssyncset.done $0x0  }
0x33: {  	p0 =	sne.s32 s17, s10;
	[sflag:s12] =	ssyncadd.s32 $0xFFFFF800  }
.Ltmp1:
0x34: {  	[bflag:$0x0] =	sbarrier.arrive $0xFFFF;
	(pc) =	sbr.rel @p0 .LBB2_1-.Ltmp1, $4  }
0x35: {  	[hbm:s9], [sflag:s6] =	dma.local [spmem:s11], $0x4F0  }
0x36: {  	_ =	swait.ge [sflag:s12], $0x4F0  }
0x37: {  	[sflag:s12] =	ssyncset.done $0x0  }
0x38: {  	[sflag:s12] =	ssyncadd.s32 $0xFFFFFB10  }
0x39: {  	_ =	sfence.sel $0x180000  }
0x3a: {  	[bflag:$0x0] =	sbarrier.arrive $0xFFFF  }
0x3b: {  	p0 =	sne.s32 s1, $0x0;
	_ =	strace $0x90000050  }
0x3c: {  	s0 =	sadd.s32 @!p0 $0x100000, s0;
	[bflag:$0x2] =	sbarrier.arrive $0xFFFF  }
0x3d: {  	[sflag:s0] =	ssyncadd.tile.s32 @!p0 $0x1;
	_ =	shalt  }
.Lfunc_end2:
_tile_overlayer_lowered:
.L_overlay_start_2:
0x3e: {  	(tag) =	ssettag $0x2  }
0x3f: {  	s0 =	rddreg [dreg:$0x0];
	s2 =	stileid.u32  }
0x40: {  	s1 =	rddreg [dreg:$0x1];
	p0 =	sne.s32 s2, $0x0  }
0x41: {  	s3 =	rddreg [dreg:$0x2];
	[bflag:$0x3] =	sbarrier.arrive $0xFFFF;
	s2 =	simm.s32 @!p0 $0x1C02  }
0x42: {  	[timem:s3], [sflag:s2] =	dma.local @!p0 [hbm:s0], s1  }
0x43: {  	s0 =	simm.s32 @!p0 $0x2  }
0x44: {  	_ =	swait.ge @!p0 [sflag:s0], s1  }
0x45: {  	s1 =	ssub.s32 @!p0 $0x0, s1;
	[sflag:s0] =	ssyncset.done @!p0 $0x0  }
0x46: {  	[sflag:s0] =	ssyncadd.s32 @!p0 s1  }
0x47: {  	[bflag:$0x3] =	sbarrier.arrive $0xFFFF  }
0x48: {  	_ =	shalt  }

// kernel: kernel.31.cloned.1.call-start
scs
__scs_entry_jumppad:
0x0: {  	(pc) =	sbr.rel $0x88, $3  }
0x1: {  	(tag) =	ssettag $0x0;
	lr =	simm.s32 $0x1  }
0x2: {  	[smem:$0x3F8F] =	sst lr;
	_ =	strace $0xD0000000  }
0x3: {  	_ = 	snop  }
0x4: {  	_ = 	snop  }
0x5: {  	_ = 	snop  }
0x6: {  	_ = 	snop  }
0x7: {  	_ = 	snop  }
__scs_overlays_trampoline_lowered:
0x8: {  	[smem:$0x3F9E] =	sst s0  }
0x9: {  	[smem:$0x3F9F] =	sst s1  }
0xa: {  	[smem:$0x3FA0] =	sst s2  }
0xb: {  	[smem:$0x3FA1] =	sst s3  }
0xc: {  	[smem:$0x3FA2] =	sst s4  }
0xd: {  	[smem:$0x3FA3] =	sst s5  }
0xe: {  	[smem:$0x3FA4] =	sst s6  }
0xf: {  	[smem:$0x3FA5] =	sst s7  }
0x10: {  	[smem:$0x3FA6] =	sst s8  }
0x11: {  	[smem:$0x3FA7] =	sst s9;
	s0 =	simm.s32 @!p0 $0x0  }
0x12: {  	s1 =	sld [smem:$0x3F8D];
	s0 =	simm.s32 @p0 $0x1  }
0x13: {  	[smem:$0x3FA8] =	sst s0;
	s0 =	simm.s32 @!p1 $0x0  }
0x14: {  	s2 =	sld [smem:$0x3F8C];
	s0 =	simm.s32 @p1 $0x1  }
0x15: {  	[smem:$0x3FA9] =	sst s0;
	s0 =	simm.s32 @!p2 $0x0  }
0x16: {  	s3 =	sld [smem:$0x3FDB];
	s0 =	simm.s32 @p2 $0x1  }
0x17: {  	s4 =	simm.s32 $0x1BF5;
	[smem:$0x3FAB] =	sst s0  }
0x18: {  	s0 =	sld [smem:$0x3F8E];
	_ =	swait.ge [sflag:s4], $0x0  }
0x19: {  	s7 =	sld [smem:$0x3F8F]  }
0x1a: {  	s8 =	sadd.s32 $0xFFFFE003, lr  }
0x1b: {  	s9 =	sadd.s32 $0xFFFFFEF7, lr;
	s5 =	simm.s32 $0xFFFFFFFF;
	p2 =	slt.u32 s8, $0xFFFFF086  }
0x1c: {  	p1 =	slt.u32 s9, $0xF7A;
	s5 =	simm.s32 @!p2 $0x0  }
0x1d: {  	s5 =	simm.s32 @p1 $0x1;
	p0 =	seq.s32 s7, s2  }
0x1e: {  	s7 =	smul.u32 @!p0 $0xF7A, s2;
	p2 =	seq.s32 @!p0 s5, $0x0  }
0x1f: {  	s9 =	smul.u32 $0xF7A, s1;
	s8 =	simm.s32 @!p0 $0x1BF5;
	p2 =	por !p2, p0  }
0x20: {  	[sflag:s8] =	ssyncset.s32 @!p0 $0xFFFFF086;
	s6 =	sadd.s32 @!p0 s3, s7;
	s7 =	simm.s32 @!p0 $0x108  }
0x21: {  	s3 =	sadd.s32 s3, s9;
	s6 =	sadd.s32 @!p0 $0x88, s6;
	s7 =	simm.s32 @p2 $0x1082  }
0x22: {  	[simem:s7], [sflag:s8] =	dma.local @!p0 [hbm:s6], $0xF7A  }
0x23: {  	s9 =	sor.u32 $0xD0000000, s2;
	s6 =	simm.s32 $0x108;
	_ =	swait.ge @!p0 [sflag:s8], $0x0  }
0x24: {  	s3 =	sadd.s32 $0x88, s3;
	s6 =	simm.s32 @!p1 $0x1082;
	[sflag:s4] =	ssyncset.s32 $0xFFFFF086  }
0x25: {  	[simem:s6], [sflag:s4] =	dma.local [hbm:s3], $0xF7A  }
0x26: {  	[smem:$0x3F8F] =	sst s1;
	(tag) =	ssettag s2;
	_ =	strace s9  }
0x27: {  	s1 =	sld [smem:$0x3F9F]  }
0x28: {  	s2 =	sld [smem:$0x3FA0]  }
0x29: {  	s4 =	sld [smem:$0x3FA2]  }
0x2a: {  	p0 =	seq.s32 s5, $0x0;
	s5 =	sld [smem:$0x3FA3]  }
0x2b: {  	s6 =	sld [smem:$0x3FA4]  }
0x2c: {  	s7 =	sld [smem:$0x3FA5]  }
0x2d: {  	s3 =	simm.s32 $0x108;
	s8 =	sld [smem:$0x3FA6]  }
0x2e: {  	s3 =	simm.s32 @!p0 $0x1082;
	s9 =	sld [smem:$0x3FA7]  }
0x2f: {  	lr =	sadd.s32 s0, s3;
	s0 =	sld [smem:$0x3F9E]  }
0x30: {  	s3 =	sld [smem:$0x3FA1]  }
0x31: {  	[smem:$0x3FAA] =	sst s10  }
0x32: {  	s10 =	sld [smem:$0x3FA8];
	_ =	sdelay $0x3  }
0x33: {  	p0 =	seq.s32 s10, $0x1;
	s10 =	sld [smem:$0x3FAA];
	_ =	sdelay $0x3  }
0x34: {  	[smem:$0x3FAA] =	sst s10  }
0x35: {  	s10 =	sld [smem:$0x3FA9];
	_ =	sdelay $0x3  }
0x36: {  	p1 =	seq.s32 s10, $0x1;
	s10 =	sld [smem:$0x3FAA];
	_ =	sdelay $0x3  }
0x37: {  	[smem:$0x3FAA] =	sst s10  }
0x38: {  	s10 =	sld [smem:$0x3FAB]  }
0x39: {  	_ = 	snop;
	(pc) =	sbr.ind lr, $3  }
0x3a: {  	_ = 	snop  }
0x3b: {  	_ = 	snop  }
0x3c: {  	p2 =	seq.s32 s10, $0x1;
	s10 =	sld [smem:$0x3FAA]  }
0x3d: {  	_ =	shalt  }
0x3e: {  	_ =	shalt  }
0x3f: {  	_ =	shalt  }
0x40: {  	_ =	shalt  }
0x41: {  	_ =	shalt  }
0x42: {  	_ =	shalt  }
0x43: {  	_ =	shalt  }
0x44: {  	_ =	shalt  }
0x45: {  	_ =	shalt  }
0x46: {  	_ =	shalt  }
0x47: {  	_ =	shalt  }
0x48: {  	_ =	shalt  }
0x49: {  	_ =	shalt  }
0x4a: {  	_ =	shalt  }
0x4b: {  	_ =	shalt  }
0x4c: {  	_ =	shalt  }
0x4d: {  	_ =	shalt  }
0x4e: {  	_ =	shalt  }
0x4f: {  	_ =	shalt  }
0x50: {  	_ =	shalt  }
0x51: {  	_ =	shalt  }
0x52: {  	_ =	shalt  }
0x53: {  	_ =	shalt  }
0x54: {  	_ =	shalt  }
0x55: {  	_ =	shalt  }
0x56: {  	_ =	shalt  }
0x57: {  	_ =	shalt  }
0x58: {  	_ =	shalt  }
0x59: {  	_ =	shalt  }
0x5a: {  	_ =	shalt  }
0x5b: {  	_ =	shalt  }
0x5c: {  	_ =	shalt  }
0x5d: {  	_ =	shalt  }
0x5e: {  	_ =	shalt  }
0x5f: {  	_ =	shalt  }
0x60: {  	_ =	shalt  }
0x61: {  	_ =	shalt  }
0x62: {  	_ =	shalt  }
0x63: {  	_ =	shalt  }
0x64: {  	_ =	shalt  }
0x65: {  	_ =	shalt  }
0x66: {  	_ =	shalt  }
0x67: {  	_ =	shalt  }
0x68: {  	_ =	shalt  }
0x69: {  	_ =	shalt  }
0x6a: {  	_ =	shalt  }
0x6b: {  	_ =	shalt  }
0x6c: {  	_ =	shalt  }
0x6d: {  	_ =	shalt  }
0x6e: {  	_ =	shalt  }
0x6f: {  	_ =	shalt  }
0x70: {  	_ =	shalt  }
0x71: {  	_ =	shalt  }
0x72: {  	_ =	shalt  }
0x73: {  	_ =	shalt  }
0x74: {  	_ =	shalt  }
0x75: {  	_ =	shalt  }
0x76: {  	_ =	shalt  }
0x77: {  	_ =	shalt  }
0x78: {  	_ =	shalt  }
0x79: {  	_ =	shalt  }
0x7a: {  	_ =	shalt  }
0x7b: {  	_ =	shalt  }
0x7c: {  	_ =	shalt  }
0x7d: {  	_ =	shalt  }
0x7e: {  	_ =	shalt  }
0x7f: {  	_ =	shalt  }
0x80: {  	_ =	shalt  }
0x81: {  	_ =	shalt  }
0x82: {  	_ =	shalt  }
0x83: {  	_ =	shalt  }
0x84: {  	_ =	shalt  }
0x85: {  	_ =	shalt  }
0x86: {  	_ =	shalt  }
0x87: {  	_ =	shalt  }
.Lfunc_end0:
.L_simem_size_0:
called_computation.4_lowered:
.L_overlay_start_0:
0x88: {  	s2 =	sld [smem:$0x3FD9]  }
0x89: {  	s3 =	sld [smem:$0x3FFE];
	_ =	sdelay $0x1  }
0x8a: {  	s1 =	srdreg.scid  }
0x8b: {  	s0 =	sand.u32 $0x1, s1  }
0x8c: {  	s16 =	sshll.u32 s0, $0xA;
	s2 =	sadd.s32 s3, s2  }
0x8d: {  	s2 =	sadd.s32 s2, s16  }
0x8e: {  	[smem:$0x3FB6] =	sst s2  }
0x8f: {  	_ = 	snop  }
0x90: {  	(tm) =	ssettm $0x1  }
0x91: {  	s17 =	sld [smem:$0x3FFB];
	_ =	sdelay $0x3  }
0x92: {  	_ =	strace s17  }
0x93: {  	s2 =	sld [smem:$0x3FFC];
	_ =	sdelay $0x3  }
0x94: {  	_ =	strace s2  }
0x95: {  	s2 =	sld [smem:$0x3FFD];
	_ =	sdelay $0x3  }
0x96: {  	_ =	strace s2  }
0x97: {  	_ =	strace $0x8FFFFFFF  }
0x98: {  	s18 =	sld [smem:$0x3FDB];
	_ =	sdelay $0x1  }
0x99: {  	s19 =	simm.s32 $_scs_section_size  }
0x9a: {  	s4 =	simm.s32 $_size__tile_overlayer_lowered;
	s5 =	simm.s32 $_tile_overlayer_lowered  }
0x9b: {  	s22 =	simm.s32 $0x1BFF;
	s21 =	sshll.u32 s5, $0x1;
	s2 =	sadd.s32 s19, s18  }
0x9c: {  	s6 =	simm.s32 $0x0;
	s20 =	sshll.u32 s4, $0x1;
	s4 =	sadd.s32 s21, s2  }
0x9d: {  	[timem:s6], [sflag:s22] =	dma.local [hbm:s4], s20  }
0x9e: {  	_ =	swait.ge [sflag:s22], s20  }
0x9f: {  	s3 =	ssub.s32 $0x0, s20;
	[sflag:s22] =	ssyncset.done $0x0  }
0xa0: {  	[sflag:s22] =	ssyncadd.s32 s3;
	_ =	sdelay $0x1  }
0xa1: {  	s23 =	simm.s32 $0x1B8B  }
0xa2: {  	_ =	swait.ge [sflag:s23], $0x1  }
0xa3: {  	[sflag:s23] =	ssyncset.done $0x0  }
0xa4: {  	s25 =	simm.s32 $0x1B8E;
	s24 =	sld [smem:$0x3FFE];
	[sflag:s23] =	ssyncadd.s32 $0xFFFFFFFF  }
0xa5: {  	s26 =	simm.s32 $execute0_lowered;
	[smem:$0x3FD2] =	sst s25  }
0xa6: {  	s4 =	sshll.u32 s26, $0x1;
	_ =	strace $0x80000052;
	[dreg:$0x1] =	wrdreg $0xFFFFFFFF  }
0xa7: {  	s28 =	simm.s32 $_size_execute0_lowered;
	s2 =	sadd.s32 s2, s4;
	[dreg:$0x0] =	wrdreg $0x0  }
0xa8: {  	s4 =	sshll.u32 s28, $0x1;
	[dreg:$0x2] =	wrdreg s2  }
0xa9: {  	[dreg:$0x3] =	wrdreg s4  }
0xaa: {  	[dreg:$0x4] =	wrdreg $0xC0  }
0xab: {  	_ =	task [dreg:s6], $0x5FFFF  }
0xac: {  	[dreg:$0x1] =	wrdreg $0xFFFFFFFF  }
0xad: {  	[dreg:$0x0] =	wrdreg $0x60  }
0xae: {  	[dreg:$0x2] =	wrdreg s24  }
0xaf: {  	[dreg:$0x3] =	wrdreg $0x5F000  }
0xb0: {  	[dreg:$0x4] =	wrdreg $0x9  }
0xb1: {  	_ =	task.clear_ibuf [dreg:s6], $0x5FFFF;
	_ =	strace $0x90000052  }
0xb2: {  	s29 =	simm.s32 $0x9;
	_ =	strace $0x80000054  }
0xb3: {  	_ =	swait.ge [sflag:s29], $0x1  }
0xb4: {  	[sflag:s29] =	ssyncadd.s32 $0xFFFFFFFF  }
0xb5: {  	_ =	strace $0x90000054  }
0xb6: {  	_ =	sfence  }
0xb7: {  	s30 =	sld [smem:$0x0];
	_ =	sdelay $0x2  }
0xb8: {  	s31 =	sshll.u32 s1, $0xD;
	s1 =	sshrl.u32 s1, $0x2  }
0xb9: {  	s3 =	sand.u32 $0x4000, s31;
	s1 =	sadd.s32 s1, s30  }
0xba: {  	s0 =	sor.u32 s3, s0;
	s1 =	sshll.u32 s1, $0x11  }
0xbb: {  	s0 =	sor.u32 s1, s0  }
0xbc: {  	s0 =	sadd.s32 $0x8F2B, s0  }
0xbd: {  	[sflag:s0] =	ssyncadd.remote.s32 $0x1  }
0xbe: {  	_ =	sfence.sel $0xFFFF  }
0xbf: {  	[dreg:$0x0] =	wrdreg $0xFFFFFFFF;
	(pc) =	sbr.abs _section_cstart, $3  }
0xc0: {  	[dreg:$0x1] =	wrdreg $0xFFFFFFFF  }
0xc1: {  	_ =	task.clear_ibuf [dreg:s6], $0x2FFFF;
	_ =	strace $0x9FFFFFFF  }
0xc2: {  	(tm) =	ssettm $0x7FFFFFFF  }
0xc3: {  	_ =	shalt  }
tec
execute0_lowered:
.L_overlay_start_1:
0x0: {  	(tag) =	ssettag $0x1  }
0x1: {  	s6 =	rddreg [dreg:$0x0];
	s0 =	srdreg.scid  }
0x2: {  	s2 =	rddreg [dreg:$0x1];
	s1 =	stileid.u32  }
0x3: {  	s3 =	simm.s32 $0x0;
	s13 =	simm.s32 $0x2780;
	s14 =	simm.s32 $0x80  }
0x4: {  	s15 =	simm.s32 $0x4F00;
	s16 =	simm.s32 $0x1;
	s17 =	simm.s32 $0x0  }
0x5: {  	s5 =	sand.u32 $0x1, s0;
	s0 =	rddreg [dreg:$0x2];
	s7 =	smul.u32 $0x4F00, s1  }
0x6: {  	[smem:$0x7FF] =	sst s3;
	s31 =	sshll.u32 s1, $0x6;
	s4 =	sshll.u32 s5, $0x4  }
0x7: {  	s8 =	smul.u32 $0x4F000, s5;
	_ =	strace $0x80000053;
	s10 =	ssub.s32 $0x2, s5  }
0x8: {  	s5 =	sadd.s32 $0xF400, s6;
	s4 =	sor.u32 s1, s4;
	s30 =	sshrl.u32 s10, $0x1  }
0x9: {  	s12 =	sadd.s32 s7, s2;
	s9 =	smul.u32 $0x4F0, s4;
	s8 =	sadd.s32 s7, s8  }
0xa: {  	s4 =	sadd.s32 $0x70C00, s6;
	s10 =	ssub.s32 s10, s30;
	s8 =	sshrl.u32 s8, $0x3  }
0xb: {  	s10 =	smax.u32 s10, $0x1;
	s9 =	sadd.s32 s9, s6;
	s11 =	sadd.s32 s8, s6  }
0xc: {  	s6 =	sor.u32 $0x1C02, s31;
	s7 =	sadd.s32 $0x17E00, s9;
	s8 =	sadd.s32 $0x3C00, s9  }
0xd: {  	s9 =	sadd.s32 $0x7AA00, s11;
	s11 =	sshrl.u32 s12, $0x3;
	s12 =	simm.s32 $0x2  }
.LBB2_1:
0xe: {  	[spmem:s11], [sflag:s6] =	dma.local [hbm:s5], $0x9E0  }
0xf: {  	_ =	swait.ge [sflag:s12], $0x9E0  }
0x10: {  	[sflag:s12] =	ssyncset.done $0x0  }
0x11: {  	[sflag:s12] =	ssyncadd.s32 $0xFFFFF620  }
0x12: {  	[tilespmem:s3], [sflag:$0x2] =	stream.linear.gather [hbm4b:s7+s3], $0x2780, $0x38;
	[tilespmem:$0xAE00] =	vst v63  }
0x13: {  	_ =	swait.ge [sflag:s12], $0x2780  }
0x14: {  	[sflag:s12] =	ssyncset.done $0x0  }
0x15: {  	[sflag:s12] =	ssyncadd.s32 $0xFFFFD880  }
0x16: {  	[tilespmem:s13], [sflag:$0x2] =	stream.linear.gather [hbm4b:s8+s3], $0x2780, $0x38;
	[tilespmem:$0xAE00] =	vst v63  }
0x17: {  	_ =	swait.ge [sflag:s12], $0x2780  }
0x18: {  	[sflag:s12] =	ssyncset.done $0x0  }
0x19: {  	[sflag:s12] =	ssyncadd.s32 $0xFFFFD880  }
0x1a: {  	s18 =	simm.s32 $0x0;
	[bflag:$0x0] =	sbarrier.arrive $0xFFFF  }
0x1b: {  	[tilespmem:s15], [sflag:$0x1] =	stream.indirect.gather [hbm4b:s4+s14], $0x20, s18, s14, $0xb8;
	[tilespmem:$0xAE00] =	vst v63  }
0x1c: {  	_ =	swait.ge [sflag:s16], $0x1000  }
0x1d: {  	[sflag:s16] =	ssyncset.done $0x0  }
0x1e: {  	s31 =	simm.s32 $0x2780;
	[sflag:s16] =	ssyncadd.s32 $0xFFFFF000  }
0x1f: {  	[spmem:s2] =	stream.indirect.scatter.add.f32 [tilespmem:s15], [sflag:$0x2], $0x20, s31, s14, $0xb8;
	[tilespmem:$0xAE00] =	vst v63  }
0x20: {  	_ =	swait.ge [sflag:s12], $0x1000  }
0x21: {  	s19 =	simm.s32 $0x400;
	s18 =	simm.s32 $0x200;
	[sflag:s12] =	ssyncset.done $0x0  }
.LBB2_2:
0x22: {  	s20 =	sshra.s32 s18, $0x2  }
0x23: {  	[sflag:s12] =	ssyncadd.s32 $0xFFFFF000;
	s18 =	smov.u32 s19;
	s21 =	sadd.s32 $0x200, s19  }
0x24: {  	[tilespmem:s15], [sflag:$0x1] =	stream.indirect.gather [hbm4b:s4+s14], $0x20, s20, s14, $0xb8;
	[tilespmem:$0xAE00] =	vst v63  }
0x25: {  	p0 =	sne.s32 s19, $0x9C00;
	_ =	swait.ge [sflag:s16], $0x1000  }
.Ltmp0:
0x26: {  	[sflag:s16] =	ssyncset.done $0x0;
	(pc) =	sbr.rel @p0 .LBB2_2-.Ltmp0, $4  }
0x27: {  	s19 =	sadd.s32 $0x2780, s20;
	[sflag:s16] =	ssyncadd.s32 $0xFFFFF000  }
0x28: {  	[spmem:s2] =	stream.indirect.scatter.add.f32 [tilespmem:s15], [sflag:$0x2], $0x20, s19, s14, $0xb8;
	[tilespmem:$0xAE00] =	vst v63  }
0x29: {  	_ =	swait.ge [sflag:s12], $0x1000  }
0x2a: {  	s19 =	smov.u32 s21;
	[sflag:s12] =	ssyncset.done $0x0  }
0x2b: {  	s18 =	sshra.s32 s18, $0x2;
	[sflag:s12] =	ssyncadd.s32 $0xFFFFF000  }
0x2c: {  	[tilespmem:s15], [sflag:$0x1] =	stream.indirect.gather [hbm4b:s4+s14], $0x20, s18, s14, $0xb8;
	[tilespmem:$0xAE00] =	vst v63  }
0x2d: {  	_ =	swait.ge [sflag:s16], $0x1000  }
0x2e: {  	[sflag:s16] =	ssyncset.done $0x0  }
0x2f: {  	s18 =	sadd.s32 $0x2780, s18;
	[sflag:s16] =	ssyncadd.s32 $0xFFFFF000  }
0x30: {  	[spmem:s2] =	stream.indirect.scatter.add.f32 [tilespmem:s15], [sflag:$0x2], $0x20, s18, s14, $0xb8;
	[tilespmem:$0xAE00] =	vst v63  }
0x31: {  	_ =	swait.ge [sflag:s12], $0x1000  }
0x32: {  	s17 =	sadd.s32 $0x1, s17;
	[sflag:s12] =	ssyncset.done $0x0  }
0x33: {  	p0 =	sne.s32 s17, s10;
	[sflag:s12] =	ssyncadd.s32 $0xFFFFF000  }
.Ltmp1:
0x34: {  	[bflag:$0x0] =	sbarrier.arrive $0xFFFF;
	(pc) =	sbr.rel @p0 .LBB2_1-.Ltmp1, $4  }
0x35: {  	[hbm:s9], [sflag:s6] =	dma.local [spmem:s11], $0x9E0  }
0x36: {  	_ =	swait.ge [sflag:s12], $0x9E0  }
0x37: {  	[sflag:s12] =	ssyncset.done $0x0  }
0x38: {  	[sflag:s12] =	ssyncadd.s32 $0xFFFFF620  }
0x39: {  	_ =	sfence.sel $0x180000  }
0x3a: {  	[bflag:$0x0] =	sbarrier.arrive $0xFFFF  }
0x3b: {  	p0 =	sne.s32 s1, $0x0;
	_ =	strace $0x90000053  }
0x3c: {  	s0 =	sadd.s32 @!p0 $0x100000, s0;
	[bflag:$0x2] =	sbarrier.arrive $0xFFFF  }
0x3d: {  	[sflag:s0] =	ssyncadd.tile.s32 @!p0 $0x1;
	_ =	shalt  }
.Lfunc_end2:
_tile_overlayer_lowered:
.L_overlay_start_2:
0x3e: {  	(tag) =	ssettag $0x2  }
0x3f: {  	s0 =	rddreg [dreg:$0x0];
	s2 =	stileid.u32  }
0x40: {  	s1 =	rddreg [dreg:$0x1];
	p0 =	sne.s32 s2, $0x0  }
0x41: {  	s3 =	rddreg [dreg:$0x2];
	[bflag:$0x3] =	sbarrier.arrive $0xFFFF;
	s2 =	simm.s32 @!p0 $0x1C02  }
0x42: {  	[timem:s3], [sflag:s2] =	dma.local @!p0 [hbm:s0], s1  }
0x43: {  	s0 =	simm.s32 @!p0 $0x2  }
0x44: {  	_ =	swait.ge @!p0 [sflag:s0], s1  }
0x45: {  	s1 =	ssub.s32 @!p0 $0x0, s1;
	[sflag:s0] =	ssyncset.done @!p0 $0x0  }
0x46: {  	[sflag:s0] =	ssyncadd.s32 @!p0 s1  }
0x47: {  	[bflag:$0x3] =	sbarrier.arrive $0xFFFF  }
0x48: {  	_ =	shalt  }

// kernel: kernel.34.cloned.1.call-start
scs
__scs_entry_jumppad:
0x0: {  	(pc) =	sbr.rel $0x88, $3  }
0x1: {  	(tag) =	ssettag $0x0;
	lr =	simm.s32 $0x1  }
0x2: {  	[smem:$0x3F8F] =	sst lr;
	_ =	strace $0xD0000000  }
0x3: {  	_ = 	snop  }
0x4: {  	_ = 	snop  }
0x5: {  	_ = 	snop  }
0x6: {  	_ = 	snop  }
0x7: {  	_ = 	snop  }
__scs_overlays_trampoline_lowered:
0x8: {  	[smem:$0x3F9E] =	sst s0  }
0x9: {  	[smem:$0x3F9F] =	sst s1  }
0xa: {  	[smem:$0x3FA0] =	sst s2  }
0xb: {  	[smem:$0x3FA1] =	sst s3  }
0xc: {  	[smem:$0x3FA2] =	sst s4  }
0xd: {  	[smem:$0x3FA3] =	sst s5  }
0xe: {  	[smem:$0x3FA4] =	sst s6  }
0xf: {  	[smem:$0x3FA5] =	sst s7  }
0x10: {  	[smem:$0x3FA6] =	sst s8  }
0x11: {  	[smem:$0x3FA7] =	sst s9;
	s0 =	simm.s32 @!p0 $0x0  }
0x12: {  	s1 =	sld [smem:$0x3F8D];
	s0 =	simm.s32 @p0 $0x1  }
0x13: {  	[smem:$0x3FA8] =	sst s0;
	s0 =	simm.s32 @!p1 $0x0  }
0x14: {  	s2 =	sld [smem:$0x3F8C];
	s0 =	simm.s32 @p1 $0x1  }
0x15: {  	[smem:$0x3FA9] =	sst s0;
	s0 =	simm.s32 @!p2 $0x0  }
0x16: {  	s3 =	sld [smem:$0x3FDB];
	s0 =	simm.s32 @p2 $0x1  }
0x17: {  	s4 =	simm.s32 $0x1BF5;
	[smem:$0x3FAB] =	sst s0  }
0x18: {  	s0 =	sld [smem:$0x3F8E];
	_ =	swait.ge [sflag:s4], $0x0  }
0x19: {  	s7 =	sld [smem:$0x3F8F]  }
0x1a: {  	s8 =	sadd.s32 $0xFFFFE003, lr  }
0x1b: {  	s9 =	sadd.s32 $0xFFFFFEF7, lr;
	s5 =	simm.s32 $0xFFFFFFFF;
	p2 =	slt.u32 s8, $0xFFFFF086  }
0x1c: {  	p1 =	slt.u32 s9, $0xF7A;
	s5 =	simm.s32 @!p2 $0x0  }
0x1d: {  	s5 =	simm.s32 @p1 $0x1;
	p0 =	seq.s32 s7, s2  }
0x1e: {  	s7 =	smul.u32 @!p0 $0xF7A, s2;
	p2 =	seq.s32 @!p0 s5, $0x0  }
0x1f: {  	s9 =	smul.u32 $0xF7A, s1;
	s8 =	simm.s32 @!p0 $0x1BF5;
	p2 =	por !p2, p0  }
0x20: {  	[sflag:s8] =	ssyncset.s32 @!p0 $0xFFFFF086;
	s6 =	sadd.s32 @!p0 s3, s7;
	s7 =	simm.s32 @!p0 $0x108  }
0x21: {  	s3 =	sadd.s32 s3, s9;
	s6 =	sadd.s32 @!p0 $0x88, s6;
	s7 =	simm.s32 @p2 $0x1082  }
0x22: {  	[simem:s7], [sflag:s8] =	dma.local @!p0 [hbm:s6], $0xF7A  }
0x23: {  	s9 =	sor.u32 $0xD0000000, s2;
	s6 =	simm.s32 $0x108;
	_ =	swait.ge @!p0 [sflag:s8], $0x0  }
0x24: {  	s3 =	sadd.s32 $0x88, s3;
	s6 =	simm.s32 @!p1 $0x1082;
	[sflag:s4] =	ssyncset.s32 $0xFFFFF086  }
0x25: {  	[simem:s6], [sflag:s4] =	dma.local [hbm:s3], $0xF7A  }
0x26: {  	[smem:$0x3F8F] =	sst s1;
	(tag) =	ssettag s2;
	_ =	strace s9  }
0x27: {  	s1 =	sld [smem:$0x3F9F]  }
0x28: {  	s2 =	sld [smem:$0x3FA0]  }
0x29: {  	s4 =	sld [smem:$0x3FA2]  }
0x2a: {  	p0 =	seq.s32 s5, $0x0;
	s5 =	sld [smem:$0x3FA3]  }
0x2b: {  	s6 =	sld [smem:$0x3FA4]  }
0x2c: {  	s7 =	sld [smem:$0x3FA5]  }
0x2d: {  	s3 =	simm.s32 $0x108;
	s8 =	sld [smem:$0x3FA6]  }
0x2e: {  	s3 =	simm.s32 @!p0 $0x1082;
	s9 =	sld [smem:$0x3FA7]  }
0x2f: {  	lr =	sadd.s32 s0, s3;
	s0 =	sld [smem:$0x3F9E]  }
0x30: {  	s3 =	sld [smem:$0x3FA1]  }
0x31: {  	[smem:$0x3FAA] =	sst s10  }
0x32: {  	s10 =	sld [smem:$0x3FA8];
	_ =	sdelay $0x3  }
0x33: {  	p0 =	seq.s32 s10, $0x1;
	s10 =	sld [smem:$0x3FAA];
	_ =	sdelay $0x3  }
0x34: {  	[smem:$0x3FAA] =	sst s10  }
0x35: {  	s10 =	sld [smem:$0x3FA9];
	_ =	sdelay $0x3  }
0x36: {  	p1 =	seq.s32 s10, $0x1;
	s10 =	sld [smem:$0x3FAA];
	_ =	sdelay $0x3  }
0x37: {  	[smem:$0x3FAA] =	sst s10  }
0x38: {  	s10 =	sld [smem:$0x3FAB]  }
0x39: {  	_ = 	snop;
	(pc) =	sbr.ind lr, $3  }
0x3a: {  	_ = 	snop  }
0x3b: {  	_ = 	snop  }
0x3c: {  	p2 =	seq.s32 s10, $0x1;
	s10 =	sld [smem:$0x3FAA]  }
0x3d: {  	_ =	shalt  }
0x3e: {  	_ =	shalt  }
0x3f: {  	_ =	shalt  }
0x40: {  	_ =	shalt  }
0x41: {  	_ =	shalt  }
0x42: {  	_ =	shalt  }
0x43: {  	_ =	shalt  }
0x44: {  	_ =	shalt  }
0x45: {  	_ =	shalt  }
0x46: {  	_ =	shalt  }
0x47: {  	_ =	shalt  }
0x48: {  	_ =	shalt  }
0x49: {  	_ =	shalt  }
0x4a: {  	_ =	shalt  }
0x4b: {  	_ =	shalt  }
0x4c: {  	_ =	shalt  }
0x4d: {  	_ =	shalt  }
0x4e: {  	_ =	shalt  }
0x4f: {  	_ =	shalt  }
0x50: {  	_ =	shalt  }
0x51: {  	_ =	shalt  }
0x52: {  	_ =	shalt  }
0x53: {  	_ =	shalt  }
0x54: {  	_ =	shalt  }
0x55: {  	_ =	shalt  }
0x56: {  	_ =	shalt  }
0x57: {  	_ =	shalt  }
0x58: {  	_ =	shalt  }
0x59: {  	_ =	shalt  }
0x5a: {  	_ =	shalt  }
0x5b: {  	_ =	shalt  }
0x5c: {  	_ =	shalt  }
0x5d: {  	_ =	shalt  }
0x5e: {  	_ =	shalt  }
0x5f: {  	_ =	shalt  }
0x60: {  	_ =	shalt  }
0x61: {  	_ =	shalt  }
0x62: {  	_ =	shalt  }
0x63: {  	_ =	shalt  }
0x64: {  	_ =	shalt  }
0x65: {  	_ =	shalt  }
0x66: {  	_ =	shalt  }
0x67: {  	_ =	shalt  }
0x68: {  	_ =	shalt  }
0x69: {  	_ =	shalt  }
0x6a: {  	_ =	shalt  }
0x6b: {  	_ =	shalt  }
0x6c: {  	_ =	shalt  }
0x6d: {  	_ =	shalt  }
0x6e: {  	_ =	shalt  }
0x6f: {  	_ =	shalt  }
0x70: {  	_ =	shalt  }
0x71: {  	_ =	shalt  }
0x72: {  	_ =	shalt  }
0x73: {  	_ =	shalt  }
0x74: {  	_ =	shalt  }
0x75: {  	_ =	shalt  }
0x76: {  	_ =	shalt  }
0x77: {  	_ =	shalt  }
0x78: {  	_ =	shalt  }
0x79: {  	_ =	shalt  }
0x7a: {  	_ =	shalt  }
0x7b: {  	_ =	shalt  }
0x7c: {  	_ =	shalt  }
0x7d: {  	_ =	shalt  }
0x7e: {  	_ =	shalt  }
0x7f: {  	_ =	shalt  }
0x80: {  	_ =	shalt  }
0x81: {  	_ =	shalt  }
0x82: {  	_ =	shalt  }
0x83: {  	_ =	shalt  }
0x84: {  	_ =	shalt  }
0x85: {  	_ =	shalt  }
0x86: {  	_ =	shalt  }
0x87: {  	_ =	shalt  }
.Lfunc_end0:
.L_simem_size_0:
called_computation.5_lowered:
.L_overlay_start_0:
0x88: {  	s2 =	sld [smem:$0x3FD9]  }
0x89: {  	s3 =	sld [smem:$0x3FFE];
	_ =	sdelay $0x1  }
0x8a: {  	s1 =	srdreg.scid  }
0x8b: {  	s0 =	sand.u32 $0x1, s1  }
0x8c: {  	s16 =	sshll.u32 s0, $0xA;
	s2 =	sadd.s32 s3, s2  }
0x8d: {  	s2 =	sadd.s32 s2, s16  }
0x8e: {  	[smem:$0x3FB6] =	sst s2  }
0x8f: {  	_ = 	snop  }
0x90: {  	(tm) =	ssettm $0x1  }
0x91: {  	s17 =	sld [smem:$0x3FFB];
	_ =	sdelay $0x3  }
0x92: {  	_ =	strace s17  }
0x93: {  	s2 =	sld [smem:$0x3FFC];
	_ =	sdelay $0x3  }
0x94: {  	_ =	strace s2  }
0x95: {  	s2 =	sld [smem:$0x3FFD];
	_ =	sdelay $0x3  }
0x96: {  	_ =	strace s2  }
0x97: {  	_ =	strace $0x8FFFFFFF  }
0x98: {  	s18 =	sld [smem:$0x3FDB];
	_ =	sdelay $0x1  }
0x99: {  	s19 =	simm.s32 $_scs_section_size  }
0x9a: {  	s4 =	simm.s32 $_size__tile_overlayer_lowered;
	s5 =	simm.s32 $_tile_overlayer_lowered  }
0x9b: {  	s22 =	simm.s32 $0x1BFF;
	s21 =	sshll.u32 s5, $0x1;
	s2 =	sadd.s32 s19, s18  }
0x9c: {  	s6 =	simm.s32 $0x0;
	s20 =	sshll.u32 s4, $0x1;
	s4 =	sadd.s32 s21, s2  }
0x9d: {  	[timem:s6], [sflag:s22] =	dma.local [hbm:s4], s20  }
0x9e: {  	_ =	swait.ge [sflag:s22], s20  }
0x9f: {  	s3 =	ssub.s32 $0x0, s20;
	[sflag:s22] =	ssyncset.done $0x0  }
0xa0: {  	[sflag:s22] =	ssyncadd.s32 s3;
	_ =	sdelay $0x1  }
0xa1: {  	s23 =	simm.s32 $0x1B8B  }
0xa2: {  	_ =	swait.ge [sflag:s23], $0x1  }
0xa3: {  	[sflag:s23] =	ssyncset.done $0x0  }
0xa4: {  	s25 =	simm.s32 $0x1B8E;
	s24 =	sld [smem:$0x3FFE];
	[sflag:s23] =	ssyncadd.s32 $0xFFFFFFFF  }
0xa5: {  	s26 =	simm.s32 $execute0_lowered;
	[smem:$0x3FD2] =	sst s25  }
0xa6: {  	s4 =	sshll.u32 s26, $0x1;
	_ =	strace $0x80000055;
	[dreg:$0x1] =	wrdreg $0xFFFFFFFF  }
0xa7: {  	s28 =	simm.s32 $_size_execute0_lowered;
	s2 =	sadd.s32 s2, s4;
	[dreg:$0x0] =	wrdreg $0x0  }
0xa8: {  	s4 =	sshll.u32 s28, $0x1;
	[dreg:$0x2] =	wrdreg s2  }
0xa9: {  	[dreg:$0x3] =	wrdreg s4  }
0xaa: {  	[dreg:$0x4] =	wrdreg $0xC0  }
0xab: {  	_ =	task [dreg:s6], $0x5FFFF  }
0xac: {  	[dreg:$0x1] =	wrdreg $0xFFFFFFFF  }
0xad: {  	[dreg:$0x0] =	wrdreg $0x60  }
0xae: {  	[dreg:$0x2] =	wrdreg s24  }
0xaf: {  	[dreg:$0x3] =	wrdreg $0x6F000  }
0xb0: {  	[dreg:$0x4] =	wrdreg $0x9  }
0xb1: {  	_ =	task.clear_ibuf [dreg:s6], $0x5FFFF;
	_ =	strace $0x90000055  }
0xb2: {  	s29 =	simm.s32 $0x9;
	_ =	strace $0x80000057  }
0xb3: {  	_ =	swait.ge [sflag:s29], $0x1  }
0xb4: {  	[sflag:s29] =	ssyncadd.s32 $0xFFFFFFFF  }
0xb5: {  	_ =	strace $0x90000057  }
0xb6: {  	_ =	sfence  }
0xb7: {  	s30 =	sld [smem:$0x0];
	_ =	sdelay $0x2  }
0xb8: {  	s31 =	sshll.u32 s1, $0xD;
	s1 =	sshrl.u32 s1, $0x2  }
0xb9: {  	s3 =	sand.u32 $0x4000, s31;
	s1 =	sadd.s32 s1, s30  }
0xba: {  	s0 =	sor.u32 s3, s0;
	s1 =	sshll.u32 s1, $0x11  }
0xbb: {  	s0 =	sor.u32 s1, s0  }
0xbc: {  	s0 =	sadd.s32 $0x8F2B, s0  }
0xbd: {  	[sflag:s0] =	ssyncadd.remote.s32 $0x1  }
0xbe: {  	_ =	sfence.sel $0xFFFF  }
0xbf: {  	[dreg:$0x0] =	wrdreg $0xFFFFFFFF;
	(pc) =	sbr.abs _section_cstart, $3  }
0xc0: {  	[dreg:$0x1] =	wrdreg $0xFFFFFFFF  }
0xc1: {  	_ =	task.clear_ibuf [dreg:s6], $0x2FFFF;
	_ =	strace $0x9FFFFFFF  }
0xc2: {  	(tm) =	ssettm $0x7FFFFFFF  }
0xc3: {  	_ =	shalt  }
tec
execute0_lowered:
.L_overlay_start_1:
0x0: {  	(tag) =	ssettag $0x1  }
0x1: {  	s6 =	rddreg [dreg:$0x0];
	s0 =	srdreg.scid  }
0x2: {  	s2 =	rddreg [dreg:$0x1];
	s1 =	stileid.u32  }
0x3: {  	s3 =	simm.s32 $0x0;
	s13 =	simm.s32 $0x2780;
	s14 =	simm.s32 $0x80  }
0x4: {  	s15 =	simm.s32 $0x4F00;
	s16 =	simm.s32 $0x1;
	s17 =	simm.s32 $0x0  }
0x5: {  	s5 =	sand.u32 $0x1, s0;
	s0 =	rddreg [dreg:$0x2];
	s7 =	smul.u32 $0x9E00, s1  }
0x6: {  	[smem:$0x7FF] =	sst s3;
	s31 =	sshll.u32 s1, $0x6;
	s4 =	sshll.u32 s5, $0x4  }
0x7: {  	s8 =	smul.u32 $0x9E000, s5;
	_ =	strace $0x80000056;
	s10 =	ssub.s32 $0x2, s5  }
0x8: {  	s5 =	sadd.s32 $0xE000, s6;
	s4 =	sor.u32 s1, s4;
	s30 =	sshrl.u32 s10, $0x1  }
0x9: {  	s12 =	sadd.s32 s7, s2;
	s9 =	smul.u32 $0x4F0, s4;
	s8 =	sadd.s32 s7, s8  }
0xa: {  	s4 =	sadd.s32 $0x70C00, s6;
	s10 =	ssub.s32 s10, s30;
	s8 =	sshrl.u32 s8, $0x3  }
0xb: {  	s10 =	smax.u32 s10, $0x1;
	s9 =	sadd.s32 s9, s6;
	s11 =	sadd.s32 s8, s6  }
0xc: {  	s6 =	sor.u32 $0x1C02, s31;
	s7 =	sadd.s32 $0x17E00, s9;
	s8 =	sadd.s32 $0x3C00, s9  }
0xd: {  	s9 =	sadd.s32 $0x84600, s11;
	s11 =	sshrl.u32 s12, $0x3;
	s12 =	simm.s32 $0x2  }
.LBB2_1:
0xe: {  	[spmem:s11], [sflag:s6] =	dma.local [hbm:s5], $0x13C0  }
0xf: {  	_ =	swait.ge [sflag:s12], $0x13C0  }
0x10: {  	[sflag:s12] =	ssyncset.done $0x0  }
0x11: {  	[sflag:s12] =	ssyncadd.s32 $0xFFFFEC40  }
0x12: {  	[tilespmem:s3], [sflag:$0x2] =	stream.linear.gather [hbm4b:s7+s3], $0x2780, $0x38;
	[tilespmem:$0x10D00] =	vst v63  }
0x13: {  	_ =	swait.ge [sflag:s12], $0x2780  }
0x14: {  	[sflag:s12] =	ssyncset.done $0x0  }
0x15: {  	[sflag:s12] =	ssyncadd.s32 $0xFFFFD880  }
0x16: {  	[tilespmem:s13], [sflag:$0x2] =	stream.linear.gather [hbm4b:s8+s3], $0x2780, $0x38;
	[tilespmem:$0x10D00] =	vst v63  }
0x17: {  	_ =	swait.ge [sflag:s12], $0x2780  }
0x18: {  	[sflag:s12] =	ssyncset.done $0x0  }
0x19: {  	[sflag:s12] =	ssyncadd.s32 $0xFFFFD880  }
0x1a: {  	s18 =	simm.s32 $0x0;
	[bflag:$0x0] =	sbarrier.arrive $0xFFFF  }
0x1b: {  	[tilespmem:s15], [sflag:$0x1] =	stream.indirect.gather [hbm4b:s4+s14], $0x40, s18, s14, $0xb8;
	[tilespmem:$0x10D00] =	vst v63  }
0x1c: {  	_ =	swait.ge [sflag:s16], $0x2000  }
0x1d: {  	[sflag:s16] =	ssyncset.done $0x0  }
0x1e: {  	s31 =	simm.s32 $0x2780;
	[sflag:s16] =	ssyncadd.s32 $0xFFFFE000  }
0x1f: {  	[spmem:s2] =	stream.indirect.scatter.add.f32 [tilespmem:s15], [sflag:$0x2], $0x40, s31, s14, $0xb8;
	[tilespmem:$0x10D00] =	vst v63  }
0x20: {  	_ =	swait.ge [sflag:s12], $0x2000  }
0x21: {  	s19 =	simm.s32 $0x400;
	s18 =	simm.s32 $0x200;
	[sflag:s12] =	ssyncset.done $0x0  }
.LBB2_2:
0x22: {  	s20 =	sshra.s32 s18, $0x2  }
0x23: {  	[sflag:s12] =	ssyncadd.s32 $0xFFFFE000;
	s18 =	smov.u32 s19;
	s21 =	sadd.s32 $0x200, s19  }
0x24: {  	[tilespmem:s15], [sflag:$0x1] =	stream.indirect.gather [hbm4b:s4+s14], $0x40, s20, s14, $0xb8;
	[tilespmem:$0x10D00] =	vst v63  }
0x25: {  	p0 =	sne.s32 s19, $0x9C00;
	_ =	swait.ge [sflag:s16], $0x2000  }
.Ltmp0:
0x26: {  	[sflag:s16] =	ssyncset.done $0x0;
	(pc) =	sbr.rel @p0 .LBB2_2-.Ltmp0, $4  }
0x27: {  	s19 =	sadd.s32 $0x2780, s20;
	[sflag:s16] =	ssyncadd.s32 $0xFFFFE000  }
0x28: {  	[spmem:s2] =	stream.indirect.scatter.add.f32 [tilespmem:s15], [sflag:$0x2], $0x40, s19, s14, $0xb8;
	[tilespmem:$0x10D00] =	vst v63  }
0x29: {  	_ =	swait.ge [sflag:s12], $0x2000  }
0x2a: {  	s19 =	smov.u32 s21;
	[sflag:s12] =	ssyncset.done $0x0  }
0x2b: {  	s18 =	sshra.s32 s18, $0x2;
	[sflag:s12] =	ssyncadd.s32 $0xFFFFE000  }
0x2c: {  	[tilespmem:s15], [sflag:$0x1] =	stream.indirect.gather [hbm4b:s4+s14], $0x40, s18, s14, $0xb8;
	[tilespmem:$0x10D00] =	vst v63  }
0x2d: {  	_ =	swait.ge [sflag:s16], $0x2000  }
0x2e: {  	[sflag:s16] =	ssyncset.done $0x0  }
0x2f: {  	s18 =	sadd.s32 $0x2780, s18;
	[sflag:s16] =	ssyncadd.s32 $0xFFFFE000  }
0x30: {  	[spmem:s2] =	stream.indirect.scatter.add.f32 [tilespmem:s15], [sflag:$0x2], $0x40, s18, s14, $0xb8;
	[tilespmem:$0x10D00] =	vst v63  }
0x31: {  	_ =	swait.ge [sflag:s12], $0x2000  }
0x32: {  	s17 =	sadd.s32 $0x1, s17;
	[sflag:s12] =	ssyncset.done $0x0  }
0x33: {  	p0 =	sne.s32 s17, s10;
	[sflag:s12] =	ssyncadd.s32 $0xFFFFE000  }
.Ltmp1:
0x34: {  	[bflag:$0x0] =	sbarrier.arrive $0xFFFF;
	(pc) =	sbr.rel @p0 .LBB2_1-.Ltmp1, $4  }
0x35: {  	[hbm:s9], [sflag:s6] =	dma.local [spmem:s11], $0x13C0  }
0x36: {  	_ =	swait.ge [sflag:s12], $0x13C0  }
0x37: {  	[sflag:s12] =	ssyncset.done $0x0  }
0x38: {  	[sflag:s12] =	ssyncadd.s32 $0xFFFFEC40  }
0x39: {  	_ =	sfence.sel $0x180000  }
0x3a: {  	[bflag:$0x0] =	sbarrier.arrive $0xFFFF  }
0x3b: {  	p0 =	sne.s32 s1, $0x0;
	_ =	strace $0x90000056  }
0x3c: {  	s0 =	sadd.s32 @!p0 $0x100000, s0;
	[bflag:$0x2] =	sbarrier.arrive $0xFFFF  }
0x3d: {  	[sflag:s0] =	ssyncadd.tile.s32 @!p0 $0x1;
	_ =	shalt  }
.Lfunc_end2:
_tile_overlayer_lowered:
.L_overlay_start_2:
0x3e: {  	(tag) =	ssettag $0x2  }
0x3f: {  	s0 =	rddreg [dreg:$0x0];
	s2 =	stileid.u32  }
0x40: {  	s1 =	rddreg [dreg:$0x1];
	p0 =	sne.s32 s2, $0x0  }
0x41: {  	s3 =	rddreg [dreg:$0x2];
	[bflag:$0x3] =	sbarrier.arrive $0xFFFF;
	s2 =	simm.s32 @!p0 $0x1C02  }
0x42: {  	[timem:s3], [sflag:s2] =	dma.local @!p0 [hbm:s0], s1  }
0x43: {  	s0 =	simm.s32 @!p0 $0x2  }
0x44: {  	_ =	swait.ge @!p0 [sflag:s0], s1  }
0x45: {  	s1 =	ssub.s32 @!p0 $0x0, s1;
	[sflag:s0] =	ssyncset.done @!p0 $0x0  }
0x46: {  	[sflag:s0] =	ssyncadd.s32 @!p0 s1  }
0x47: {  	[bflag:$0x3] =	sbarrier.arrive $0xFFFF  }
0x48: {  	_ =	shalt  }

// kernel: kernel.37.cloned.1.call-start
scs
__scs_entry_jumppad:
0x0: {  	(pc) =	sbr.rel $0x88, $3  }
0x1: {  	(tag) =	ssettag $0x0;
	lr =	simm.s32 $0x1  }
0x2: {  	[smem:$0x3F8F] =	sst lr;
	_ =	strace $0xD0000000  }
0x3: {  	_ = 	snop  }
0x4: {  	_ = 	snop  }
0x5: {  	_ = 	snop  }
0x6: {  	_ = 	snop  }
0x7: {  	_ = 	snop  }
__scs_overlays_trampoline_lowered:
0x8: {  	[smem:$0x3F9E] =	sst s0  }
0x9: {  	[smem:$0x3F9F] =	sst s1  }
0xa: {  	[smem:$0x3FA0] =	sst s2  }
0xb: {  	[smem:$0x3FA1] =	sst s3  }
0xc: {  	[smem:$0x3FA2] =	sst s4  }
0xd: {  	[smem:$0x3FA3] =	sst s5  }
0xe: {  	[smem:$0x3FA4] =	sst s6  }
0xf: {  	[smem:$0x3FA5] =	sst s7  }
0x10: {  	[smem:$0x3FA6] =	sst s8  }
0x11: {  	[smem:$0x3FA7] =	sst s9;
	s0 =	simm.s32 @!p0 $0x0  }
0x12: {  	s1 =	sld [smem:$0x3F8D];
	s0 =	simm.s32 @p0 $0x1  }
0x13: {  	[smem:$0x3FA8] =	sst s0;
	s0 =	simm.s32 @!p1 $0x0  }
0x14: {  	s2 =	sld [smem:$0x3F8C];
	s0 =	simm.s32 @p1 $0x1  }
0x15: {  	[smem:$0x3FA9] =	sst s0;
	s0 =	simm.s32 @!p2 $0x0  }
0x16: {  	s3 =	sld [smem:$0x3FDB];
	s0 =	simm.s32 @p2 $0x1  }
0x17: {  	s4 =	simm.s32 $0x1BF5;
	[smem:$0x3FAB] =	sst s0  }
0x18: {  	s0 =	sld [smem:$0x3F8E];
	_ =	swait.ge [sflag:s4], $0x0  }
0x19: {  	s7 =	sld [smem:$0x3F8F]  }
0x1a: {  	s8 =	sadd.s32 $0xFFFFE003, lr  }
0x1b: {  	s9 =	sadd.s32 $0xFFFFFEF7, lr;
	s5 =	simm.s32 $0xFFFFFFFF;
	p2 =	slt.u32 s8, $0xFFFFF086  }
0x1c: {  	p1 =	slt.u32 s9, $0xF7A;
	s5 =	simm.s32 @!p2 $0x0  }
0x1d: {  	s5 =	simm.s32 @p1 $0x1;
	p0 =	seq.s32 s7, s2  }
0x1e: {  	s7 =	smul.u32 @!p0 $0xF7A, s2;
	p2 =	seq.s32 @!p0 s5, $0x0  }
0x1f: {  	s9 =	smul.u32 $0xF7A, s1;
	s8 =	simm.s32 @!p0 $0x1BF5;
	p2 =	por !p2, p0  }
0x20: {  	[sflag:s8] =	ssyncset.s32 @!p0 $0xFFFFF086;
	s6 =	sadd.s32 @!p0 s3, s7;
	s7 =	simm.s32 @!p0 $0x108  }
0x21: {  	s3 =	sadd.s32 s3, s9;
	s6 =	sadd.s32 @!p0 $0x88, s6;
	s7 =	simm.s32 @p2 $0x1082  }
0x22: {  	[simem:s7], [sflag:s8] =	dma.local @!p0 [hbm:s6], $0xF7A  }
0x23: {  	s9 =	sor.u32 $0xD0000000, s2;
	s6 =	simm.s32 $0x108;
	_ =	swait.ge @!p0 [sflag:s8], $0x0  }
0x24: {  	s3 =	sadd.s32 $0x88, s3;
	s6 =	simm.s32 @!p1 $0x1082;
	[sflag:s4] =	ssyncset.s32 $0xFFFFF086  }
0x25: {  	[simem:s6], [sflag:s4] =	dma.local [hbm:s3], $0xF7A  }
0x26: {  	[smem:$0x3F8F] =	sst s1;
	(tag) =	ssettag s2;
	_ =	strace s9  }
0x27: {  	s1 =	sld [smem:$0x3F9F]  }
0x28: {  	s2 =	sld [smem:$0x3FA0]  }
0x29: {  	s4 =	sld [smem:$0x3FA2]  }
0x2a: {  	p0 =	seq.s32 s5, $0x0;
	s5 =	sld [smem:$0x3FA3]  }
0x2b: {  	s6 =	sld [smem:$0x3FA4]  }
0x2c: {  	s7 =	sld [smem:$0x3FA5]  }
0x2d: {  	s3 =	simm.s32 $0x108;
	s8 =	sld [smem:$0x3FA6]  }
0x2e: {  	s3 =	simm.s32 @!p0 $0x1082;
	s9 =	sld [smem:$0x3FA7]  }
0x2f: {  	lr =	sadd.s32 s0, s3;
	s0 =	sld [smem:$0x3F9E]  }
0x30: {  	s3 =	sld [smem:$0x3FA1]  }
0x31: {  	[smem:$0x3FAA] =	sst s10  }
0x32: {  	s10 =	sld [smem:$0x3FA8];
	_ =	sdelay $0x3  }
0x33: {  	p0 =	seq.s32 s10, $0x1;
	s10 =	sld [smem:$0x3FAA];
	_ =	sdelay $0x3  }
0x34: {  	[smem:$0x3FAA] =	sst s10  }
0x35: {  	s10 =	sld [smem:$0x3FA9];
	_ =	sdelay $0x3  }
0x36: {  	p1 =	seq.s32 s10, $0x1;
	s10 =	sld [smem:$0x3FAA];
	_ =	sdelay $0x3  }
0x37: {  	[smem:$0x3FAA] =	sst s10  }
0x38: {  	s10 =	sld [smem:$0x3FAB]  }
0x39: {  	_ = 	snop;
	(pc) =	sbr.ind lr, $3  }
0x3a: {  	_ = 	snop  }
0x3b: {  	_ = 	snop  }
0x3c: {  	p2 =	seq.s32 s10, $0x1;
	s10 =	sld [smem:$0x3FAA]  }
0x3d: {  	_ =	shalt  }
0x3e: {  	_ =	shalt  }
0x3f: {  	_ =	shalt  }
0x40: {  	_ =	shalt  }
0x41: {  	_ =	shalt  }
0x42: {  	_ =	shalt  }
0x43: {  	_ =	shalt  }
0x44: {  	_ =	shalt  }
0x45: {  	_ =	shalt  }
0x46: {  	_ =	shalt  }
0x47: {  	_ =	shalt  }
0x48: {  	_ =	shalt  }
0x49: {  	_ =	shalt  }
0x4a: {  	_ =	shalt  }
0x4b: {  	_ =	shalt  }
0x4c: {  	_ =	shalt  }
0x4d: {  	_ =	shalt  }
0x4e: {  	_ =	shalt  }
0x4f: {  	_ =	shalt  }
0x50: {  	_ =	shalt  }
0x51: {  	_ =	shalt  }
0x52: {  	_ =	shalt  }
0x53: {  	_ =	shalt  }
0x54: {  	_ =	shalt  }
0x55: {  	_ =	shalt  }
0x56: {  	_ =	shalt  }
0x57: {  	_ =	shalt  }
0x58: {  	_ =	shalt  }
0x59: {  	_ =	shalt  }
0x5a: {  	_ =	shalt  }
0x5b: {  	_ =	shalt  }
0x5c: {  	_ =	shalt  }
0x5d: {  	_ =	shalt  }
0x5e: {  	_ =	shalt  }
0x5f: {  	_ =	shalt  }
0x60: {  	_ =	shalt  }
0x61: {  	_ =	shalt  }
0x62: {  	_ =	shalt  }
0x63: {  	_ =	shalt  }
0x64: {  	_ =	shalt  }
0x65: {  	_ =	shalt  }
0x66: {  	_ =	shalt  }
0x67: {  	_ =	shalt  }
0x68: {  	_ =	shalt  }
0x69: {  	_ =	shalt  }
0x6a: {  	_ =	shalt  }
0x6b: {  	_ =	shalt  }
0x6c: {  	_ =	shalt  }
0x6d: {  	_ =	shalt  }
0x6e: {  	_ =	shalt  }
0x6f: {  	_ =	shalt  }
0x70: {  	_ =	shalt  }
0x71: {  	_ =	shalt  }
0x72: {  	_ =	shalt  }
0x73: {  	_ =	shalt  }
0x74: {  	_ =	shalt  }
0x75: {  	_ =	shalt  }
0x76: {  	_ =	shalt  }
0x77: {  	_ =	shalt  }
0x78: {  	_ =	shalt  }
0x79: {  	_ =	shalt  }
0x7a: {  	_ =	shalt  }
0x7b: {  	_ =	shalt  }
0x7c: {  	_ =	shalt  }
0x7d: {  	_ =	shalt  }
0x7e: {  	_ =	shalt  }
0x7f: {  	_ =	shalt  }
0x80: {  	_ =	shalt  }
0x81: {  	_ =	shalt  }
0x82: {  	_ =	shalt  }
0x83: {  	_ =	shalt  }
0x84: {  	_ =	shalt  }
0x85: {  	_ =	shalt  }
0x86: {  	_ =	shalt  }
0x87: {  	_ =	shalt  }
.Lfunc_end0:
.L_simem_size_0:
called_computation.6_lowered:
.L_overlay_start_0:
0x88: {  	s2 =	sld [smem:$0x3FD9]  }
0x89: {  	s3 =	sld [smem:$0x3FFE];
	_ =	sdelay $0x1  }
0x8a: {  	s1 =	srdreg.scid  }
0x8b: {  	s0 =	sand.u32 $0x1, s1  }
0x8c: {  	s16 =	sshll.u32 s0, $0xA;
	s2 =	sadd.s32 s3, s2  }
0x8d: {  	s2 =	sadd.s32 s2, s16  }
0x8e: {  	[smem:$0x3FB6] =	sst s2  }
0x8f: {  	_ = 	snop  }
0x90: {  	(tm) =	ssettm $0x1  }
0x91: {  	s17 =	sld [smem:$0x3FFB];
	_ =	sdelay $0x3  }
0x92: {  	_ =	strace s17  }
0x93: {  	s2 =	sld [smem:$0x3FFC];
	_ =	sdelay $0x3  }
0x94: {  	_ =	strace s2  }
0x95: {  	s2 =	sld [smem:$0x3FFD];
	_ =	sdelay $0x3  }
0x96: {  	_ =	strace s2  }
0x97: {  	_ =	strace $0x8FFFFFFF  }
0x98: {  	s18 =	sld [smem:$0x3FDB];
	_ =	sdelay $0x1  }
0x99: {  	s19 =	simm.s32 $_scs_section_size  }
0x9a: {  	s4 =	simm.s32 $_size__tile_overlayer_lowered;
	s5 =	simm.s32 $_tile_overlayer_lowered  }
0x9b: {  	s22 =	simm.s32 $0x1BFF;
	s21 =	sshll.u32 s5, $0x1;
	s2 =	sadd.s32 s19, s18  }
0x9c: {  	s6 =	simm.s32 $0x0;
	s20 =	sshll.u32 s4, $0x1;
	s4 =	sadd.s32 s21, s2  }
0x9d: {  	[timem:s6], [sflag:s22] =	dma.local [hbm:s4], s20  }
0x9e: {  	_ =	swait.ge [sflag:s22], s20  }
0x9f: {  	s3 =	ssub.s32 $0x0, s20;
	[sflag:s22] =	ssyncset.done $0x0  }
0xa0: {  	[sflag:s22] =	ssyncadd.s32 s3;
	_ =	sdelay $0x1  }
0xa1: {  	s23 =	simm.s32 $0x1B8B  }
0xa2: {  	_ =	swait.ge [sflag:s23], $0x1  }
0xa3: {  	[sflag:s23] =	ssyncset.done $0x0  }
0xa4: {  	s25 =	simm.s32 $0x1B8E;
	s24 =	sld [smem:$0x3FFE];
	[sflag:s23] =	ssyncadd.s32 $0xFFFFFFFF  }
0xa5: {  	s26 =	simm.s32 $execute0_lowered;
	[smem:$0x3FD2] =	sst s25  }
0xa6: {  	s4 =	sshll.u32 s26, $0x1;
	_ =	strace $0x80000058;
	[dreg:$0x1] =	wrdreg $0xFFFFFFFF  }
0xa7: {  	s28 =	simm.s32 $_size_execute0_lowered;
	s2 =	sadd.s32 s2, s4;
	[dreg:$0x0] =	wrdreg $0x0  }
0xa8: {  	s4 =	sshll.u32 s28, $0x1;
	[dreg:$0x2] =	wrdreg s2  }
0xa9: {  	[dreg:$0x3] =	wrdreg s4  }
0xaa: {  	[dreg:$0x4] =	wrdreg $0xC0  }
0xab: {  	_ =	task [dreg:s6], $0x5FFFF  }
0xac: {  	[dreg:$0x1] =	wrdreg $0xFFFFFFFF  }
0xad: {  	[dreg:$0x0] =	wrdreg $0x60  }
0xae: {  	[dreg:$0x2] =	wrdreg s24  }
0xaf: {  	[dreg:$0x3] =	wrdreg $0x57000  }
0xb0: {  	[dreg:$0x4] =	wrdreg $0x9  }
0xb1: {  	_ =	task.clear_ibuf [dreg:s6], $0x5FFFF;
	_ =	strace $0x90000058  }
0xb2: {  	s29 =	simm.s32 $0x9;
	_ =	strace $0x8000005A  }
0xb3: {  	_ =	swait.ge [sflag:s29], $0x1  }
0xb4: {  	[sflag:s29] =	ssyncadd.s32 $0xFFFFFFFF  }
0xb5: {  	_ =	strace $0x9000005A  }
0xb6: {  	_ =	sfence  }
0xb7: {  	s30 =	sld [smem:$0x0];
	_ =	sdelay $0x2  }
0xb8: {  	s31 =	sshll.u32 s1, $0xD;
	s1 =	sshrl.u32 s1, $0x2  }
0xb9: {  	s3 =	sand.u32 $0x4000, s31;
	s1 =	sadd.s32 s1, s30  }
0xba: {  	s0 =	sor.u32 s3, s0;
	s1 =	sshll.u32 s1, $0x11  }
0xbb: {  	s0 =	sor.u32 s1, s0  }
0xbc: {  	s0 =	sadd.s32 $0x8F2B, s0  }
0xbd: {  	[sflag:s0] =	ssyncadd.remote.s32 $0x1  }
0xbe: {  	_ =	sfence.sel $0xFFFF  }
0xbf: {  	[dreg:$0x0] =	wrdreg $0xFFFFFFFF;
	(pc) =	sbr.abs _section_cstart, $3  }
0xc0: {  	[dreg:$0x1] =	wrdreg $0xFFFFFFFF  }
0xc1: {  	_ =	task.clear_ibuf [dreg:s6], $0x2FFFF;
	_ =	strace $0x9FFFFFFF  }
0xc2: {  	(tm) =	ssettm $0x7FFFFFFF  }
0xc3: {  	_ =	shalt  }
tec
execute0_lowered:
.L_overlay_start_1:
0x0: {  	(tag) =	ssettag $0x1  }
0x1: {  	s6 =	rddreg [dreg:$0x0];
	s0 =	srdreg.scid  }
0x2: {  	s2 =	rddreg [dreg:$0x1];
	s1 =	stileid.u32  }
0x3: {  	s3 =	simm.s32 $0x0;
	s13 =	simm.s32 $0x2780;
	s14 =	simm.s32 $0x80  }
0x4: {  	s15 =	simm.s32 $0x4F00;
	s16 =	simm.s32 $0x1;
	s17 =	simm.s32 $0x0  }
0x5: {  	s5 =	sand.u32 $0x1, s0;
	s0 =	rddreg [dreg:$0x2];
	s7 =	smul.u32 $0x2780, s1  }
0x6: {  	[smem:$0x7FF] =	sst s3;
	s31 =	sshll.u32 s1, $0x6;
	s4 =	sshll.u32 s5, $0x4  }
0x7: {  	s8 =	smul.u32 $0x27800, s5;
	_ =	strace $0x80000059;
	s10 =	ssub.s32 $0x2, s5  }
0x8: {  	s5 =	sadd.s32 $0xDA00, s6;
	s4 =	sor.u32 s1, s4;
	s30 =	sshrl.u32 s10, $0x1  }
0x9: {  	s12 =	sadd.s32 s7, s2;
	s9 =	smul.u32 $0x4F0, s4;
	s8 =	sadd.s32 s7, s8  }
0xa: {  	s4 =	sadd.s32 $0xE000, s6;
	s10 =	ssub.s32 s10, s30;
	s8 =	sshrl.u32 s8, $0x3  }
0xb: {  	s10 =	smax.u32 s10, $0x1;
	s9 =	sadd.s32 s9, s6;
	s11 =	sadd.s32 s8, s6  }
0xc: {  	s6 =	sor.u32 $0x1C02, s31;
	s7 =	sadd.s32 $0x17E00, s9;
	s8 =	sadd.s32 $0x3C00, s9  }
0xd: {  	s9 =	sadd.s32 $0x70C00, s11;
	s11 =	sshrl.u32 s12, $0x3;
	s12 =	simm.s32 $0x2  }
.LBB2_1:
0xe: {  	[spmem:s11], [sflag:s6] =	dma.local [hbm:s5], $0x4F0  }
0xf: {  	_ =	swait.ge [sflag:s12], $0x4F0  }
0x10: {  	[sflag:s12] =	ssyncset.done $0x0  }
0x11: {  	[sflag:s12] =	ssyncadd.s32 $0xFFFFFB10  }
0x12: {  	[tilespmem:s3], [sflag:$0x2] =	stream.linear.gather [hbm4b:s7+s3], $0x2780, $0x38;
	[tilespmem:$0x7E80] =	vst v63  }
0x13: {  	_ =	swait.ge [sflag:s12], $0x2780  }
0x14: {  	[sflag:s12] =	ssyncset.done $0x0  }
0x15: {  	[sflag:s12] =	ssyncadd.s32 $0xFFFFD880  }
0x16: {  	[tilespmem:s13], [sflag:$0x2] =	stream.linear.gather [hbm4b:s8+s3], $0x2780, $0x38;
	[tilespmem:$0x7E80] =	vst v63  }
0x17: {  	_ =	swait.ge [sflag:s12], $0x2780  }
0x18: {  	[sflag:s12] =	ssyncset.done $0x0  }
0x19: {  	[sflag:s12] =	ssyncadd.s32 $0xFFFFD880  }
0x1a: {  	s18 =	simm.s32 $0x0;
	[bflag:$0x0] =	sbarrier.arrive $0xFFFF  }
0x1b: {  	[tilespmem:s15], [sflag:$0x1] =	stream.indirect.gather [hbm4b:s4+s14], $0x10, s18, s14, $0xb8;
	[tilespmem:$0x7E80] =	vst v63  }
0x1c: {  	_ =	swait.ge [sflag:s16], $0x800  }
0x1d: {  	[sflag:s16] =	ssyncset.done $0x0  }
0x1e: {  	s31 =	simm.s32 $0x2780;
	[sflag:s16] =	ssyncadd.s32 $0xFFFFF800  }
0x1f: {  	[spmem:s2] =	stream.indirect.scatter.add.f32 [tilespmem:s15], [sflag:$0x2], $0x10, s31, s14, $0xb8;
	[tilespmem:$0x7E80] =	vst v63  }
0x20: {  	_ =	swait.ge [sflag:s12], $0x800  }
0x21: {  	s19 =	simm.s32 $0x400;
	s18 =	simm.s32 $0x200;
	[sflag:s12] =	ssyncset.done $0x0  }
.LBB2_2:
0x22: {  	s20 =	sshra.s32 s18, $0x2  }
0x23: {  	[sflag:s12] =	ssyncadd.s32 $0xFFFFF800;
	s18 =	smov.u32 s19;
	s21 =	sadd.s32 $0x200, s19  }
0x24: {  	[tilespmem:s15], [sflag:$0x1] =	stream.indirect.gather [hbm4b:s4+s14], $0x10, s20, s14, $0xb8;
	[tilespmem:$0x7E80] =	vst v63  }
0x25: {  	p0 =	sne.s32 s19, $0x9C00;
	_ =	swait.ge [sflag:s16], $0x800  }
.Ltmp0:
0x26: {  	[sflag:s16] =	ssyncset.done $0x0;
	(pc) =	sbr.rel @p0 .LBB2_2-.Ltmp0, $4  }
0x27: {  	s19 =	sadd.s32 $0x2780, s20;
	[sflag:s16] =	ssyncadd.s32 $0xFFFFF800  }
0x28: {  	[spmem:s2] =	stream.indirect.scatter.add.f32 [tilespmem:s15], [sflag:$0x2], $0x10, s19, s14, $0xb8;
	[tilespmem:$0x7E80] =	vst v63  }
0x29: {  	_ =	swait.ge [sflag:s12], $0x800  }
0x2a: {  	s19 =	smov.u32 s21;
	[sflag:s12] =	ssyncset.done $0x0  }
0x2b: {  	s18 =	sshra.s32 s18, $0x2;
	[sflag:s12] =	ssyncadd.s32 $0xFFFFF800  }
0x2c: {  	[tilespmem:s15], [sflag:$0x1] =	stream.indirect.gather [hbm4b:s4+s14], $0x10, s18, s14, $0xb8;
	[tilespmem:$0x7E80] =	vst v63  }
0x2d: {  	_ =	swait.ge [sflag:s16], $0x800  }
0x2e: {  	[sflag:s16] =	ssyncset.done $0x0  }
0x2f: {  	s18 =	sadd.s32 $0x2780, s18;
	[sflag:s16] =	ssyncadd.s32 $0xFFFFF800  }
0x30: {  	[spmem:s2] =	stream.indirect.scatter.add.f32 [tilespmem:s15], [sflag:$0x2], $0x10, s18, s14, $0xb8;
	[tilespmem:$0x7E80] =	vst v63  }
0x31: {  	_ =	swait.ge [sflag:s12], $0x800  }
0x32: {  	s17 =	sadd.s32 $0x1, s17;
	[sflag:s12] =	ssyncset.done $0x0  }
0x33: {  	p0 =	sne.s32 s17, s10;
	[sflag:s12] =	ssyncadd.s32 $0xFFFFF800  }
.Ltmp1:
0x34: {  	[bflag:$0x0] =	sbarrier.arrive $0xFFFF;
	(pc) =	sbr.rel @p0 .LBB2_1-.Ltmp1, $4  }
0x35: {  	[hbm:s9], [sflag:s6] =	dma.local [spmem:s11], $0x4F0  }
0x36: {  	_ =	swait.ge [sflag:s12], $0x4F0  }
0x37: {  	[sflag:s12] =	ssyncset.done $0x0  }
0x38: {  	[sflag:s12] =	ssyncadd.s32 $0xFFFFFB10  }
0x39: {  	_ =	sfence.sel $0x180000  }
0x3a: {  	[bflag:$0x0] =	sbarrier.arrive $0xFFFF  }
0x3b: {  	p0 =	sne.s32 s1, $0x0;
	_ =	strace $0x90000059  }
0x3c: {  	s0 =	sadd.s32 @!p0 $0x100000, s0;
	[bflag:$0x2] =	sbarrier.arrive $0xFFFF  }
0x3d: {  	[sflag:s0] =	ssyncadd.tile.s32 @!p0 $0x1;
	_ =	shalt  }
.Lfunc_end2:
_tile_overlayer_lowered:
.L_overlay_start_2:
0x3e: {  	(tag) =	ssettag $0x2  }
0x3f: {  	s0 =	rddreg [dreg:$0x0];
	s2 =	stileid.u32  }
0x40: {  	s1 =	rddreg [dreg:$0x1];
	p0 =	sne.s32 s2, $0x0  }
0x41: {  	s3 =	rddreg [dreg:$0x2];
	[bflag:$0x3] =	sbarrier.arrive $0xFFFF;
	s2 =	simm.s32 @!p0 $0x1C02  }
0x42: {  	[timem:s3], [sflag:s2] =	dma.local @!p0 [hbm:s0], s1  }
0x43: {  	s0 =	simm.s32 @!p0 $0x2  }
0x44: {  	_ =	swait.ge @!p0 [sflag:s0], s1  }
0x45: {  	s1 =	ssub.s32 @!p0 $0x0, s1;
	[sflag:s0] =	ssyncset.done @!p0 $0x0  }
0x46: {  	[sflag:s0] =	ssyncadd.s32 @!p0 s1  }
0x47: {  	[bflag:$0x3] =	sbarrier.arrive $0xFFFF  }
0x48: {  	_ =	shalt  }

</sc_bundles>
